<compile_context>
chip_gen: v7x
topology: tpu7x:2x2x1
jax: 0.10.2.dev20260603
libtpu: 0.0.44.dev20260713+nightly
codegen_flags: <defaults>
</compile_context>

<pallas_src>
import functools

import jax
import jax.numpy as jnp
from jax import lax
from jax.experimental import pallas as pl
from jax.experimental.pallas import tpu as pltpu
from jax.experimental.pallas import tpu_sc as plsc

N = 10000
E = 320000
D_IN = 128
D_HID = 64
NG = 16
NC = 2
NS = 16
NW = NC * NS
CH = 256
NCH = 40
EPAD = NW * NCH * CH
NP = N + 128
RPT = 624
TAIL = N - RPT * NS


def _sliced_copy(src_ref, dst_ref, s):
    pltpu.sync_copy(src_ref.at[pl.ds(s * RPT, RPT)],
                    dst_ref.at[pl.ds(s * RPT, RPT)])

    @pl.when(s == NS - 1)
    def _():
        pltpu.sync_copy(src_ref.at[pl.ds(RPT * NS, TAIL)],
                        dst_ref.at[pl.ds(RPT * NS, TAIL)])

@functools.cache
def _mesh():
    return plsc.VectorSubcoreMesh(core_axis_name="c", subcore_axis_name="s",
                                  num_cores=NC, num_subcores=NS)


def _deg_body(dst_hbm, ones_hbm, zeros_hbm, out_hbm, idx_v, ones_v, acc_sh,
              sem):
    c = lax.axis_index("c")
    s = lax.axis_index("s")
    wid = c * NS + s
    _sliced_copy(zeros_hbm, acc_sh, s)
    pltpu.sync_copy(ones_hbm, ones_v)
    pltpu.sync_copy(dst_hbm.at[wid], idx_v)
    plsc.subcore_barrier()

    @pl.loop(0, NCH)
    def _(j):
        pltpu.sync_copy(ones_v, acc_sh.at[idx_v.at[j]], add=True)

    plsc.subcore_barrier()
    _sliced_copy(acc_sh, out_hbm.at[c], s)


@functools.cache
def _deg_call():
    return pl.kernel(
        _deg_body,
        out_type=jax.ShapeDtypeStruct((NC, N, 16), jnp.float32),
        mesh=_mesh(),
        scratch_types=[
            pltpu.VMEM((NCH, CH), jnp.int32),
            pltpu.VMEM((CH, 16), jnp.float32),
            pltpu.VMEM_SHARED((NP, 16), jnp.float32),
            pltpu.SemaphoreType.DMA,
        ],
        compiler_params=pltpu.CompilerParams(use_tc_tiling_on_sc=False),
    )


def _agg_body(h_hbm, src_hbm, dst_hbm, zeros_hbm, out_hbm, sidx_v, didx_v,
              rows0_v, rows1_v, rows2_v, rows3_v, acc_sh,
              sem0, sem1, sem2, sem3):
    c = lax.axis_index("c")
    s = lax.axis_index("s")
    wid = c * NS + s

    @pl.when(c == 0)
    def _():
        _sliced_copy(h_hbm, acc_sh, s)

    @pl.when(c != 0)
    def _():
        _sliced_copy(zeros_hbm, acc_sh, s)

    pltpu.sync_copy(src_hbm.at[wid], sidx_v)
    pltpu.sync_copy(dst_hbm.at[wid], didx_v)
    plsc.subcore_barrier()

    bufs = (rows0_v, rows1_v, rows2_v, rows3_v)
    sems = (sem0, sem1, sem2, sem3)

    def issue(k, b):
        pltpu.async_copy(h_hbm.at[sidx_v.at[k]], bufs[b], sems[b])

    def drain_scatter(k, b):
        pltpu.make_async_copy(h_hbm.at[sidx_v.at[k]], bufs[b],
                              sems[b]).wait()
        pltpu.sync_copy(bufs[b], acc_sh.at[didx_v.at[k]], add=True)

    issue(0, 0)
    issue(1, 1)
    issue(2, 2)

    @pl.loop(0, NCH - 4, step=4)
    def _(j):
        issue(j + 3, 3)
        drain_scatter(j, 0)
        issue(j + 4, 0)
        drain_scatter(j + 1, 1)
        issue(j + 5, 1)
        drain_scatter(j + 2, 2)
        issue(j + 6, 2)
        drain_scatter(j + 3, 3)

    issue(NCH - 1, 3)
    drain_scatter(NCH - 4, 0)
    drain_scatter(NCH - 3, 1)
    drain_scatter(NCH - 2, 2)
    drain_scatter(NCH - 1, 3)

    plsc.subcore_barrier()
    _sliced_copy(acc_sh, out_hbm.at[c], s)


@functools.cache
def _agg_call():
    return pl.kernel(
        _agg_body,
        out_type=jax.ShapeDtypeStruct((NC, N, D_HID), jnp.float32),
        mesh=_mesh(),
        scratch_types=[
            pltpu.VMEM((NCH, CH), jnp.int32),
            pltpu.VMEM((NCH, CH), jnp.int32),
            pltpu.VMEM((CH, D_HID), jnp.float32),
            pltpu.VMEM((CH, D_HID), jnp.float32),
            pltpu.VMEM((CH, D_HID), jnp.float32),
            pltpu.VMEM((CH, D_HID), jnp.float32),
            pltpu.VMEM_SHARED((NP, D_HID), jnp.float32),
            pltpu.SemaphoreType.DMA,
            pltpu.SemaphoreType.DMA,
            pltpu.SemaphoreType.DMA,
            pltpu.SemaphoreType.DMA,
        ],
        compiler_params=pltpu.CompilerParams(use_tc_tiling_on_sc=False),
    )


def _dinv(d0_ref, d1_ref):
    deg = d0_ref[:, 0:1] + d1_ref[:, 0:1] + 1.0
    return lax.rsqrt(jnp.maximum(deg, 1.0))


def _p1_body(x_ref, w_ref, d0_ref, d1_ref, o_ref):
    dinv = _dinv(d0_ref, d1_ref)
    o_ref[...] = jnp.dot(x_ref[...], w_ref[...],
                         preferred_element_type=jnp.float32) * dinv


_p1_call = pl.pallas_call(
    _p1_body,
    out_shape=jax.ShapeDtypeStruct((N, D_HID), jnp.float32),
)


def _fuse_body(p_ref, w_ref, b_ref, d0_ref, d1_ref, o_ref):
    dinv = _dinv(d0_ref, d1_ref)
    h = jnp.maximum(dinv * (p_ref[0] + p_ref[1]) + b_ref[...], 0.0)
    o_ref[...] = jnp.dot(h, w_ref[...],
                         preferred_element_type=jnp.float32) * dinv


_fuse_call = pl.pallas_call(
    _fuse_body,
    out_shape=jax.ShapeDtypeStruct((N, D_HID), jnp.float32),
)


def _final_body(p_ref, b3_ref, d0_ref, d1_ref, batch_ref, wl1_ref, bl1_ref,
                wl2_ref, bl2_ref, o_ref):
    dinv = _dinv(d0_ref, d1_ref)
    h = jnp.maximum(dinv * (p_ref[0] + p_ref[1]) + b3_ref[...], 0.0)
    ids = batch_ref[...]
    gids = lax.broadcasted_iota(jnp.int32, (1, NG), 1)
    oh = (ids == gids).astype(jnp.float32)
    sums = lax.dot_general(oh, h, (((0,), (0,)), ((), ())),
                           preferred_element_type=jnp.float32)
    counts = jnp.sum(oh, axis=0)[:, None]
    pooled = sums / jnp.maximum(counts, 1.0)
    z = jnp.maximum(
        jnp.dot(pooled, wl1_ref[...], preferred_element_type=jnp.float32)
        + bl1_ref[...], 0.0)
    o_ref[...] = (jnp.dot(z, wl2_ref[...], preferred_element_type=jnp.float32)
                  + bl2_ref[...])


_final_call = pl.pallas_call(
    _final_body,
    out_shape=jax.ShapeDtypeStruct((NG, 1), jnp.float32),
)


@jax.jit
def kernel(x, edge_index, batch, W1, b1, W2, b2, W3, b3, Wl1, bl1, Wl2, bl2):
    ppt = (EPAD - E) // NW
    psrc = jnp.broadcast_to(jnp.arange(ppt, dtype=jnp.int32)[None],
                            (NW, ppt))
    pdst = N + (psrc % 128)
    src = jnp.concatenate(
        [edge_index[0].reshape(NW, E // NW), psrc], axis=1
    ).reshape(NW, NCH, CH)
    dst = jnp.concatenate(
        [edge_index[1].reshape(NW, E // NW), pdst], axis=1
    ).reshape(NW, NCH, CH)
    zeros64 = jnp.zeros((N, D_HID), jnp.float32)
    zeros16 = jnp.zeros((N, 16), jnp.float32)
    ones16 = jnp.ones((CH, 16), jnp.float32)

    degp = _deg_call()(dst, ones16, zeros16)
    d0 = degp[0]
    d1 = degp[1]

    h1t = _p1_call(x, W1, d0, d1)
    p = _agg_call()(h1t, src, dst, zeros64)
    h2t = _fuse_call(p, W2, b1[None, :], d0, d1)
    p = _agg_call()(h2t, src, dst, zeros64)
    h3t = _fuse_call(p, W3, b2[None, :], d0, d1)
    p = _agg_call()(h3t, src, dst, zeros64)
    out = _final_call(p, b3[None, :], d0, d1, batch[:, None],
                      Wl1, bl1[None, :], Wl2, bl2[None, :])
    return out

# --- scband reference (transcript-rebuilt; emitter-appended) ---
"""Pipeline reference for scband-gcnregressor-35966056137051 (READ-ONLY COPY).

The authoritative reference and input builder live on the scoring server;
editing this copy changes nothing except your own understanding.
"""

import jax, jax.numpy as jnp
import numpy as np

N_NODES = 10000
N_EDGES = 320000
D_IN = 128
D_HID = 64
NUM_GRAPHS = 16


def gcn_conv(x, edge_index, W, b):
    # PyG-style GCNConv: add self-loops, symmetric normalization, scatter-add aggregation
    n = x.shape[0]
    src = edge_index[0]
    dst = edge_index[1]
    loop = jnp.arange(n, dtype=src.dtype)
    src = jnp.concatenate([src, loop])
    dst = jnp.concatenate([dst, loop])
    h = x @ W
    deg = jnp.zeros((n,), x.dtype).at[dst].add(1.0)
    dinv = jax.lax.rsqrt(jnp.clip(deg, 1.0, None))
    norm = dinv[src] * dinv[dst]
    msg = h[src] * norm[:, None]
    out = jnp.zeros((n, W.shape[1]), x.dtype).at[dst].add(msg)
    return out + b


def setup_inputs(seed: int = 0):
    key = jax.random.key(seed)
    ks = jax.random.split(key, 13)
    x = jax.random.normal(ks[0], (N_NODES, D_IN), jnp.float32)
    edge_index = jax.random.randint(ks[1], (2, N_EDGES), 0, N_NODES, jnp.int32)
    batch = jnp.sort(jax.random.randint(ks[2], (N_NODES,), 0, NUM_GRAPHS, jnp.int32))
    s = 0.1
    W1 = jax.random.normal(ks[3], (D_IN, D_HID), jnp.float32) * s
    b1 = jnp.zeros((D_HID,), jnp.float32)
    W2 = jax.random.normal(ks[4], (D_HID, D_HID), jnp.float32) * s
    b2 = jnp.zeros((D_HID,), jnp.float32)
    W3 = jax.random.normal(ks[5], (D_HID, D_HID), jnp.float32) * s
    b3 = jnp.zeros((D_HID,), jnp.float32)
    Wl1 = jax.random.normal(ks[6], (D_HID, 32), jnp.float32) * s
    bl1 = jnp.zeros((32,), jnp.float32)
    Wl2 = jax.random.normal(ks[7], (32, 1), jnp.float32) * s
    bl2 = jnp.zeros((1,), jnp.float32)
    return {"x": x, "edge_index": edge_index, "batch": batch,
            "W1": W1, "b1": b1, "W2": W2, "b2": b2, "W3": W3, "b3": b3,
            "Wl1": Wl1, "bl1": bl1, "Wl2": Wl2, "bl2": bl2}


def reference(x, edge_index, batch, W1, b1, W2, b2, W3, b3, Wl1, bl1, Wl2, bl2):
    h = jax.nn.relu(gcn_conv(x, edge_index, W1, b1))
    h = jax.nn.relu(gcn_conv(h, edge_index, W2, b2))
    h = jax.nn.relu(gcn_conv(h, edge_index, W3, b3))
    # global_mean_pool over batch assignment
    sums = jax.ops.segment_sum(h, batch, num_segments=NUM_GRAPHS)
    counts = jax.ops.segment_sum(jnp.ones((h.shape[0],), h.dtype), batch, num_segments=NUM_GRAPHS)
    pooled = sums / jnp.clip(counts, 1.0, None)[:, None]
    out = jax.nn.relu(pooled @ Wl1 + bl1)
    # dropout p=0.0 -> identity
    out = out @ Wl2 + bl2
    return out

if __name__ == "__main__":
    import jax
    _d = setup_inputs()
    print(jax.jit(kernel)(*tuple(_d.values())))

</pallas_src>

<mosaic_0001>
#map = affine_map<(d0, d1) -> (0, 0)>
#map1 = affine_map<(d0, d1) -> (0, 0, 0)>
module attributes {stable_mosaic.version = 14 : i64} {
  func.func @_agg_body(%arg0: i32, %arg1: i32, %arg2: memref<10000x64xf32, #tpu.memory_space<hbm>>, %arg3: memref<32x40x256xi32, #tpu.memory_space<hbm>>, %arg4: memref<32x40x256xi32, #tpu.memory_space<hbm>>, %arg5: memref<10000x64xf32, #tpu.memory_space<hbm>>, %arg6: memref<2x10000x64xf32, #tpu.memory_space<hbm>>, %arg7: memref<40x256xi32, #tpu.memory_space<vmem>>, %arg8: memref<40x256xi32, #tpu.memory_space<vmem>>, %arg9: memref<256x64xf32, #tpu.memory_space<vmem>>, %arg10: memref<256x64xf32, #tpu.memory_space<vmem>>, %arg11: memref<256x64xf32, #tpu.memory_space<vmem>>, %arg12: memref<256x64xf32, #tpu.memory_space<vmem>>, %arg13: memref<10128x64xf32, #tpu.memory_space<vmem_shared>>, %arg14: memref<!tpu.dma_semaphore, #tpu.memory_space<semaphore_mem>>, %arg15: memref<!tpu.dma_semaphore, #tpu.memory_space<semaphore_mem>>, %arg16: memref<!tpu.dma_semaphore, #tpu.memory_space<semaphore_mem>>, %arg17: memref<!tpu.dma_semaphore, #tpu.memory_space<semaphore_mem>>) attributes {dimension_semantics = [#tpu.dimension_semantics<core_parallel>, #tpu.dimension_semantics<subcore_parallel>], iteration_bounds = array<i64: 2, 16>, scalar_prefetch = 0 : i64, scratch_operands = 11 : i64, tpu.core_type = #tpu.core_type<sc_vector_subcore>, window_params = [{transform_indices = #map}, {transform_indices = #map1}, {transform_indices = #map1}, {transform_indices = #map}, {transform_indices = #map1}]} {
    %mul3A = arith.constant 16 : i32
    %mul3A_0 = arith.muli %arg0, %mul3A : i32
    %add3A = arith.addi %mul3A_0, %arg1 : i32
    %eq3A = arith.constant 0 : i32
    %eq3A_1 = arith.cmpi eq, %arg0, %eq3A : i32
    %convert_element_type3A = arith.extui %eq3A_1 : i1 to i32
    %cond3A = arith.constant 0 : i32
    %cond3A_2 = arith.cmpi ne, %convert_element_type3A, %cond3A : i32
    scf.if %cond3A_2 {
      %mul3A_78 = arith.constant 624 : i32
      %mul3A_79 = arith.muli %arg1, %mul3A_78 : i32
      %mul3A_80 = arith.constant 624 : i32
      %mul3A_81 = arith.muli %arg1, %mul3A_80 : i32
      "tpu.region"() ({
        %run_scoped3A_87 = tpu.sem_alloc : memref<!tpu.dma_semaphore, #tpu.memory_space<semaphore_mem>>
        %dma_start3A_88 = arith.constant 0 : i32
        %dma_start3A_89 = tpu.memref_slice %arg13[%mul3A_81, %dma_start3A_88] : memref<10128x64xf32, #tpu.memory_space<vmem_shared>> -> memref<624x64xf32, #tpu.memory_space<vmem_shared>>
        %dma_start3A_90 = arith.constant 0 : i32
        %dma_start3A_91 = tpu.memref_slice %arg2[%mul3A_79, %dma_start3A_90] : memref<10000x64xf32, #tpu.memory_space<hbm>> -> memref<624x64xf32, #tpu.memory_space<hbm>>
        tpu.enqueue_dma source(%dma_start3A_91 : memref<624x64xf32, #tpu.memory_space<hbm>>) target(%dma_start3A_89 : memref<624x64xf32, #tpu.memory_space<vmem_shared>>) target_semaphore(%run_scoped3A_87 : memref<!tpu.dma_semaphore, #tpu.memory_space<semaphore_mem>>)
        %dma_wait3A_92 = arith.constant 0 : i32
        %dma_wait3A_93 = tpu.memref_slice %arg13[%mul3A_81, %dma_wait3A_92] : memref<10128x64xf32, #tpu.memory_space<vmem_shared>> -> memref<624x64xf32, #tpu.memory_space<vmem_shared>>
        %dma_wait3A_94 = arith.constant 0 : i32
        %dma_wait3A_95 = tpu.memref_slice %arg2[%mul3A_79, %dma_wait3A_94] : memref<10000x64xf32, #tpu.memory_space<hbm>> -> memref<624x64xf32, #tpu.memory_space<hbm>>
        tpu.wait_dma2 semaphore(%run_scoped3A_87 : memref<!tpu.dma_semaphore, #tpu.memory_space<semaphore_mem>>) src(%dma_wait3A_95 : memref<624x64xf32, #tpu.memory_space<hbm>>) dst(%dma_wait3A_93 : memref<624x64xf32, #tpu.memory_space<vmem_shared>>)
        tpu.yield
      }) : () -> ()
      %eq3A_82 = arith.constant 15 : i32
      %eq3A_83 = arith.cmpi eq, %arg1, %eq3A_82 : i32
      %convert_element_type3A_84 = arith.extui %eq3A_83 : i1 to i32
      %cond3A_85 = arith.constant 0 : i32
      %cond3A_86 = arith.cmpi ne, %convert_element_type3A_84, %cond3A_85 : i32
      scf.if %cond3A_86 {
        "tpu.region"() ({
          %run_scoped3A_87 = tpu.sem_alloc : memref<!tpu.dma_semaphore, #tpu.memory_space<semaphore_mem>>
          %dma_start3A_88 = arith.constant 9984 : i32
          %dma_start3A_89 = arith.constant 0 : i32
          %dma_start3A_90 = tpu.memref_slice %arg13[%dma_start3A_88, %dma_start3A_89] : memref<10128x64xf32, #tpu.memory_space<vmem_shared>> -> memref<16x64xf32, #tpu.memory_space<vmem_shared>>
          %dma_start3A_91 = arith.constant 9984 : i32
          %dma_start3A_92 = arith.constant 0 : i32
          %dma_start3A_93 = tpu.memref_slice %arg2[%dma_start3A_91, %dma_start3A_92] : memref<10000x64xf32, #tpu.memory_space<hbm>> -> memref<16x64xf32, #tpu.memory_space<hbm>>
          tpu.enqueue_dma source(%dma_start3A_93 : memref<16x64xf32, #tpu.memory_space<hbm>>) target(%dma_start3A_90 : memref<16x64xf32, #tpu.memory_space<vmem_shared>>) target_semaphore(%run_scoped3A_87 : memref<!tpu.dma_semaphore, #tpu.memory_space<semaphore_mem>>)
          %dma_wait3A_94 = arith.constant 9984 : i32
          %dma_wait3A_95 = arith.constant 0 : i32
          %dma_wait3A_96 = tpu.memref_slice %arg13[%dma_wait3A_94, %dma_wait3A_95] : memref<10128x64xf32, #tpu.memory_space<vmem_shared>> -> memref<16x64xf32, #tpu.memory_space<vmem_shared>>
          %dma_wait3A_97 = arith.constant 9984 : i32
          %dma_wait3A_98 = arith.constant 0 : i32
          %dma_wait3A_99 = tpu.memref_slice %arg2[%dma_wait3A_97, %dma_wait3A_98] : memref<10000x64xf32, #tpu.memory_space<hbm>> -> memref<16x64xf32, #tpu.memory_space<hbm>>
          tpu.wait_dma2 semaphore(%run_scoped3A_87 : memref<!tpu.dma_semaphore, #tpu.memory_space<semaphore_mem>>) src(%dma_wait3A_99 : memref<16x64xf32, #tpu.memory_space<hbm>>) dst(%dma_wait3A_96 : memref<16x64xf32, #tpu.memory_space<vmem_shared>>)
          tpu.yield
        }) : () -> ()
      } else {
      }
    } else {
    }
    %ne3A = arith.constant 0 : i32
    %ne3A_3 = arith.cmpi ne, %arg0, %ne3A : i32
    %convert_element_type3A_4 = arith.extui %ne3A_3 : i1 to i32
    %cond3A_5 = arith.constant 0 : i32
    %cond3A_6 = arith.cmpi ne, %convert_element_type3A_4, %cond3A_5 : i32
    scf.if %cond3A_6 {
      %mul3A_78 = arith.constant 624 : i32
      %mul3A_79 = arith.muli %arg1, %mul3A_78 : i32
      %mul3A_80 = arith.constant 624 : i32
      %mul3A_81 = arith.muli %arg1, %mul3A_80 : i32
      "tpu.region"() ({
        %run_scoped3A_87 = tpu.sem_alloc : memref<!tpu.dma_semaphore, #tpu.memory_space<semaphore_mem>>
        %dma_start3A_88 = arith.constant 0 : i32
        %dma_start3A_89 = tpu.memref_slice %arg13[%mul3A_81, %dma_start3A_88] : memref<10128x64xf32, #tpu.memory_space<vmem_shared>> -> memref<624x64xf32, #tpu.memory_space<vmem_shared>>
        %dma_start3A_90 = arith.constant 0 : i32
        %dma_start3A_91 = tpu.memref_slice %arg5[%mul3A_79, %dma_start3A_90] : memref<10000x64xf32, #tpu.memory_space<hbm>> -> memref<624x64xf32, #tpu.memory_space<hbm>>
        tpu.enqueue_dma source(%dma_start3A_91 : memref<624x64xf32, #tpu.memory_space<hbm>>) target(%dma_start3A_89 : memref<624x64xf32, #tpu.memory_space<vmem_shared>>) target_semaphore(%run_scoped3A_87 : memref<!tpu.dma_semaphore, #tpu.memory_space<semaphore_mem>>)
        %dma_wait3A_92 = arith.constant 0 : i32
        %dma_wait3A_93 = tpu.memref_slice %arg13[%mul3A_81, %dma_wait3A_92] : memref<10128x64xf32, #tpu.memory_space<vmem_shared>> -> memref<624x64xf32, #tpu.memory_space<vmem_shared>>
        %dma_wait3A_94 = arith.constant 0 : i32
        %dma_wait3A_95 = tpu.memref_slice %arg5[%mul3A_79, %dma_wait3A_94] : memref<10000x64xf32, #tpu.memory_space<hbm>> -> memref<624x64xf32, #tpu.memory_space<hbm>>
        tpu.wait_dma2 semaphore(%run_scoped3A_87 : memref<!tpu.dma_semaphore, #tpu.memory_space<semaphore_mem>>) src(%dma_wait3A_95 : memref<624x64xf32, #tpu.memory_space<hbm>>) dst(%dma_wait3A_93 : memref<624x64xf32, #tpu.memory_space<vmem_shared>>)
        tpu.yield
      }) : () -> ()
      %eq3A_82 = arith.constant 15 : i32
      %eq3A_83 = arith.cmpi eq, %arg1, %eq3A_82 : i32
      %convert_element_type3A_84 = arith.extui %eq3A_83 : i1 to i32
      %cond3A_85 = arith.constant 0 : i32
      %cond3A_86 = arith.cmpi ne, %convert_element_type3A_84, %cond3A_85 : i32
      scf.if %cond3A_86 {
        "tpu.region"() ({
          %run_scoped3A_87 = tpu.sem_alloc : memref<!tpu.dma_semaphore, #tpu.memory_space<semaphore_mem>>
          %dma_start3A_88 = arith.constant 9984 : i32
          %dma_start3A_89 = arith.constant 0 : i32
          %dma_start3A_90 = tpu.memref_slice %arg13[%dma_start3A_88, %dma_start3A_89] : memref<10128x64xf32, #tpu.memory_space<vmem_shared>> -> memref<16x64xf32, #tpu.memory_space<vmem_shared>>
          %dma_start3A_91 = arith.constant 9984 : i32
          %dma_start3A_92 = arith.constant 0 : i32
          %dma_start3A_93 = tpu.memref_slice %arg5[%dma_start3A_91, %dma_start3A_92] : memref<10000x64xf32, #tpu.memory_space<hbm>> -> memref<16x64xf32, #tpu.memory_space<hbm>>
          tpu.enqueue_dma source(%dma_start3A_93 : memref<16x64xf32, #tpu.memory_space<hbm>>) target(%dma_start3A_90 : memref<16x64xf32, #tpu.memory_space<vmem_shared>>) target_semaphore(%run_scoped3A_87 : memref<!tpu.dma_semaphore, #tpu.memory_space<semaphore_mem>>)
          %dma_wait3A_94 = arith.constant 9984 : i32
          %dma_wait3A_95 = arith.constant 0 : i32
          %dma_wait3A_96 = tpu.memref_slice %arg13[%dma_wait3A_94, %dma_wait3A_95] : memref<10128x64xf32, #tpu.memory_space<vmem_shared>> -> memref<16x64xf32, #tpu.memory_space<vmem_shared>>
          %dma_wait3A_97 = arith.constant 9984 : i32
          %dma_wait3A_98 = arith.constant 0 : i32
          %dma_wait3A_99 = tpu.memref_slice %arg5[%dma_wait3A_97, %dma_wait3A_98] : memref<10000x64xf32, #tpu.memory_space<hbm>> -> memref<16x64xf32, #tpu.memory_space<hbm>>
          tpu.wait_dma2 semaphore(%run_scoped3A_87 : memref<!tpu.dma_semaphore, #tpu.memory_space<semaphore_mem>>) src(%dma_wait3A_99 : memref<16x64xf32, #tpu.memory_space<hbm>>) dst(%dma_wait3A_96 : memref<16x64xf32, #tpu.memory_space<vmem_shared>>)
          tpu.yield
        }) : () -> ()
      } else {
      }
    } else {
    }
    "tpu.region"() ({
      %run_scoped3A_78 = tpu.sem_alloc : memref<!tpu.dma_semaphore, #tpu.memory_space<semaphore_mem>>
      %dma_start3A_79 = arith.constant 0 : i32
      %dma_start3A_80 = arith.constant 0 : i32
      %dma_start3A_81 = tpu.memref_slice %arg3[%add3A, %dma_start3A_79, %dma_start3A_80] : memref<32x40x256xi32, #tpu.memory_space<hbm>> -> memref<1x40x256xi32, #tpu.memory_space<hbm>>
      %dma_start3A_82 = tpu.memref_squeeze %dma_start3A_81 : memref<1x40x256xi32, #tpu.memory_space<hbm>> -> memref<40x256xi32, #tpu.memory_space<hbm>>
      %dma_start3A_83 = arith.constant 0 : i32
      %dma_start3A_84 = arith.constant 0 : i32
      %dma_start3A_85 = tpu.memref_slice %arg3[%add3A, %dma_start3A_83, %dma_start3A_84] : memref<32x40x256xi32, #tpu.memory_space<hbm>> -> memref<1x40x256xi32, #tpu.memory_space<hbm>>
      %dma_start3A_86 = tpu.memref_squeeze %dma_start3A_85 : memref<1x40x256xi32, #tpu.memory_space<hbm>> -> memref<40x256xi32, #tpu.memory_space<hbm>>
      tpu.enqueue_dma source(%dma_start3A_86 : memref<40x256xi32, #tpu.memory_space<hbm>>) target(%arg7 : memref<40x256xi32, #tpu.memory_space<vmem>>) target_semaphore(%run_scoped3A_78 : memref<!tpu.dma_semaphore, #tpu.memory_space<semaphore_mem>>)
      %dma_wait3A_87 = arith.constant 0 : i32
      %dma_wait3A_88 = arith.constant 0 : i32
      %dma_wait3A_89 = tpu.memref_slice %arg3[%add3A, %dma_wait3A_87, %dma_wait3A_88] : memref<32x40x256xi32, #tpu.memory_space<hbm>> -> memref<1x40x256xi32, #tpu.memory_space<hbm>>
      %dma_wait3A_90 = tpu.memref_squeeze %dma_wait3A_89 : memref<1x40x256xi32, #tpu.memory_space<hbm>> -> memref<40x256xi32, #tpu.memory_space<hbm>>
      %dma_wait3A_91 = arith.constant 0 : i32
      %dma_wait3A_92 = arith.constant 0 : i32
      %dma_wait3A_93 = tpu.memref_slice %arg3[%add3A, %dma_wait3A_91, %dma_wait3A_92] : memref<32x40x256xi32, #tpu.memory_space<hbm>> -> memref<1x40x256xi32, #tpu.memory_space<hbm>>
      %dma_wait3A_94 = tpu.memref_squeeze %dma_wait3A_93 : memref<1x40x256xi32, #tpu.memory_space<hbm>> -> memref<40x256xi32, #tpu.memory_space<hbm>>
      tpu.wait_dma2 semaphore(%run_scoped3A_78 : memref<!tpu.dma_semaphore, #tpu.memory_space<semaphore_mem>>) src(%dma_wait3A_94 : memref<40x256xi32, #tpu.memory_space<hbm>>) dst(%arg7 : memref<40x256xi32, #tpu.memory_space<vmem>>)
      tpu.yield
    }) : () -> ()
    "tpu.region"() ({
      %run_scoped3A_78 = tpu.sem_alloc : memref<!tpu.dma_semaphore, #tpu.memory_space<semaphore_mem>>
      %dma_start3A_79 = arith.constant 0 : i32
      %dma_start3A_80 = arith.constant 0 : i32
      %dma_start3A_81 = tpu.memref_slice %arg4[%add3A, %dma_start3A_79, %dma_start3A_80] : memref<32x40x256xi32, #tpu.memory_space<hbm>> -> memref<1x40x256xi32, #tpu.memory_space<hbm>>
      %dma_start3A_82 = tpu.memref_squeeze %dma_start3A_81 : memref<1x40x256xi32, #tpu.memory_space<hbm>> -> memref<40x256xi32, #tpu.memory_space<hbm>>
      %dma_start3A_83 = arith.constant 0 : i32
      %dma_start3A_84 = arith.constant 0 : i32
      %dma_start3A_85 = tpu.memref_slice %arg4[%add3A, %dma_start3A_83, %dma_start3A_84] : memref<32x40x256xi32, #tpu.memory_space<hbm>> -> memref<1x40x256xi32, #tpu.memory_space<hbm>>
      %dma_start3A_86 = tpu.memref_squeeze %dma_start3A_85 : memref<1x40x256xi32, #tpu.memory_space<hbm>> -> memref<40x256xi32, #tpu.memory_space<hbm>>
      tpu.enqueue_dma source(%dma_start3A_86 : memref<40x256xi32, #tpu.memory_space<hbm>>) target(%arg8 : memref<40x256xi32, #tpu.memory_space<vmem>>) target_semaphore(%run_scoped3A_78 : memref<!tpu.dma_semaphore, #tpu.memory_space<semaphore_mem>>)
      %dma_wait3A_87 = arith.constant 0 : i32
      %dma_wait3A_88 = arith.constant 0 : i32
      %dma_wait3A_89 = tpu.memref_slice %arg4[%add3A, %dma_wait3A_87, %dma_wait3A_88] : memref<32x40x256xi32, #tpu.memory_space<hbm>> -> memref<1x40x256xi32, #tpu.memory_space<hbm>>
      %dma_wait3A_90 = tpu.memref_squeeze %dma_wait3A_89 : memref<1x40x256xi32, #tpu.memory_space<hbm>> -> memref<40x256xi32, #tpu.memory_space<hbm>>
      %dma_wait3A_91 = arith.constant 0 : i32
      %dma_wait3A_92 = arith.constant 0 : i32
      %dma_wait3A_93 = tpu.memref_slice %arg4[%add3A, %dma_wait3A_91, %dma_wait3A_92] : memref<32x40x256xi32, #tpu.memory_space<hbm>> -> memref<1x40x256xi32, #tpu.memory_space<hbm>>
      %dma_wait3A_94 = tpu.memref_squeeze %dma_wait3A_93 : memref<1x40x256xi32, #tpu.memory_space<hbm>> -> memref<40x256xi32, #tpu.memory_space<hbm>>
      tpu.wait_dma2 semaphore(%run_scoped3A_78 : memref<!tpu.dma_semaphore, #tpu.memory_space<semaphore_mem>>) src(%dma_wait3A_94 : memref<40x256xi32, #tpu.memory_space<hbm>>) dst(%arg8 : memref<40x256xi32, #tpu.memory_space<vmem>>)
      tpu.yield
    }) : () -> ()
    %barrier3A = arith.constant 0 : index
    tpu.barrier barrier_id(%barrier3A)
    %dma_start3A = arith.constant 0 : i32
    %dma_start3A_7 = arith.constant 0 : i32
    %dma_start3A_8 = tpu.memref_slice %arg7[%dma_start3A, %dma_start3A_7] : memref<40x256xi32, #tpu.memory_space<vmem>> -> memref<1x256xi32, #tpu.memory_space<vmem>>
    %dma_start3A_9 = tpu.memref_squeeze %dma_start3A_8 : memref<1x256xi32, #tpu.memory_space<vmem>> -> memref<256xi32, #tpu.memory_space<vmem>>
    %dma_start3A_10 = arith.constant 0 : i32
    %dma_start3A_11 = arith.constant 0 : i32
    %dma_start3A_12 = tpu.memref_slice %arg2[%dma_start3A_10, %dma_start3A_11] : memref<10000x64xf32, #tpu.memory_space<hbm>> -> memref<10000x64xf32, #tpu.memory_space<hbm>>
    tpu.enqueue_indirect_dma source(%dma_start3A_12 : memref<10000x64xf32, #tpu.memory_space<hbm>>) target(%arg9 : memref<256x64xf32, #tpu.memory_space<vmem>>) offsets(%dma_start3A_9 : memref<256xi32, #tpu.memory_space<vmem>>) semaphore(%arg14 : memref<!tpu.dma_semaphore, #tpu.memory_space<semaphore_mem>>)
    %dma_start3A_13 = arith.constant 1 : i32
    %dma_start3A_14 = arith.constant 0 : i32
    %dma_start3A_15 = tpu.memref_slice %arg7[%dma_start3A_13, %dma_start3A_14] : memref<40x256xi32, #tpu.memory_space<vmem>> -> memref<1x256xi32, #tpu.memory_space<vmem>>
    %dma_start3A_16 = tpu.memref_squeeze %dma_start3A_15 : memref<1x256xi32, #tpu.memory_space<vmem>> -> memref<256xi32, #tpu.memory_space<vmem>>
    %dma_start3A_17 = arith.constant 0 : i32
    %dma_start3A_18 = arith.constant 0 : i32
    %dma_start3A_19 = tpu.memref_slice %arg2[%dma_start3A_17, %dma_start3A_18] : memref<10000x64xf32, #tpu.memory_space<hbm>> -> memref<10000x64xf32, #tpu.memory_space<hbm>>
    tpu.enqueue_indirect_dma source(%dma_start3A_19 : memref<10000x64xf32, #tpu.memory_space<hbm>>) target(%arg10 : memref<256x64xf32, #tpu.memory_space<vmem>>) offsets(%dma_start3A_16 : memref<256xi32, #tpu.memory_space<vmem>>) semaphore(%arg15 : memref<!tpu.dma_semaphore, #tpu.memory_space<semaphore_mem>>)
    %dma_start3A_20 = arith.constant 2 : i32
    %dma_start3A_21 = arith.constant 0 : i32
    %dma_start3A_22 = tpu.memref_slice %arg7[%dma_start3A_20, %dma_start3A_21] : memref<40x256xi32, #tpu.memory_space<vmem>> -> memref<1x256xi32, #tpu.memory_space<vmem>>
    %dma_start3A_23 = tpu.memref_squeeze %dma_start3A_22 : memref<1x256xi32, #tpu.memory_space<vmem>> -> memref<256xi32, #tpu.memory_space<vmem>>
    %dma_start3A_24 = arith.constant 0 : i32
    %dma_start3A_25 = arith.constant 0 : i32
    %dma_start3A_26 = tpu.memref_slice %arg2[%dma_start3A_24, %dma_start3A_25] : memref<10000x64xf32, #tpu.memory_space<hbm>> -> memref<10000x64xf32, #tpu.memory_space<hbm>>
    tpu.enqueue_indirect_dma source(%dma_start3A_26 : memref<10000x64xf32, #tpu.memory_space<hbm>>) target(%arg11 : memref<256x64xf32, #tpu.memory_space<vmem>>) offsets(%dma_start3A_23 : memref<256xi32, #tpu.memory_space<vmem>>) semaphore(%arg16 : memref<!tpu.dma_semaphore, #tpu.memory_space<semaphore_mem>>)
    %scan3A = arith.constant 0 : i32
    %scan3A_27 = arith.constant 9 : i32
    %scan3A_28 = arith.addi %scan3A, %scan3A_27 : i32
    %scan3A_29 = arith.constant 1 : i32
    scf.for %scan3A_78 = %scan3A to %scan3A_28 step %scan3A_29  : i32 {
      %mul3A_79 = arith.constant 4 : i32
      %mul3A_80 = arith.muli %scan3A_78, %mul3A_79 : i32
      %add3A_81 = arith.constant 0 : i32
      %add3A_82 = arith.addi %add3A_81, %mul3A_80 : i32
      %add3A_83 = arith.constant 3 : i32
      %add3A_84 = arith.addi %add3A_82, %add3A_83 : i32
      %dma_start3A_85 = arith.constant 0 : i32
      %dma_start3A_86 = tpu.memref_slice %arg7[%add3A_84, %dma_start3A_85] : memref<40x256xi32, #tpu.memory_space<vmem>> -> memref<1x256xi32, #tpu.memory_space<vmem>>
      %dma_start3A_87 = tpu.memref_squeeze %dma_start3A_86 : memref<1x256xi32, #tpu.memory_space<vmem>> -> memref<256xi32, #tpu.memory_space<vmem>>
      %dma_start3A_88 = arith.constant 0 : i32
      %dma_start3A_89 = arith.constant 0 : i32
      %dma_start3A_90 = tpu.memref_slice %arg2[%dma_start3A_88, %dma_start3A_89] : memref<10000x64xf32, #tpu.memory_space<hbm>> -> memref<10000x64xf32, #tpu.memory_space<hbm>>
      tpu.enqueue_indirect_dma source(%dma_start3A_90 : memref<10000x64xf32, #tpu.memory_space<hbm>>) target(%arg12 : memref<256x64xf32, #tpu.memory_space<vmem>>) offsets(%dma_start3A_87 : memref<256xi32, #tpu.memory_space<vmem>>) semaphore(%arg17 : memref<!tpu.dma_semaphore, #tpu.memory_space<semaphore_mem>>)
      %dma_wait3A_91 = arith.constant 0 : i32
      %dma_wait3A_92 = tpu.memref_slice %arg7[%add3A_82, %dma_wait3A_91] : memref<40x256xi32, #tpu.memory_space<vmem>> -> memref<1x256xi32, #tpu.memory_space<vmem>>
      %dma_wait3A_93 = tpu.memref_squeeze %dma_wait3A_92 : memref<1x256xi32, #tpu.memory_space<vmem>> -> memref<256xi32, #tpu.memory_space<vmem>>
      %dma_wait3A_94 = arith.constant 0 : i32
      %dma_wait3A_95 = arith.constant 0 : i32
      %dma_wait3A_96 = tpu.memref_slice %arg2[%dma_wait3A_94, %dma_wait3A_95] : memref<10000x64xf32, #tpu.memory_space<hbm>> -> memref<10000x64xf32, #tpu.memory_space<hbm>>
      tpu.wait_indirect_dma semaphore(%arg14 : memref<!tpu.dma_semaphore, #tpu.memory_space<semaphore_mem>>) src(%dma_wait3A_96 : memref<10000x64xf32, #tpu.memory_space<hbm>>) dst(%arg9 : memref<256x64xf32, #tpu.memory_space<vmem>>)
      "tpu.region"() ({
        %run_scoped3A_145 = tpu.sem_alloc : memref<!tpu.dma_semaphore, #tpu.memory_space<semaphore_mem>>
        %dma_start3A_146 = arith.constant 0 : i32
        %dma_start3A_147 = tpu.memref_slice %arg8[%add3A_82, %dma_start3A_146] : memref<40x256xi32, #tpu.memory_space<vmem>> -> memref<1x256xi32, #tpu.memory_space<vmem>>
        %dma_start3A_148 = tpu.memref_squeeze %dma_start3A_147 : memref<1x256xi32, #tpu.memory_space<vmem>> -> memref<256xi32, #tpu.memory_space<vmem>>
        %dma_start3A_149 = arith.constant 0 : i32
        %dma_start3A_150 = arith.constant 0 : i32
        %dma_start3A_151 = tpu.memref_slice %arg13[%dma_start3A_149, %dma_start3A_150] : memref<10128x64xf32, #tpu.memory_space<vmem_shared>> -> memref<10128x64xf32, #tpu.memory_space<vmem_shared>>
        tpu.enqueue_indirect_dma source(%arg9 : memref<256x64xf32, #tpu.memory_space<vmem>>) target(%dma_start3A_151 : memref<10128x64xf32, #tpu.memory_space<vmem_shared>>) offsets(%dma_start3A_148 : memref<256xi32, #tpu.memory_space<vmem>>) semaphore(%run_scoped3A_145 : memref<!tpu.dma_semaphore, #tpu.memory_space<semaphore_mem>>) {add = true}
        %dma_wait3A_152 = arith.constant 0 : i32
        %dma_wait3A_153 = tpu.memref_slice %arg8[%add3A_82, %dma_wait3A_152] : memref<40x256xi32, #tpu.memory_space<vmem>> -> memref<1x256xi32, #tpu.memory_space<vmem>>
        %dma_wait3A_154 = tpu.memref_squeeze %dma_wait3A_153 : memref<1x256xi32, #tpu.memory_space<vmem>> -> memref<256xi32, #tpu.memory_space<vmem>>
        %dma_wait3A_155 = arith.constant 0 : i32
        %dma_wait3A_156 = arith.constant 0 : i32
        %dma_wait3A_157 = tpu.memref_slice %arg13[%dma_wait3A_155, %dma_wait3A_156] : memref<10128x64xf32, #tpu.memory_space<vmem_shared>> -> memref<10128x64xf32, #tpu.memory_space<vmem_shared>>
        tpu.wait_indirect_dma semaphore(%run_scoped3A_145 : memref<!tpu.dma_semaphore, #tpu.memory_space<semaphore_mem>>) src(%arg9 : memref<256x64xf32, #tpu.memory_space<vmem>>) dst(%dma_wait3A_157 : memref<10128x64xf32, #tpu.memory_space<vmem_shared>>)
        tpu.yield
      }) : () -> ()
      %add3A_97 = arith.constant 4 : i32
      %add3A_98 = arith.addi %add3A_82, %add3A_97 : i32
      %dma_start3A_99 = arith.constant 0 : i32
      %dma_start3A_100 = tpu.memref_slice %arg7[%add3A_98, %dma_start3A_99] : memref<40x256xi32, #tpu.memory_space<vmem>> -> memref<1x256xi32, #tpu.memory_space<vmem>>
      %dma_start3A_101 = tpu.memref_squeeze %dma_start3A_100 : memref<1x256xi32, #tpu.memory_space<vmem>> -> memref<256xi32, #tpu.memory_space<vmem>>
      %dma_start3A_102 = arith.constant 0 : i32
      %dma_start3A_103 = arith.constant 0 : i32
      %dma_start3A_104 = tpu.memref_slice %arg2[%dma_start3A_102, %dma_start3A_103] : memref<10000x64xf32, #tpu.memory_space<hbm>> -> memref<10000x64xf32, #tpu.memory_space<hbm>>
      tpu.enqueue_indirect_dma source(%dma_start3A_104 : memref<10000x64xf32, #tpu.memory_space<hbm>>) target(%arg9 : memref<256x64xf32, #tpu.memory_space<vmem>>) offsets(%dma_start3A_101 : memref<256xi32, #tpu.memory_space<vmem>>) semaphore(%arg14 : memref<!tpu.dma_semaphore, #tpu.memory_space<semaphore_mem>>)
      %add3A_105 = arith.constant 1 : i32
      %add3A_106 = arith.addi %add3A_82, %add3A_105 : i32
      %dma_wait3A_107 = arith.constant 0 : i32
      %dma_wait3A_108 = tpu.memref_slice %arg7[%add3A_106, %dma_wait3A_107] : memref<40x256xi32, #tpu.memory_space<vmem>> -> memref<1x256xi32, #tpu.memory_space<vmem>>
      %dma_wait3A_109 = tpu.memref_squeeze %dma_wait3A_108 : memref<1x256xi32, #tpu.memory_space<vmem>> -> memref<256xi32, #tpu.memory_space<vmem>>
      %dma_wait3A_110 = arith.constant 0 : i32
      %dma_wait3A_111 = arith.constant 0 : i32
      %dma_wait3A_112 = tpu.memref_slice %arg2[%dma_wait3A_110, %dma_wait3A_111] : memref<10000x64xf32, #tpu.memory_space<hbm>> -> memref<10000x64xf32, #tpu.memory_space<hbm>>
      tpu.wait_indirect_dma semaphore(%arg15 : memref<!tpu.dma_semaphore, #tpu.memory_space<semaphore_mem>>) src(%dma_wait3A_112 : memref<10000x64xf32, #tpu.memory_space<hbm>>) dst(%arg10 : memref<256x64xf32, #tpu.memory_space<vmem>>)
      "tpu.region"() ({
        %run_scoped3A_145 = tpu.sem_alloc : memref<!tpu.dma_semaphore, #tpu.memory_space<semaphore_mem>>
        %dma_start3A_146 = arith.constant 0 : i32
        %dma_start3A_147 = tpu.memref_slice %arg8[%add3A_106, %dma_start3A_146] : memref<40x256xi32, #tpu.memory_space<vmem>> -> memref<1x256xi32, #tpu.memory_space<vmem>>
        %dma_start3A_148 = tpu.memref_squeeze %dma_start3A_147 : memref<1x256xi32, #tpu.memory_space<vmem>> -> memref<256xi32, #tpu.memory_space<vmem>>
        %dma_start3A_149 = arith.constant 0 : i32
        %dma_start3A_150 = arith.constant 0 : i32
        %dma_start3A_151 = tpu.memref_slice %arg13[%dma_start3A_149, %dma_start3A_150] : memref<10128x64xf32, #tpu.memory_space<vmem_shared>> -> memref<10128x64xf32, #tpu.memory_space<vmem_shared>>
        tpu.enqueue_indirect_dma source(%arg10 : memref<256x64xf32, #tpu.memory_space<vmem>>) target(%dma_start3A_151 : memref<10128x64xf32, #tpu.memory_space<vmem_shared>>) offsets(%dma_start3A_148 : memref<256xi32, #tpu.memory_space<vmem>>) semaphore(%run_scoped3A_145 : memref<!tpu.dma_semaphore, #tpu.memory_space<semaphore_mem>>) {add = true}
        %dma_wait3A_152 = arith.constant 0 : i32
        %dma_wait3A_153 = tpu.memref_slice %arg8[%add3A_106, %dma_wait3A_152] : memref<40x256xi32, #tpu.memory_space<vmem>> -> memref<1x256xi32, #tpu.memory_space<vmem>>
        %dma_wait3A_154 = tpu.memref_squeeze %dma_wait3A_153 : memref<1x256xi32, #tpu.memory_space<vmem>> -> memref<256xi32, #tpu.memory_space<vmem>>
        %dma_wait3A_155 = arith.constant 0 : i32
        %dma_wait3A_156 = arith.constant 0 : i32
        %dma_wait3A_157 = tpu.memref_slice %arg13[%dma_wait3A_155, %dma_wait3A_156] : memref<10128x64xf32, #tpu.memory_space<vmem_shared>> -> memref<10128x64xf32, #tpu.memory_space<vmem_shared>>
        tpu.wait_indirect_dma semaphore(%run_scoped3A_145 : memref<!tpu.dma_semaphore, #tpu.memory_space<semaphore_mem>>) src(%arg10 : memref<256x64xf32, #tpu.memory_space<vmem>>) dst(%dma_wait3A_157 : memref<10128x64xf32, #tpu.memory_space<vmem_shared>>)
        tpu.yield
      }) : () -> ()
      %add3A_113 = arith.constant 5 : i32
      %add3A_114 = arith.addi %add3A_82, %add3A_113 : i32
      %dma_start3A_115 = arith.constant 0 : i32
      %dma_start3A_116 = tpu.memref_slice %arg7[%add3A_114, %dma_start3A_115] : memref<40x256xi32, #tpu.memory_space<vmem>> -> memref<1x256xi32, #tpu.memory_space<vmem>>
      %dma_start3A_117 = tpu.memref_squeeze %dma_start3A_116 : memref<1x256xi32, #tpu.memory_space<vmem>> -> memref<256xi32, #tpu.memory_space<vmem>>
      %dma_start3A_118 = arith.constant 0 : i32
      %dma_start3A_119 = arith.constant 0 : i32
      %dma_start3A_120 = tpu.memref_slice %arg2[%dma_start3A_118, %dma_start3A_119] : memref<10000x64xf32, #tpu.memory_space<hbm>> -> memref<10000x64xf32, #tpu.memory_space<hbm>>
      tpu.enqueue_indirect_dma source(%dma_start3A_120 : memref<10000x64xf32, #tpu.memory_space<hbm>>) target(%arg10 : memref<256x64xf32, #tpu.memory_space<vmem>>) offsets(%dma_start3A_117 : memref<256xi32, #tpu.memory_space<vmem>>) semaphore(%arg15 : memref<!tpu.dma_semaphore, #tpu.memory_space<semaphore_mem>>)
      %add3A_121 = arith.constant 2 : i32
      %add3A_122 = arith.addi %add3A_82, %add3A_121 : i32
      %dma_wait3A_123 = arith.constant 0 : i32
      %dma_wait3A_124 = tpu.memref_slice %arg7[%add3A_122, %dma_wait3A_123] : memref<40x256xi32, #tpu.memory_space<vmem>> -> memref<1x256xi32, #tpu.memory_space<vmem>>
      %dma_wait3A_125 = tpu.memref_squeeze %dma_wait3A_124 : memref<1x256xi32, #tpu.memory_space<vmem>> -> memref<256xi32, #tpu.memory_space<vmem>>
      %dma_wait3A_126 = arith.constant 0 : i32
      %dma_wait3A_127 = arith.constant 0 : i32
      %dma_wait3A_128 = tpu.memref_slice %arg2[%dma_wait3A_126, %dma_wait3A_127] : memref<10000x64xf32, #tpu.memory_space<hbm>> -> memref<10000x64xf32, #tpu.memory_space<hbm>>
      tpu.wait_indirect_dma semaphore(%arg16 : memref<!tpu.dma_semaphore, #tpu.memory_space<semaphore_mem>>) src(%dma_wait3A_128 : memref<10000x64xf32, #tpu.memory_space<hbm>>) dst(%arg11 : memref<256x64xf32, #tpu.memory_space<vmem>>)
      "tpu.region"() ({
        %run_scoped3A_145 = tpu.sem_alloc : memref<!tpu.dma_semaphore, #tpu.memory_space<semaphore_mem>>
        %dma_start3A_146 = arith.constant 0 : i32
        %dma_start3A_147 = tpu.memref_slice %arg8[%add3A_122, %dma_start3A_146] : memref<40x256xi32, #tpu.memory_space<vmem>> -> memref<1x256xi32, #tpu.memory_space<vmem>>
        %dma_start3A_148 = tpu.memref_squeeze %dma_start3A_147 : memref<1x256xi32, #tpu.memory_space<vmem>> -> memref<256xi32, #tpu.memory_space<vmem>>
        %dma_start3A_149 = arith.constant 0 : i32
        %dma_start3A_150 = arith.constant 0 : i32
        %dma_start3A_151 = tpu.memref_slice %arg13[%dma_start3A_149, %dma_start3A_150] : memref<10128x64xf32, #tpu.memory_space<vmem_shared>> -> memref<10128x64xf32, #tpu.memory_space<vmem_shared>>
        tpu.enqueue_indirect_dma source(%arg11 : memref<256x64xf32, #tpu.memory_space<vmem>>) target(%dma_start3A_151 : memref<10128x64xf32, #tpu.memory_space<vmem_shared>>) offsets(%dma_start3A_148 : memref<256xi32, #tpu.memory_space<vmem>>) semaphore(%run_scoped3A_145 : memref<!tpu.dma_semaphore, #tpu.memory_space<semaphore_mem>>) {add = true}
        %dma_wait3A_152 = arith.constant 0 : i32
        %dma_wait3A_153 = tpu.memref_slice %arg8[%add3A_122, %dma_wait3A_152] : memref<40x256xi32, #tpu.memory_space<vmem>> -> memref<1x256xi32, #tpu.memory_space<vmem>>
        %dma_wait3A_154 = tpu.memref_squeeze %dma_wait3A_153 : memref<1x256xi32, #tpu.memory_space<vmem>> -> memref<256xi32, #tpu.memory_space<vmem>>
        %dma_wait3A_155 = arith.constant 0 : i32
        %dma_wait3A_156 = arith.constant 0 : i32
        %dma_wait3A_157 = tpu.memref_slice %arg13[%dma_wait3A_155, %dma_wait3A_156] : memref<10128x64xf32, #tpu.memory_space<vmem_shared>> -> memref<10128x64xf32, #tpu.memory_space<vmem_shared>>
        tpu.wait_indirect_dma semaphore(%run_scoped3A_145 : memref<!tpu.dma_semaphore, #tpu.memory_space<semaphore_mem>>) src(%arg11 : memref<256x64xf32, #tpu.memory_space<vmem>>) dst(%dma_wait3A_157 : memref<10128x64xf32, #tpu.memory_space<vmem_shared>>)
        tpu.yield
      }) : () -> ()
      %add3A_129 = arith.constant 6 : i32
      %add3A_130 = arith.addi %add3A_82, %add3A_129 : i32
      %dma_start3A_131 = arith.constant 0 : i32
      %dma_start3A_132 = tpu.memref_slice %arg7[%add3A_130, %dma_start3A_131] : memref<40x256xi32, #tpu.memory_space<vmem>> -> memref<1x256xi32, #tpu.memory_space<vmem>>
      %dma_start3A_133 = tpu.memref_squeeze %dma_start3A_132 : memref<1x256xi32, #tpu.memory_space<vmem>> -> memref<256xi32, #tpu.memory_space<vmem>>
      %dma_start3A_134 = arith.constant 0 : i32
      %dma_start3A_135 = arith.constant 0 : i32
      %dma_start3A_136 = tpu.memref_slice %arg2[%dma_start3A_134, %dma_start3A_135] : memref<10000x64xf32, #tpu.memory_space<hbm>> -> memref<10000x64xf32, #tpu.memory_space<hbm>>
      tpu.enqueue_indirect_dma source(%dma_start3A_136 : memref<10000x64xf32, #tpu.memory_space<hbm>>) target(%arg11 : memref<256x64xf32, #tpu.memory_space<vmem>>) offsets(%dma_start3A_133 : memref<256xi32, #tpu.memory_space<vmem>>) semaphore(%arg16 : memref<!tpu.dma_semaphore, #tpu.memory_space<semaphore_mem>>)
      %add3A_137 = arith.constant 3 : i32
      %add3A_138 = arith.addi %add3A_82, %add3A_137 : i32
      %dma_wait3A_139 = arith.constant 0 : i32
      %dma_wait3A_140 = tpu.memref_slice %arg7[%add3A_138, %dma_wait3A_139] : memref<40x256xi32, #tpu.memory_space<vmem>> -> memref<1x256xi32, #tpu.memory_space<vmem>>
      %dma_wait3A_141 = tpu.memref_squeeze %dma_wait3A_140 : memref<1x256xi32, #tpu.memory_space<vmem>> -> memref<256xi32, #tpu.memory_space<vmem>>
      %dma_wait3A_142 = arith.constant 0 : i32
      %dma_wait3A_143 = arith.constant 0 : i32
      %dma_wait3A_144 = tpu.memref_slice %arg2[%dma_wait3A_142, %dma_wait3A_143] : memref<10000x64xf32, #tpu.memory_space<hbm>> -> memref<10000x64xf32, #tpu.memory_space<hbm>>
      tpu.wait_indirect_dma semaphore(%arg17 : memref<!tpu.dma_semaphore, #tpu.memory_space<semaphore_mem>>) src(%dma_wait3A_144 : memref<10000x64xf32, #tpu.memory_space<hbm>>) dst(%arg12 : memref<256x64xf32, #tpu.memory_space<vmem>>)
      "tpu.region"() ({
        %run_scoped3A_145 = tpu.sem_alloc : memref<!tpu.dma_semaphore, #tpu.memory_space<semaphore_mem>>
        %dma_start3A_146 = arith.constant 0 : i32
        %dma_start3A_147 = tpu.memref_slice %arg8[%add3A_138, %dma_start3A_146] : memref<40x256xi32, #tpu.memory_space<vmem>> -> memref<1x256xi32, #tpu.memory_space<vmem>>
        %dma_start3A_148 = tpu.memref_squeeze %dma_start3A_147 : memref<1x256xi32, #tpu.memory_space<vmem>> -> memref<256xi32, #tpu.memory_space<vmem>>
        %dma_start3A_149 = arith.constant 0 : i32
        %dma_start3A_150 = arith.constant 0 : i32
        %dma_start3A_151 = tpu.memref_slice %arg13[%dma_start3A_149, %dma_start3A_150] : memref<10128x64xf32, #tpu.memory_space<vmem_shared>> -> memref<10128x64xf32, #tpu.memory_space<vmem_shared>>
        tpu.enqueue_indirect_dma source(%arg12 : memref<256x64xf32, #tpu.memory_space<vmem>>) target(%dma_start3A_151 : memref<10128x64xf32, #tpu.memory_space<vmem_shared>>) offsets(%dma_start3A_148 : memref<256xi32, #tpu.memory_space<vmem>>) semaphore(%run_scoped3A_145 : memref<!tpu.dma_semaphore, #tpu.memory_space<semaphore_mem>>) {add = true}
        %dma_wait3A_152 = arith.constant 0 : i32
        %dma_wait3A_153 = tpu.memref_slice %arg8[%add3A_138, %dma_wait3A_152] : memref<40x256xi32, #tpu.memory_space<vmem>> -> memref<1x256xi32, #tpu.memory_space<vmem>>
        %dma_wait3A_154 = tpu.memref_squeeze %dma_wait3A_153 : memref<1x256xi32, #tpu.memory_space<vmem>> -> memref<256xi32, #tpu.memory_space<vmem>>
        %dma_wait3A_155 = arith.constant 0 : i32
        %dma_wait3A_156 = arith.constant 0 : i32
        %dma_wait3A_157 = tpu.memref_slice %arg13[%dma_wait3A_155, %dma_wait3A_156] : memref<10128x64xf32, #tpu.memory_space<vmem_shared>> -> memref<10128x64xf32, #tpu.memory_space<vmem_shared>>
        tpu.wait_indirect_dma semaphore(%run_scoped3A_145 : memref<!tpu.dma_semaphore, #tpu.memory_space<semaphore_mem>>) src(%arg12 : memref<256x64xf32, #tpu.memory_space<vmem>>) dst(%dma_wait3A_157 : memref<10128x64xf32, #tpu.memory_space<vmem_shared>>)
        tpu.yield
      }) : () -> ()
    }
    %scan3A_30 = arith.constant 9 : i32
    %dma_start3A_31 = arith.constant 39 : i32
    %dma_start3A_32 = arith.constant 0 : i32
    %dma_start3A_33 = tpu.memref_slice %arg7[%dma_start3A_31, %dma_start3A_32] : memref<40x256xi32, #tpu.memory_space<vmem>> -> memref<1x256xi32, #tpu.memory_space<vmem>>
    %dma_start3A_34 = tpu.memref_squeeze %dma_start3A_33 : memref<1x256xi32, #tpu.memory_space<vmem>> -> memref<256xi32, #tpu.memory_space<vmem>>
    %dma_start3A_35 = arith.constant 0 : i32
    %dma_start3A_36 = arith.constant 0 : i32
    %dma_start3A_37 = tpu.memref_slice %arg2[%dma_start3A_35, %dma_start3A_36] : memref<10000x64xf32, #tpu.memory_space<hbm>> -> memref<10000x64xf32, #tpu.memory_space<hbm>>
    tpu.enqueue_indirect_dma source(%dma_start3A_37 : memref<10000x64xf32, #tpu.memory_space<hbm>>) target(%arg12 : memref<256x64xf32, #tpu.memory_space<vmem>>) offsets(%dma_start3A_34 : memref<256xi32, #tpu.memory_space<vmem>>) semaphore(%arg17 : memref<!tpu.dma_semaphore, #tpu.memory_space<semaphore_mem>>)
    %dma_wait3A = arith.constant 36 : i32
    %dma_wait3A_38 = arith.constant 0 : i32
    %dma_wait3A_39 = tpu.memref_slice %arg7[%dma_wait3A, %dma_wait3A_38] : memref<40x256xi32, #tpu.memory_space<vmem>> -> memref<1x256xi32, #tpu.memory_space<vmem>>
    %dma_wait3A_40 = tpu.memref_squeeze %dma_wait3A_39 : memref<1x256xi32, #tpu.memory_space<vmem>> -> memref<256xi32, #tpu.memory_space<vmem>>
    %dma_wait3A_41 = arith.constant 0 : i32
    %dma_wait3A_42 = arith.constant 0 : i32
    %dma_wait3A_43 = tpu.memref_slice %arg2[%dma_wait3A_41, %dma_wait3A_42] : memref<10000x64xf32, #tpu.memory_space<hbm>> -> memref<10000x64xf32, #tpu.memory_space<hbm>>
    tpu.wait_indirect_dma semaphore(%arg14 : memref<!tpu.dma_semaphore, #tpu.memory_space<semaphore_mem>>) src(%dma_wait3A_43 : memref<10000x64xf32, #tpu.memory_space<hbm>>) dst(%arg9 : memref<256x64xf32, #tpu.memory_space<vmem>>)
    %run_scoped3A = arith.constant 36 : i32
    "tpu.region"() ({
      %run_scoped3A_78 = tpu.sem_alloc : memref<!tpu.dma_semaphore, #tpu.memory_space<semaphore_mem>>
      %dma_start3A_79 = arith.constant 0 : i32
      %dma_start3A_80 = tpu.memref_slice %arg8[%run_scoped3A, %dma_start3A_79] : memref<40x256xi32, #tpu.memory_space<vmem>> -> memref<1x256xi32, #tpu.memory_space<vmem>>
      %dma_start3A_81 = tpu.memref_squeeze %dma_start3A_80 : memref<1x256xi32, #tpu.memory_space<vmem>> -> memref<256xi32, #tpu.memory_space<vmem>>
      %dma_start3A_82 = arith.constant 0 : i32
      %dma_start3A_83 = arith.constant 0 : i32
      %dma_start3A_84 = tpu.memref_slice %arg13[%dma_start3A_82, %dma_start3A_83] : memref<10128x64xf32, #tpu.memory_space<vmem_shared>> -> memref<10128x64xf32, #tpu.memory_space<vmem_shared>>
      tpu.enqueue_indirect_dma source(%arg9 : memref<256x64xf32, #tpu.memory_space<vmem>>) target(%dma_start3A_84 : memref<10128x64xf32, #tpu.memory_space<vmem_shared>>) offsets(%dma_start3A_81 : memref<256xi32, #tpu.memory_space<vmem>>) semaphore(%run_scoped3A_78 : memref<!tpu.dma_semaphore, #tpu.memory_space<semaphore_mem>>) {add = true}
      %dma_wait3A_85 = arith.constant 0 : i32
      %dma_wait3A_86 = tpu.memref_slice %arg8[%run_scoped3A, %dma_wait3A_85] : memref<40x256xi32, #tpu.memory_space<vmem>> -> memref<1x256xi32, #tpu.memory_space<vmem>>
      %dma_wait3A_87 = tpu.memref_squeeze %dma_wait3A_86 : memref<1x256xi32, #tpu.memory_space<vmem>> -> memref<256xi32, #tpu.memory_space<vmem>>
      %dma_wait3A_88 = arith.constant 0 : i32
      %dma_wait3A_89 = arith.constant 0 : i32
      %dma_wait3A_90 = tpu.memref_slice %arg13[%dma_wait3A_88, %dma_wait3A_89] : memref<10128x64xf32, #tpu.memory_space<vmem_shared>> -> memref<10128x64xf32, #tpu.memory_space<vmem_shared>>
      tpu.wait_indirect_dma semaphore(%run_scoped3A_78 : memref<!tpu.dma_semaphore, #tpu.memory_space<semaphore_mem>>) src(%arg9 : memref<256x64xf32, #tpu.memory_space<vmem>>) dst(%dma_wait3A_90 : memref<10128x64xf32, #tpu.memory_space<vmem_shared>>)
      tpu.yield
    }) : () -> ()
    %dma_wait3A_44 = arith.constant 37 : i32
    %dma_wait3A_45 = arith.constant 0 : i32
    %dma_wait3A_46 = tpu.memref_slice %arg7[%dma_wait3A_44, %dma_wait3A_45] : memref<40x256xi32, #tpu.memory_space<vmem>> -> memref<1x256xi32, #tpu.memory_space<vmem>>
    %dma_wait3A_47 = tpu.memref_squeeze %dma_wait3A_46 : memref<1x256xi32, #tpu.memory_space<vmem>> -> memref<256xi32, #tpu.memory_space<vmem>>
    %dma_wait3A_48 = arith.constant 0 : i32
    %dma_wait3A_49 = arith.constant 0 : i32
    %dma_wait3A_50 = tpu.memref_slice %arg2[%dma_wait3A_48, %dma_wait3A_49] : memref<10000x64xf32, #tpu.memory_space<hbm>> -> memref<10000x64xf32, #tpu.memory_space<hbm>>
    tpu.wait_indirect_dma semaphore(%arg15 : memref<!tpu.dma_semaphore, #tpu.memory_space<semaphore_mem>>) src(%dma_wait3A_50 : memref<10000x64xf32, #tpu.memory_space<hbm>>) dst(%arg10 : memref<256x64xf32, #tpu.memory_space<vmem>>)
    %run_scoped3A_51 = arith.constant 37 : i32
    "tpu.region"() ({
      %run_scoped3A_78 = tpu.sem_alloc : memref<!tpu.dma_semaphore, #tpu.memory_space<semaphore_mem>>
      %dma_start3A_79 = arith.constant 0 : i32
      %dma_start3A_80 = tpu.memref_slice %arg8[%run_scoped3A_51, %dma_start3A_79] : memref<40x256xi32, #tpu.memory_space<vmem>> -> memref<1x256xi32, #tpu.memory_space<vmem>>
      %dma_start3A_81 = tpu.memref_squeeze %dma_start3A_80 : memref<1x256xi32, #tpu.memory_space<vmem>> -> memref<256xi32, #tpu.memory_space<vmem>>
      %dma_start3A_82 = arith.constant 0 : i32
      %dma_start3A_83 = arith.constant 0 : i32
      %dma_start3A_84 = tpu.memref_slice %arg13[%dma_start3A_82, %dma_start3A_83] : memref<10128x64xf32, #tpu.memory_space<vmem_shared>> -> memref<10128x64xf32, #tpu.memory_space<vmem_shared>>
      tpu.enqueue_indirect_dma source(%arg10 : memref<256x64xf32, #tpu.memory_space<vmem>>) target(%dma_start3A_84 : memref<10128x64xf32, #tpu.memory_space<vmem_shared>>) offsets(%dma_start3A_81 : memref<256xi32, #tpu.memory_space<vmem>>) semaphore(%run_scoped3A_78 : memref<!tpu.dma_semaphore, #tpu.memory_space<semaphore_mem>>) {add = true}
      %dma_wait3A_85 = arith.constant 0 : i32
      %dma_wait3A_86 = tpu.memref_slice %arg8[%run_scoped3A_51, %dma_wait3A_85] : memref<40x256xi32, #tpu.memory_space<vmem>> -> memref<1x256xi32, #tpu.memory_space<vmem>>
      %dma_wait3A_87 = tpu.memref_squeeze %dma_wait3A_86 : memref<1x256xi32, #tpu.memory_space<vmem>> -> memref<256xi32, #tpu.memory_space<vmem>>
      %dma_wait3A_88 = arith.constant 0 : i32
      %dma_wait3A_89 = arith.constant 0 : i32
      %dma_wait3A_90 = tpu.memref_slice %arg13[%dma_wait3A_88, %dma_wait3A_89] : memref<10128x64xf32, #tpu.memory_space<vmem_shared>> -> memref<10128x64xf32, #tpu.memory_space<vmem_shared>>
      tpu.wait_indirect_dma semaphore(%run_scoped3A_78 : memref<!tpu.dma_semaphore, #tpu.memory_space<semaphore_mem>>) src(%arg10 : memref<256x64xf32, #tpu.memory_space<vmem>>) dst(%dma_wait3A_90 : memref<10128x64xf32, #tpu.memory_space<vmem_shared>>)
      tpu.yield
    }) : () -> ()
    %dma_wait3A_52 = arith.constant 38 : i32
    %dma_wait3A_53 = arith.constant 0 : i32
    %dma_wait3A_54 = tpu.memref_slice %arg7[%dma_wait3A_52, %dma_wait3A_53] : memref<40x256xi32, #tpu.memory_space<vmem>> -> memref<1x256xi32, #tpu.memory_space<vmem>>
    %dma_wait3A_55 = tpu.memref_squeeze %dma_wait3A_54 : memref<1x256xi32, #tpu.memory_space<vmem>> -> memref<256xi32, #tpu.memory_space<vmem>>
    %dma_wait3A_56 = arith.constant 0 : i32
    %dma_wait3A_57 = arith.constant 0 : i32
    %dma_wait3A_58 = tpu.memref_slice %arg2[%dma_wait3A_56, %dma_wait3A_57] : memref<10000x64xf32, #tpu.memory_space<hbm>> -> memref<10000x64xf32, #tpu.memory_space<hbm>>
    tpu.wait_indirect_dma semaphore(%arg16 : memref<!tpu.dma_semaphore, #tpu.memory_space<semaphore_mem>>) src(%dma_wait3A_58 : memref<10000x64xf32, #tpu.memory_space<hbm>>) dst(%arg11 : memref<256x64xf32, #tpu.memory_space<vmem>>)
    %run_scoped3A_59 = arith.constant 38 : i32
    "tpu.region"() ({
      %run_scoped3A_78 = tpu.sem_alloc : memref<!tpu.dma_semaphore, #tpu.memory_space<semaphore_mem>>
      %dma_start3A_79 = arith.constant 0 : i32
      %dma_start3A_80 = tpu.memref_slice %arg8[%run_scoped3A_59, %dma_start3A_79] : memref<40x256xi32, #tpu.memory_space<vmem>> -> memref<1x256xi32, #tpu.memory_space<vmem>>
      %dma_start3A_81 = tpu.memref_squeeze %dma_start3A_80 : memref<1x256xi32, #tpu.memory_space<vmem>> -> memref<256xi32, #tpu.memory_space<vmem>>
      %dma_start3A_82 = arith.constant 0 : i32
      %dma_start3A_83 = arith.constant 0 : i32
      %dma_start3A_84 = tpu.memref_slice %arg13[%dma_start3A_82, %dma_start3A_83] : memref<10128x64xf32, #tpu.memory_space<vmem_shared>> -> memref<10128x64xf32, #tpu.memory_space<vmem_shared>>
      tpu.enqueue_indirect_dma source(%arg11 : memref<256x64xf32, #tpu.memory_space<vmem>>) target(%dma_start3A_84 : memref<10128x64xf32, #tpu.memory_space<vmem_shared>>) offsets(%dma_start3A_81 : memref<256xi32, #tpu.memory_space<vmem>>) semaphore(%run_scoped3A_78 : memref<!tpu.dma_semaphore, #tpu.memory_space<semaphore_mem>>) {add = true}
      %dma_wait3A_85 = arith.constant 0 : i32
      %dma_wait3A_86 = tpu.memref_slice %arg8[%run_scoped3A_59, %dma_wait3A_85] : memref<40x256xi32, #tpu.memory_space<vmem>> -> memref<1x256xi32, #tpu.memory_space<vmem>>
      %dma_wait3A_87 = tpu.memref_squeeze %dma_wait3A_86 : memref<1x256xi32, #tpu.memory_space<vmem>> -> memref<256xi32, #tpu.memory_space<vmem>>
      %dma_wait3A_88 = arith.constant 0 : i32
      %dma_wait3A_89 = arith.constant 0 : i32
      %dma_wait3A_90 = tpu.memref_slice %arg13[%dma_wait3A_88, %dma_wait3A_89] : memref<10128x64xf32, #tpu.memory_space<vmem_shared>> -> memref<10128x64xf32, #tpu.memory_space<vmem_shared>>
      tpu.wait_indirect_dma semaphore(%run_scoped3A_78 : memref<!tpu.dma_semaphore, #tpu.memory_space<semaphore_mem>>) src(%arg11 : memref<256x64xf32, #tpu.memory_space<vmem>>) dst(%dma_wait3A_90 : memref<10128x64xf32, #tpu.memory_space<vmem_shared>>)
      tpu.yield
    }) : () -> ()
    %dma_wait3A_60 = arith.constant 39 : i32
    %dma_wait3A_61 = arith.constant 0 : i32
    %dma_wait3A_62 = tpu.memref_slice %arg7[%dma_wait3A_60, %dma_wait3A_61] : memref<40x256xi32, #tpu.memory_space<vmem>> -> memref<1x256xi32, #tpu.memory_space<vmem>>
    %dma_wait3A_63 = tpu.memref_squeeze %dma_wait3A_62 : memref<1x256xi32, #tpu.memory_space<vmem>> -> memref<256xi32, #tpu.memory_space<vmem>>
    %dma_wait3A_64 = arith.constant 0 : i32
    %dma_wait3A_65 = arith.constant 0 : i32
    %dma_wait3A_66 = tpu.memref_slice %arg2[%dma_wait3A_64, %dma_wait3A_65] : memref<10000x64xf32, #tpu.memory_space<hbm>> -> memref<10000x64xf32, #tpu.memory_space<hbm>>
    tpu.wait_indirect_dma semaphore(%arg17 : memref<!tpu.dma_semaphore, #tpu.memory_space<semaphore_mem>>) src(%dma_wait3A_66 : memref<10000x64xf32, #tpu.memory_space<hbm>>) dst(%arg12 : memref<256x64xf32, #tpu.memory_space<vmem>>)
    %run_scoped3A_67 = arith.constant 39 : i32
    "tpu.region"() ({
      %run_scoped3A_78 = tpu.sem_alloc : memref<!tpu.dma_semaphore, #tpu.memory_space<semaphore_mem>>
      %dma_start3A_79 = arith.constant 0 : i32
      %dma_start3A_80 = tpu.memref_slice %arg8[%run_scoped3A_67, %dma_start3A_79] : memref<40x256xi32, #tpu.memory_space<vmem>> -> memref<1x256xi32, #tpu.memory_space<vmem>>
      %dma_start3A_81 = tpu.memref_squeeze %dma_start3A_80 : memref<1x256xi32, #tpu.memory_space<vmem>> -> memref<256xi32, #tpu.memory_space<vmem>>
      %dma_start3A_82 = arith.constant 0 : i32
      %dma_start3A_83 = arith.constant 0 : i32
      %dma_start3A_84 = tpu.memref_slice %arg13[%dma_start3A_82, %dma_start3A_83] : memref<10128x64xf32, #tpu.memory_space<vmem_shared>> -> memref<10128x64xf32, #tpu.memory_space<vmem_shared>>
      tpu.enqueue_indirect_dma source(%arg12 : memref<256x64xf32, #tpu.memory_space<vmem>>) target(%dma_start3A_84 : memref<10128x64xf32, #tpu.memory_space<vmem_shared>>) offsets(%dma_start3A_81 : memref<256xi32, #tpu.memory_space<vmem>>) semaphore(%run_scoped3A_78 : memref<!tpu.dma_semaphore, #tpu.memory_space<semaphore_mem>>) {add = true}
      %dma_wait3A_85 = arith.constant 0 : i32
      %dma_wait3A_86 = tpu.memref_slice %arg8[%run_scoped3A_67, %dma_wait3A_85] : memref<40x256xi32, #tpu.memory_space<vmem>> -> memref<1x256xi32, #tpu.memory_space<vmem>>
      %dma_wait3A_87 = tpu.memref_squeeze %dma_wait3A_86 : memref<1x256xi32, #tpu.memory_space<vmem>> -> memref<256xi32, #tpu.memory_space<vmem>>
      %dma_wait3A_88 = arith.constant 0 : i32
      %dma_wait3A_89 = arith.constant 0 : i32
      %dma_wait3A_90 = tpu.memref_slice %arg13[%dma_wait3A_88, %dma_wait3A_89] : memref<10128x64xf32, #tpu.memory_space<vmem_shared>> -> memref<10128x64xf32, #tpu.memory_space<vmem_shared>>
      tpu.wait_indirect_dma semaphore(%run_scoped3A_78 : memref<!tpu.dma_semaphore, #tpu.memory_space<semaphore_mem>>) src(%arg12 : memref<256x64xf32, #tpu.memory_space<vmem>>) dst(%dma_wait3A_90 : memref<10128x64xf32, #tpu.memory_space<vmem_shared>>)
      tpu.yield
    }) : () -> ()
    %barrier3A_68 = arith.constant 0 : index
    tpu.barrier barrier_id(%barrier3A_68)
    %mul3A_69 = arith.constant 624 : i32
    %mul3A_70 = arith.muli %arg1, %mul3A_69 : i32
    %mul3A_71 = arith.constant 624 : i32
    %mul3A_72 = arith.muli %arg1, %mul3A_71 : i32
    "tpu.region"() ({
      %run_scoped3A_78 = tpu.sem_alloc : memref<!tpu.dma_semaphore, #tpu.memory_space<semaphore_mem>>
      %dma_start3A_79 = arith.constant 0 : i32
      %dma_start3A_80 = arith.constant 0 : i32
      %dma_start3A_81 = tpu.memref_slice %arg6[%arg0, %dma_start3A_79, %dma_start3A_80] : memref<2x10000x64xf32, #tpu.memory_space<hbm>> -> memref<1x10000x64xf32, #tpu.memory_space<hbm>>
      %dma_start3A_82 = tpu.memref_squeeze %dma_start3A_81 : memref<1x10000x64xf32, #tpu.memory_space<hbm>> -> memref<10000x64xf32, #tpu.memory_space<hbm>>
      %dma_start3A_83 = arith.constant 0 : i32
      %dma_start3A_84 = tpu.memref_slice %dma_start3A_82[%mul3A_72, %dma_start3A_83] : memref<10000x64xf32, #tpu.memory_space<hbm>> -> memref<624x64xf32, #tpu.memory_space<hbm>>
      %dma_start3A_85 = arith.constant 0 : i32
      %dma_start3A_86 = tpu.memref_slice %arg13[%mul3A_70, %dma_start3A_85] : memref<10128x64xf32, #tpu.memory_space<vmem_shared>> -> memref<624x64xf32, #tpu.memory_space<vmem_shared>>
      tpu.enqueue_dma source(%dma_start3A_86 : memref<624x64xf32, #tpu.memory_space<vmem_shared>>) target(%dma_start3A_84 : memref<624x64xf32, #tpu.memory_space<hbm>>) target_semaphore(%run_scoped3A_78 : memref<!tpu.dma_semaphore, #tpu.memory_space<semaphore_mem>>)
      %dma_wait3A_87 = arith.constant 0 : i32
      %dma_wait3A_88 = arith.constant 0 : i32
      %dma_wait3A_89 = tpu.memref_slice %arg6[%arg0, %dma_wait3A_87, %dma_wait3A_88] : memref<2x10000x64xf32, #tpu.memory_space<hbm>> -> memref<1x10000x64xf32, #tpu.memory_space<hbm>>
      %dma_wait3A_90 = tpu.memref_squeeze %dma_wait3A_89 : memref<1x10000x64xf32, #tpu.memory_space<hbm>> -> memref<10000x64xf32, #tpu.memory_space<hbm>>
      %dma_wait3A_91 = arith.constant 0 : i32
      %dma_wait3A_92 = tpu.memref_slice %dma_wait3A_90[%mul3A_72, %dma_wait3A_91] : memref<10000x64xf32, #tpu.memory_space<hbm>> -> memref<624x64xf32, #tpu.memory_space<hbm>>
      %dma_wait3A_93 = arith.constant 0 : i32
      %dma_wait3A_94 = tpu.memref_slice %arg13[%mul3A_70, %dma_wait3A_93] : memref<10128x64xf32, #tpu.memory_space<vmem_shared>> -> memref<624x64xf32, #tpu.memory_space<vmem_shared>>
      tpu.wait_dma2 semaphore(%run_scoped3A_78 : memref<!tpu.dma_semaphore, #tpu.memory_space<semaphore_mem>>) src(%dma_wait3A_94 : memref<624x64xf32, #tpu.memory_space<vmem_shared>>) dst(%dma_wait3A_92 : memref<624x64xf32, #tpu.memory_space<hbm>>)
      tpu.yield
    }) : () -> ()
    %eq3A_73 = arith.constant 15 : i32
    %eq3A_74 = arith.cmpi eq, %arg1, %eq3A_73 : i32
    %convert_element_type3A_75 = arith.extui %eq3A_74 : i1 to i32
    %cond3A_76 = arith.constant 0 : i32
    %cond3A_77 = arith.cmpi ne, %convert_element_type3A_75, %cond3A_76 : i32
    scf.if %cond3A_77 {
      "tpu.region"() ({
        %run_scoped3A_78 = tpu.sem_alloc : memref<!tpu.dma_semaphore, #tpu.memory_space<semaphore_mem>>
        %dma_start3A_79 = arith.constant 0 : i32
        %dma_start3A_80 = arith.constant 0 : i32
        %dma_start3A_81 = tpu.memref_slice %arg6[%arg0, %dma_start3A_79, %dma_start3A_80] : memref<2x10000x64xf32, #tpu.memory_space<hbm>> -> memref<1x10000x64xf32, #tpu.memory_space<hbm>>
        %dma_start3A_82 = tpu.memref_squeeze %dma_start3A_81 : memref<1x10000x64xf32, #tpu.memory_space<hbm>> -> memref<10000x64xf32, #tpu.memory_space<hbm>>
        %dma_start3A_83 = arith.constant 9984 : i32
        %dma_start3A_84 = arith.constant 0 : i32
        %dma_start3A_85 = tpu.memref_slice %dma_start3A_82[%dma_start3A_83, %dma_start3A_84] : memref<10000x64xf32, #tpu.memory_space<hbm>> -> memref<16x64xf32, #tpu.memory_space<hbm>>
        %dma_start3A_86 = arith.constant 9984 : i32
        %dma_start3A_87 = arith.constant 0 : i32
        %dma_start3A_88 = tpu.memref_slice %arg13[%dma_start3A_86, %dma_start3A_87] : memref<10128x64xf32, #tpu.memory_space<vmem_shared>> -> memref<16x64xf32, #tpu.memory_space<vmem_shared>>
        tpu.enqueue_dma source(%dma_start3A_88 : memref<16x64xf32, #tpu.memory_space<vmem_shared>>) target(%dma_start3A_85 : memref<16x64xf32, #tpu.memory_space<hbm>>) target_semaphore(%run_scoped3A_78 : memref<!tpu.dma_semaphore, #tpu.memory_space<semaphore_mem>>)
        %dma_wait3A_89 = arith.constant 0 : i32
        %dma_wait3A_90 = arith.constant 0 : i32
        %dma_wait3A_91 = tpu.memref_slice %arg6[%arg0, %dma_wait3A_89, %dma_wait3A_90] : memref<2x10000x64xf32, #tpu.memory_space<hbm>> -> memref<1x10000x64xf32, #tpu.memory_space<hbm>>
        %dma_wait3A_92 = tpu.memref_squeeze %dma_wait3A_91 : memref<1x10000x64xf32, #tpu.memory_space<hbm>> -> memref<10000x64xf32, #tpu.memory_space<hbm>>
        %dma_wait3A_93 = arith.constant 9984 : i32
        %dma_wait3A_94 = arith.constant 0 : i32
        %dma_wait3A_95 = tpu.memref_slice %dma_wait3A_92[%dma_wait3A_93, %dma_wait3A_94] : memref<10000x64xf32, #tpu.memory_space<hbm>> -> memref<16x64xf32, #tpu.memory_space<hbm>>
        %dma_wait3A_96 = arith.constant 9984 : i32
        %dma_wait3A_97 = arith.constant 0 : i32
        %dma_wait3A_98 = tpu.memref_slice %arg13[%dma_wait3A_96, %dma_wait3A_97] : memref<10128x64xf32, #tpu.memory_space<vmem_shared>> -> memref<16x64xf32, #tpu.memory_space<vmem_shared>>
        tpu.wait_dma2 semaphore(%run_scoped3A_78 : memref<!tpu.dma_semaphore, #tpu.memory_space<semaphore_mem>>) src(%dma_wait3A_98 : memref<16x64xf32, #tpu.memory_space<vmem_shared>>) dst(%dma_wait3A_95 : memref<16x64xf32, #tpu.memory_space<hbm>>)
        tpu.yield
      }) : () -> ()
    } else {
    }
    return
  }
}

#map = affine_map<(d0, d1) -> (0, 0, 0)>
#map1 = affine_map<(d0, d1) -> (0, 0)>
module attributes {stable_mosaic.version = 14 : i64} {
  func.func @_deg_body(%arg0: i32, %arg1: i32, %arg2: memref<32x40x256xi32, #tpu.memory_space<hbm>>, %arg3: memref<256x16xf32, #tpu.memory_space<hbm>>, %arg4: memref<10000x16xf32, #tpu.memory_space<hbm>>, %arg5: memref<2x10000x16xf32, #tpu.memory_space<hbm>>, %arg6: memref<40x256xi32, #tpu.memory_space<vmem>>, %arg7: memref<256x16xf32, #tpu.memory_space<vmem>>, %arg8: memref<10128x16xf32, #tpu.memory_space<vmem_shared>>, %arg9: memref<!tpu.dma_semaphore, #tpu.memory_space<semaphore_mem>>) attributes {dimension_semantics = [#tpu.dimension_semantics<core_parallel>, #tpu.dimension_semantics<subcore_parallel>], iteration_bounds = array<i64: 2, 16>, scalar_prefetch = 0 : i64, scratch_operands = 4 : i64, tpu.core_type = #tpu.core_type<sc_vector_subcore>, window_params = [{transform_indices = #map}, {transform_indices = #map1}, {transform_indices = #map1}, {transform_indices = #map}]} {
    %mul3A = arith.constant 16 : i32
    %mul3A_0 = arith.muli %arg0, %mul3A : i32
    %add3A = arith.addi %mul3A_0, %arg1 : i32
    %mul3A_1 = arith.constant 624 : i32
    %mul3A_2 = arith.muli %arg1, %mul3A_1 : i32
    %mul3A_3 = arith.constant 624 : i32
    %mul3A_4 = arith.muli %arg1, %mul3A_3 : i32
    "tpu.region"() ({
      %run_scoped3A = tpu.sem_alloc : memref<!tpu.dma_semaphore, #tpu.memory_space<semaphore_mem>>
      %dma_start3A = arith.constant 0 : i32
      %dma_start3A_21 = tpu.memref_slice %arg8[%mul3A_4, %dma_start3A] : memref<10128x16xf32, #tpu.memory_space<vmem_shared>> -> memref<624x16xf32, #tpu.memory_space<vmem_shared>>
      %dma_start3A_22 = arith.constant 0 : i32
      %dma_start3A_23 = tpu.memref_slice %arg4[%mul3A_2, %dma_start3A_22] : memref<10000x16xf32, #tpu.memory_space<hbm>> -> memref<624x16xf32, #tpu.memory_space<hbm>>
      tpu.enqueue_dma source(%dma_start3A_23 : memref<624x16xf32, #tpu.memory_space<hbm>>) target(%dma_start3A_21 : memref<624x16xf32, #tpu.memory_space<vmem_shared>>) target_semaphore(%run_scoped3A : memref<!tpu.dma_semaphore, #tpu.memory_space<semaphore_mem>>)
      %dma_wait3A = arith.constant 0 : i32
      %dma_wait3A_24 = tpu.memref_slice %arg8[%mul3A_4, %dma_wait3A] : memref<10128x16xf32, #tpu.memory_space<vmem_shared>> -> memref<624x16xf32, #tpu.memory_space<vmem_shared>>
      %dma_wait3A_25 = arith.constant 0 : i32
      %dma_wait3A_26 = tpu.memref_slice %arg4[%mul3A_2, %dma_wait3A_25] : memref<10000x16xf32, #tpu.memory_space<hbm>> -> memref<624x16xf32, #tpu.memory_space<hbm>>
      tpu.wait_dma2 semaphore(%run_scoped3A : memref<!tpu.dma_semaphore, #tpu.memory_space<semaphore_mem>>) src(%dma_wait3A_26 : memref<624x16xf32, #tpu.memory_space<hbm>>) dst(%dma_wait3A_24 : memref<624x16xf32, #tpu.memory_space<vmem_shared>>)
      tpu.yield
    }) : () -> ()
    %eq3A = arith.constant 15 : i32
    %eq3A_5 = arith.cmpi eq, %arg1, %eq3A : i32
    %convert_element_type3A = arith.extui %eq3A_5 : i1 to i32
    %cond3A = arith.constant 0 : i32
    %cond3A_6 = arith.cmpi ne, %convert_element_type3A, %cond3A : i32
    scf.if %cond3A_6 {
      "tpu.region"() ({
        %run_scoped3A = tpu.sem_alloc : memref<!tpu.dma_semaphore, #tpu.memory_space<semaphore_mem>>
        %dma_start3A = arith.constant 9984 : i32
        %dma_start3A_21 = arith.constant 0 : i32
        %dma_start3A_22 = tpu.memref_slice %arg8[%dma_start3A, %dma_start3A_21] : memref<10128x16xf32, #tpu.memory_space<vmem_shared>> -> memref<16x16xf32, #tpu.memory_space<vmem_shared>>
        %dma_start3A_23 = arith.constant 9984 : i32
        %dma_start3A_24 = arith.constant 0 : i32
        %dma_start3A_25 = tpu.memref_slice %arg4[%dma_start3A_23, %dma_start3A_24] : memref<10000x16xf32, #tpu.memory_space<hbm>> -> memref<16x16xf32, #tpu.memory_space<hbm>>
        tpu.enqueue_dma source(%dma_start3A_25 : memref<16x16xf32, #tpu.memory_space<hbm>>) target(%dma_start3A_22 : memref<16x16xf32, #tpu.memory_space<vmem_shared>>) target_semaphore(%run_scoped3A : memref<!tpu.dma_semaphore, #tpu.memory_space<semaphore_mem>>)
        %dma_wait3A = arith.constant 9984 : i32
        %dma_wait3A_26 = arith.constant 0 : i32
        %dma_wait3A_27 = tpu.memref_slice %arg8[%dma_wait3A, %dma_wait3A_26] : memref<10128x16xf32, #tpu.memory_space<vmem_shared>> -> memref<16x16xf32, #tpu.memory_space<vmem_shared>>
        %dma_wait3A_28 = arith.constant 9984 : i32
        %dma_wait3A_29 = arith.constant 0 : i32
        %dma_wait3A_30 = tpu.memref_slice %arg4[%dma_wait3A_28, %dma_wait3A_29] : memref<10000x16xf32, #tpu.memory_space<hbm>> -> memref<16x16xf32, #tpu.memory_space<hbm>>
        tpu.wait_dma2 semaphore(%run_scoped3A : memref<!tpu.dma_semaphore, #tpu.memory_space<semaphore_mem>>) src(%dma_wait3A_30 : memref<16x16xf32, #tpu.memory_space<hbm>>) dst(%dma_wait3A_27 : memref<16x16xf32, #tpu.memory_space<vmem_shared>>)
        tpu.yield
      }) : () -> ()
    } else {
    }
    "tpu.region"() ({
      %run_scoped3A = tpu.sem_alloc : memref<!tpu.dma_semaphore, #tpu.memory_space<semaphore_mem>>
      tpu.enqueue_dma source(%arg3 : memref<256x16xf32, #tpu.memory_space<hbm>>) target(%arg7 : memref<256x16xf32, #tpu.memory_space<vmem>>) target_semaphore(%run_scoped3A : memref<!tpu.dma_semaphore, #tpu.memory_space<semaphore_mem>>)
      tpu.wait_dma2 semaphore(%run_scoped3A : memref<!tpu.dma_semaphore, #tpu.memory_space<semaphore_mem>>) src(%arg3 : memref<256x16xf32, #tpu.memory_space<hbm>>) dst(%arg7 : memref<256x16xf32, #tpu.memory_space<vmem>>)
      tpu.yield
    }) : () -> ()
    "tpu.region"() ({
      %run_scoped3A = tpu.sem_alloc : memref<!tpu.dma_semaphore, #tpu.memory_space<semaphore_mem>>
      %dma_start3A = arith.constant 0 : i32
      %dma_start3A_21 = arith.constant 0 : i32
      %dma_start3A_22 = tpu.memref_slice %arg2[%add3A, %dma_start3A, %dma_start3A_21] : memref<32x40x256xi32, #tpu.memory_space<hbm>> -> memref<1x40x256xi32, #tpu.memory_space<hbm>>
      %dma_start3A_23 = tpu.memref_squeeze %dma_start3A_22 : memref<1x40x256xi32, #tpu.memory_space<hbm>> -> memref<40x256xi32, #tpu.memory_space<hbm>>
      %dma_start3A_24 = arith.constant 0 : i32
      %dma_start3A_25 = arith.constant 0 : i32
      %dma_start3A_26 = tpu.memref_slice %arg2[%add3A, %dma_start3A_24, %dma_start3A_25] : memref<32x40x256xi32, #tpu.memory_space<hbm>> -> memref<1x40x256xi32, #tpu.memory_space<hbm>>
      %dma_start3A_27 = tpu.memref_squeeze %dma_start3A_26 : memref<1x40x256xi32, #tpu.memory_space<hbm>> -> memref<40x256xi32, #tpu.memory_space<hbm>>
      tpu.enqueue_dma source(%dma_start3A_27 : memref<40x256xi32, #tpu.memory_space<hbm>>) target(%arg6 : memref<40x256xi32, #tpu.memory_space<vmem>>) target_semaphore(%run_scoped3A : memref<!tpu.dma_semaphore, #tpu.memory_space<semaphore_mem>>)
      %dma_wait3A = arith.constant 0 : i32
      %dma_wait3A_28 = arith.constant 0 : i32
      %dma_wait3A_29 = tpu.memref_slice %arg2[%add3A, %dma_wait3A, %dma_wait3A_28] : memref<32x40x256xi32, #tpu.memory_space<hbm>> -> memref<1x40x256xi32, #tpu.memory_space<hbm>>
      %dma_wait3A_30 = tpu.memref_squeeze %dma_wait3A_29 : memref<1x40x256xi32, #tpu.memory_space<hbm>> -> memref<40x256xi32, #tpu.memory_space<hbm>>
      %dma_wait3A_31 = arith.constant 0 : i32
      %dma_wait3A_32 = arith.constant 0 : i32
      %dma_wait3A_33 = tpu.memref_slice %arg2[%add3A, %dma_wait3A_31, %dma_wait3A_32] : memref<32x40x256xi32, #tpu.memory_space<hbm>> -> memref<1x40x256xi32, #tpu.memory_space<hbm>>
      %dma_wait3A_34 = tpu.memref_squeeze %dma_wait3A_33 : memref<1x40x256xi32, #tpu.memory_space<hbm>> -> memref<40x256xi32, #tpu.memory_space<hbm>>
      tpu.wait_dma2 semaphore(%run_scoped3A : memref<!tpu.dma_semaphore, #tpu.memory_space<semaphore_mem>>) src(%dma_wait3A_34 : memref<40x256xi32, #tpu.memory_space<hbm>>) dst(%arg6 : memref<40x256xi32, #tpu.memory_space<vmem>>)
      tpu.yield
    }) : () -> ()
    %barrier3A = arith.constant 0 : index
    tpu.barrier barrier_id(%barrier3A)
    %scan3A = arith.constant 0 : i32
    %scan3A_7 = arith.constant 40 : i32
    %scan3A_8 = arith.addi %scan3A, %scan3A_7 : i32
    %scan3A_9 = arith.constant 1 : i32
    scf.for %scan3A_21 = %scan3A to %scan3A_8 step %scan3A_9  : i32 {
      %mul3A_22 = arith.constant 1 : i32
      %mul3A_23 = arith.muli %scan3A_21, %mul3A_22 : i32
      %add3A_24 = arith.constant 0 : i32
      %add3A_25 = arith.addi %add3A_24, %mul3A_23 : i32
      "tpu.region"() ({
        %run_scoped3A = tpu.sem_alloc : memref<!tpu.dma_semaphore, #tpu.memory_space<semaphore_mem>>
        %dma_start3A = arith.constant 0 : i32
        %dma_start3A_26 = tpu.memref_slice %arg6[%add3A_25, %dma_start3A] : memref<40x256xi32, #tpu.memory_space<vmem>> -> memref<1x256xi32, #tpu.memory_space<vmem>>
        %dma_start3A_27 = tpu.memref_squeeze %dma_start3A_26 : memref<1x256xi32, #tpu.memory_space<vmem>> -> memref<256xi32, #tpu.memory_space<vmem>>
        %dma_start3A_28 = arith.constant 0 : i32
        %dma_start3A_29 = arith.constant 0 : i32
        %dma_start3A_30 = tpu.memref_slice %arg8[%dma_start3A_28, %dma_start3A_29] : memref<10128x16xf32, #tpu.memory_space<vmem_shared>> -> memref<10128x16xf32, #tpu.memory_space<vmem_shared>>
        tpu.enqueue_indirect_dma source(%arg7 : memref<256x16xf32, #tpu.memory_space<vmem>>) target(%dma_start3A_30 : memref<10128x16xf32, #tpu.memory_space<vmem_shared>>) offsets(%dma_start3A_27 : memref<256xi32, #tpu.memory_space<vmem>>) semaphore(%run_scoped3A : memref<!tpu.dma_semaphore, #tpu.memory_space<semaphore_mem>>) {add = true}
        %dma_wait3A = arith.constant 0 : i32
        %dma_wait3A_31 = tpu.memref_slice %arg6[%add3A_25, %dma_wait3A] : memref<40x256xi32, #tpu.memory_space<vmem>> -> memref<1x256xi32, #tpu.memory_space<vmem>>
        %dma_wait3A_32 = tpu.memref_squeeze %dma_wait3A_31 : memref<1x256xi32, #tpu.memory_space<vmem>> -> memref<256xi32, #tpu.memory_space<vmem>>
        %dma_wait3A_33 = arith.constant 0 : i32
        %dma_wait3A_34 = arith.constant 0 : i32
        %dma_wait3A_35 = tpu.memref_slice %arg8[%dma_wait3A_33, %dma_wait3A_34] : memref<10128x16xf32, #tpu.memory_space<vmem_shared>> -> memref<10128x16xf32, #tpu.memory_space<vmem_shared>>
        tpu.wait_indirect_dma semaphore(%run_scoped3A : memref<!tpu.dma_semaphore, #tpu.memory_space<semaphore_mem>>) src(%arg7 : memref<256x16xf32, #tpu.memory_space<vmem>>) dst(%dma_wait3A_35 : memref<10128x16xf32, #tpu.memory_space<vmem_shared>>)
        tpu.yield
      }) : () -> ()
    }
    %scan3A_10 = arith.constant 40 : i32
    %barrier3A_11 = arith.constant 0 : index
    tpu.barrier barrier_id(%barrier3A_11)
    %mul3A_12 = arith.constant 624 : i32
    %mul3A_13 = arith.muli %arg1, %mul3A_12 : i32
    %mul3A_14 = arith.constant 624 : i32
    %mul3A_15 = arith.muli %arg1, %mul3A_14 : i32
    "tpu.region"() ({
      %run_scoped3A = tpu.sem_alloc : memref<!tpu.dma_semaphore, #tpu.memory_space<semaphore_mem>>
      %dma_start3A = arith.constant 0 : i32
      %dma_start3A_21 = arith.constant 0 : i32
      %dma_start3A_22 = tpu.memref_slice %arg5[%arg0, %dma_start3A, %dma_start3A_21] : memref<2x10000x16xf32, #tpu.memory_space<hbm>> -> memref<1x10000x16xf32, #tpu.memory_space<hbm>>
      %dma_start3A_23 = tpu.memref_squeeze %dma_start3A_22 : memref<1x10000x16xf32, #tpu.memory_space<hbm>> -> memref<10000x16xf32, #tpu.memory_space<hbm>>
      %dma_start3A_24 = arith.constant 0 : i32
      %dma_start3A_25 = tpu.memref_slice %dma_start3A_23[%mul3A_15, %dma_start3A_24] : memref<10000x16xf32, #tpu.memory_space<hbm>> -> memref<624x16xf32, #tpu.memory_space<hbm>>
      %dma_start3A_26 = arith.constant 0 : i32
      %dma_start3A_27 = tpu.memref_slice %arg8[%mul3A_13, %dma_start3A_26] : memref<10128x16xf32, #tpu.memory_space<vmem_shared>> -> memref<624x16xf32, #tpu.memory_space<vmem_shared>>
      tpu.enqueue_dma source(%dma_start3A_27 : memref<624x16xf32, #tpu.memory_space<vmem_shared>>) target(%dma_start3A_25 : memref<624x16xf32, #tpu.memory_space<hbm>>) target_semaphore(%run_scoped3A : memref<!tpu.dma_semaphore, #tpu.memory_space<semaphore_mem>>)
      %dma_wait3A = arith.constant 0 : i32
      %dma_wait3A_28 = arith.constant 0 : i32
      %dma_wait3A_29 = tpu.memref_slice %arg5[%arg0, %dma_wait3A, %dma_wait3A_28] : memref<2x10000x16xf32, #tpu.memory_space<hbm>> -> memref<1x10000x16xf32, #tpu.memory_space<hbm>>
      %dma_wait3A_30 = tpu.memref_squeeze %dma_wait3A_29 : memref<1x10000x16xf32, #tpu.memory_space<hbm>> -> memref<10000x16xf32, #tpu.memory_space<hbm>>
      %dma_wait3A_31 = arith.constant 0 : i32
      %dma_wait3A_32 = tpu.memref_slice %dma_wait3A_30[%mul3A_15, %dma_wait3A_31] : memref<10000x16xf32, #tpu.memory_space<hbm>> -> memref<624x16xf32, #tpu.memory_space<hbm>>
      %dma_wait3A_33 = arith.constant 0 : i32
      %dma_wait3A_34 = tpu.memref_slice %arg8[%mul3A_13, %dma_wait3A_33] : memref<10128x16xf32, #tpu.memory_space<vmem_shared>> -> memref<624x16xf32, #tpu.memory_space<vmem_shared>>
      tpu.wait_dma2 semaphore(%run_scoped3A : memref<!tpu.dma_semaphore, #tpu.memory_space<semaphore_mem>>) src(%dma_wait3A_34 : memref<624x16xf32, #tpu.memory_space<vmem_shared>>) dst(%dma_wait3A_32 : memref<624x16xf32, #tpu.memory_space<hbm>>)
      tpu.yield
    }) : () -> ()
    %eq3A_16 = arith.constant 15 : i32
    %eq3A_17 = arith.cmpi eq, %arg1, %eq3A_16 : i32
    %convert_element_type3A_18 = arith.extui %eq3A_17 : i1 to i32
    %cond3A_19 = arith.constant 0 : i32
    %cond3A_20 = arith.cmpi ne, %convert_element_type3A_18, %cond3A_19 : i32
    scf.if %cond3A_20 {
      "tpu.region"() ({
        %run_scoped3A = tpu.sem_alloc : memref<!tpu.dma_semaphore, #tpu.memory_space<semaphore_mem>>
        %dma_start3A = arith.constant 0 : i32
        %dma_start3A_21 = arith.constant 0 : i32
        %dma_start3A_22 = tpu.memref_slice %arg5[%arg0, %dma_start3A, %dma_start3A_21] : memref<2x10000x16xf32, #tpu.memory_space<hbm>> -> memref<1x10000x16xf32, #tpu.memory_space<hbm>>
        %dma_start3A_23 = tpu.memref_squeeze %dma_start3A_22 : memref<1x10000x16xf32, #tpu.memory_space<hbm>> -> memref<10000x16xf32, #tpu.memory_space<hbm>>
        %dma_start3A_24 = arith.constant 9984 : i32
        %dma_start3A_25 = arith.constant 0 : i32
        %dma_start3A_26 = tpu.memref_slice %dma_start3A_23[%dma_start3A_24, %dma_start3A_25] : memref<10000x16xf32, #tpu.memory_space<hbm>> -> memref<16x16xf32, #tpu.memory_space<hbm>>
        %dma_start3A_27 = arith.constant 9984 : i32
        %dma_start3A_28 = arith.constant 0 : i32
        %dma_start3A_29 = tpu.memref_slice %arg8[%dma_start3A_27, %dma_start3A_28] : memref<10128x16xf32, #tpu.memory_space<vmem_shared>> -> memref<16x16xf32, #tpu.memory_space<vmem_shared>>
        tpu.enqueue_dma source(%dma_start3A_29 : memref<16x16xf32, #tpu.memory_space<vmem_shared>>) target(%dma_start3A_26 : memref<16x16xf32, #tpu.memory_space<hbm>>) target_semaphore(%run_scoped3A : memref<!tpu.dma_semaphore, #tpu.memory_space<semaphore_mem>>)
        %dma_wait3A = arith.constant 0 : i32
        %dma_wait3A_30 = arith.constant 0 : i32
        %dma_wait3A_31 = tpu.memref_slice %arg5[%arg0, %dma_wait3A, %dma_wait3A_30] : memref<2x10000x16xf32, #tpu.memory_space<hbm>> -> memref<1x10000x16xf32, #tpu.memory_space<hbm>>
        %dma_wait3A_32 = tpu.memref_squeeze %dma_wait3A_31 : memref<1x10000x16xf32, #tpu.memory_space<hbm>> -> memref<10000x16xf32, #tpu.memory_space<hbm>>
        %dma_wait3A_33 = arith.constant 9984 : i32
        %dma_wait3A_34 = arith.constant 0 : i32
        %dma_wait3A_35 = tpu.memref_slice %dma_wait3A_32[%dma_wait3A_33, %dma_wait3A_34] : memref<10000x16xf32, #tpu.memory_space<hbm>> -> memref<16x16xf32, #tpu.memory_space<hbm>>
        %dma_wait3A_36 = arith.constant 9984 : i32
        %dma_wait3A_37 = arith.constant 0 : i32
        %dma_wait3A_38 = tpu.memref_slice %arg8[%dma_wait3A_36, %dma_wait3A_37] : memref<10128x16xf32, #tpu.memory_space<vmem_shared>> -> memref<16x16xf32, #tpu.memory_space<vmem_shared>>
        tpu.wait_dma2 semaphore(%run_scoped3A : memref<!tpu.dma_semaphore, #tpu.memory_space<semaphore_mem>>) src(%dma_wait3A_38 : memref<16x16xf32, #tpu.memory_space<vmem_shared>>) dst(%dma_wait3A_35 : memref<16x16xf32, #tpu.memory_space<hbm>>)
        tpu.yield
      }) : () -> ()
    } else {
    }
    return
  }
}

#map = affine_map<(d0, d1) -> (0, 0)>
#map1 = affine_map<(d0, d1) -> (0, 0, 0)>
module attributes {stable_mosaic.version = 14 : i64} {
  func.func @_agg_body(%arg0: i32, %arg1: i32, %arg2: memref<10000x64xf32, #tpu.memory_space<hbm>>, %arg3: memref<32x40x256xi32, #tpu.memory_space<hbm>>, %arg4: memref<32x40x256xi32, #tpu.memory_space<hbm>>, %arg5: memref<10000x64xf32, #tpu.memory_space<hbm>>, %arg6: memref<2x10000x64xf32, #tpu.memory_space<hbm>>, %arg7: memref<40x256xi32, #tpu.memory_space<vmem>>, %arg8: memref<40x256xi32, #tpu.memory_space<vmem>>, %arg9: memref<256x64xf32, #tpu.memory_space<vmem>>, %arg10: memref<256x64xf32, #tpu.memory_space<vmem>>, %arg11: memref<256x64xf32, #tpu.memory_space<vmem>>, %arg12: memref<256x64xf32, #tpu.memory_space<vmem>>, %arg13: memref<10128x64xf32, #tpu.memory_space<vmem_shared>>, %arg14: memref<!tpu.dma_semaphore, #tpu.memory_space<semaphore_mem>>, %arg15: memref<!tpu.dma_semaphore, #tpu.memory_space<semaphore_mem>>, %arg16: memref<!tpu.dma_semaphore, #tpu.memory_space<semaphore_mem>>, %arg17: memref<!tpu.dma_semaphore, #tpu.memory_space<semaphore_mem>>) attributes {dimension_semantics = [#tpu.dimension_semantics<core_parallel>, #tpu.dimension_semantics<subcore_parallel>], iteration_bounds = array<i64: 2, 16>, scalar_prefetch = 0 : i64, scratch_operands = 11 : i64, tpu.core_type = #tpu.core_type<sc_vector_subcore>, window_params = [{transform_indices = #map}, {transform_indices = #map1}, {transform_indices = #map1}, {transform_indices = #map}, {transform_indices = #map1}]} {
    %mul3A = arith.constant 16 : i32
    %mul3A_0 = arith.muli %arg0, %mul3A : i32
    %add3A = arith.addi %mul3A_0, %arg1 : i32
    %eq3A = arith.constant 0 : i32
    %eq3A_1 = arith.cmpi eq, %arg0, %eq3A : i32
    %convert_element_type3A = arith.extui %eq3A_1 : i1 to i32
    %cond3A = arith.constant 0 : i32
    %cond3A_2 = arith.cmpi ne, %convert_element_type3A, %cond3A : i32
    scf.if %cond3A_2 {
      %mul3A_78 = arith.constant 624 : i32
      %mul3A_79 = arith.muli %arg1, %mul3A_78 : i32
      %mul3A_80 = arith.constant 624 : i32
      %mul3A_81 = arith.muli %arg1, %mul3A_80 : i32
      "tpu.region"() ({
        %run_scoped3A_87 = tpu.sem_alloc : memref<!tpu.dma_semaphore, #tpu.memory_space<semaphore_mem>>
        %dma_start3A_88 = arith.constant 0 : i32
        %dma_start3A_89 = tpu.memref_slice %arg13[%mul3A_81, %dma_start3A_88] : memref<10128x64xf32, #tpu.memory_space<vmem_shared>> -> memref<624x64xf32, #tpu.memory_space<vmem_shared>>
        %dma_start3A_90 = arith.constant 0 : i32
        %dma_start3A_91 = tpu.memref_slice %arg2[%mul3A_79, %dma_start3A_90] : memref<10000x64xf32, #tpu.memory_space<hbm>> -> memref<624x64xf32, #tpu.memory_space<hbm>>
        tpu.enqueue_dma source(%dma_start3A_91 : memref<624x64xf32, #tpu.memory_space<hbm>>) target(%dma_start3A_89 : memref<624x64xf32, #tpu.memory_space<vmem_shared>>) target_semaphore(%run_scoped3A_87 : memref<!tpu.dma_semaphore, #tpu.memory_space<semaphore_mem>>)
        %dma_wait3A_92 = arith.constant 0 : i32
        %dma_wait3A_93 = tpu.memref_slice %arg13[%mul3A_81, %dma_wait3A_92] : memref<10128x64xf32, #tpu.memory_space<vmem_shared>> -> memref<624x64xf32, #tpu.memory_space<vmem_shared>>
        %dma_wait3A_94 = arith.constant 0 : i32
        %dma_wait3A_95 = tpu.memref_slice %arg2[%mul3A_79, %dma_wait3A_94] : memref<10000x64xf32, #tpu.memory_space<hbm>> -> memref<624x64xf32, #tpu.memory_space<hbm>>
        tpu.wait_dma2 semaphore(%run_scoped3A_87 : memref<!tpu.dma_semaphore, #tpu.memory_space<semaphore_mem>>) src(%dma_wait3A_95 : memref<624x64xf32, #tpu.memory_space<hbm>>) dst(%dma_wait3A_93 : memref<624x64xf32, #tpu.memory_space<vmem_shared>>)
        tpu.yield
      }) : () -> ()
      %eq3A_82 = arith.constant 15 : i32
      %eq3A_83 = arith.cmpi eq, %arg1, %eq3A_82 : i32
      %convert_element_type3A_84 = arith.extui %eq3A_83 : i1 to i32
      %cond3A_85 = arith.constant 0 : i32
      %cond3A_86 = arith.cmpi ne, %convert_element_type3A_84, %cond3A_85 : i32
      scf.if %cond3A_86 {
        "tpu.region"() ({
          %run_scoped3A_87 = tpu.sem_alloc : memref<!tpu.dma_semaphore, #tpu.memory_space<semaphore_mem>>
          %dma_start3A_88 = arith.constant 9984 : i32
          %dma_start3A_89 = arith.constant 0 : i32
          %dma_start3A_90 = tpu.memref_slice %arg13[%dma_start3A_88, %dma_start3A_89] : memref<10128x64xf32, #tpu.memory_space<vmem_shared>> -> memref<16x64xf32, #tpu.memory_space<vmem_shared>>
          %dma_start3A_91 = arith.constant 9984 : i32
          %dma_start3A_92 = arith.constant 0 : i32
          %dma_start3A_93 = tpu.memref_slice %arg2[%dma_start3A_91, %dma_start3A_92] : memref<10000x64xf32, #tpu.memory_space<hbm>> -> memref<16x64xf32, #tpu.memory_space<hbm>>
          tpu.enqueue_dma source(%dma_start3A_93 : memref<16x64xf32, #tpu.memory_space<hbm>>) target(%dma_start3A_90 : memref<16x64xf32, #tpu.memory_space<vmem_shared>>) target_semaphore(%run_scoped3A_87 : memref<!tpu.dma_semaphore, #tpu.memory_space<semaphore_mem>>)
          %dma_wait3A_94 = arith.constant 9984 : i32
          %dma_wait3A_95 = arith.constant 0 : i32
          %dma_wait3A_96 = tpu.memref_slice %arg13[%dma_wait3A_94, %dma_wait3A_95] : memref<10128x64xf32, #tpu.memory_space<vmem_shared>> -> memref<16x64xf32, #tpu.memory_space<vmem_shared>>
          %dma_wait3A_97 = arith.constant 9984 : i32
          %dma_wait3A_98 = arith.constant 0 : i32
          %dma_wait3A_99 = tpu.memref_slice %arg2[%dma_wait3A_97, %dma_wait3A_98] : memref<10000x64xf32, #tpu.memory_space<hbm>> -> memref<16x64xf32, #tpu.memory_space<hbm>>
          tpu.wait_dma2 semaphore(%run_scoped3A_87 : memref<!tpu.dma_semaphore, #tpu.memory_space<semaphore_mem>>) src(%dma_wait3A_99 : memref<16x64xf32, #tpu.memory_space<hbm>>) dst(%dma_wait3A_96 : memref<16x64xf32, #tpu.memory_space<vmem_shared>>)
          tpu.yield
        }) : () -> ()
      } else {
      }
    } else {
    }
    %ne3A = arith.constant 0 : i32
    %ne3A_3 = arith.cmpi ne, %arg0, %ne3A : i32
    %convert_element_type3A_4 = arith.extui %ne3A_3 : i1 to i32
    %cond3A_5 = arith.constant 0 : i32
    %cond3A_6 = arith.cmpi ne, %convert_element_type3A_4, %cond3A_5 : i32
    scf.if %cond3A_6 {
      %mul3A_78 = arith.constant 624 : i32
      %mul3A_79 = arith.muli %arg1, %mul3A_78 : i32
      %mul3A_80 = arith.constant 624 : i32
      %mul3A_81 = arith.muli %arg1, %mul3A_80 : i32
      "tpu.region"() ({
        %run_scoped3A_87 = tpu.sem_alloc : memref<!tpu.dma_semaphore, #tpu.memory_space<semaphore_mem>>
        %dma_start3A_88 = arith.constant 0 : i32
        %dma_start3A_89 = tpu.memref_slice %arg13[%mul3A_81, %dma_start3A_88] : memref<10128x64xf32, #tpu.memory_space<vmem_shared>> -> memref<624x64xf32, #tpu.memory_space<vmem_shared>>
        %dma_start3A_90 = arith.constant 0 : i32
        %dma_start3A_91 = tpu.memref_slice %arg5[%mul3A_79, %dma_start3A_90] : memref<10000x64xf32, #tpu.memory_space<hbm>> -> memref<624x64xf32, #tpu.memory_space<hbm>>
        tpu.enqueue_dma source(%dma_start3A_91 : memref<624x64xf32, #tpu.memory_space<hbm>>) target(%dma_start3A_89 : memref<624x64xf32, #tpu.memory_space<vmem_shared>>) target_semaphore(%run_scoped3A_87 : memref<!tpu.dma_semaphore, #tpu.memory_space<semaphore_mem>>)
        %dma_wait3A_92 = arith.constant 0 : i32
        %dma_wait3A_93 = tpu.memref_slice %arg13[%mul3A_81, %dma_wait3A_92] : memref<10128x64xf32, #tpu.memory_space<vmem_shared>> -> memref<624x64xf32, #tpu.memory_space<vmem_shared>>
        %dma_wait3A_94 = arith.constant 0 : i32
        %dma_wait3A_95 = tpu.memref_slice %arg5[%mul3A_79, %dma_wait3A_94] : memref<10000x64xf32, #tpu.memory_space<hbm>> -> memref<624x64xf32, #tpu.memory_space<hbm>>
        tpu.wait_dma2 semaphore(%run_scoped3A_87 : memref<!tpu.dma_semaphore, #tpu.memory_space<semaphore_mem>>) src(%dma_wait3A_95 : memref<624x64xf32, #tpu.memory_space<hbm>>) dst(%dma_wait3A_93 : memref<624x64xf32, #tpu.memory_space<vmem_shared>>)
        tpu.yield
      }) : () -> ()
      %eq3A_82 = arith.constant 15 : i32
      %eq3A_83 = arith.cmpi eq, %arg1, %eq3A_82 : i32
      %convert_element_type3A_84 = arith.extui %eq3A_83 : i1 to i32
      %cond3A_85 = arith.constant 0 : i32
      %cond3A_86 = arith.cmpi ne, %convert_element_type3A_84, %cond3A_85 : i32
      scf.if %cond3A_86 {
        "tpu.region"() ({
          %run_scoped3A_87 = tpu.sem_alloc : memref<!tpu.dma_semaphore, #tpu.memory_space<semaphore_mem>>
          %dma_start3A_88 = arith.constant 9984 : i32
          %dma_start3A_89 = arith.constant 0 : i32
          %dma_start3A_90 = tpu.memref_slice %arg13[%dma_start3A_88, %dma_start3A_89] : memref<10128x64xf32, #tpu.memory_space<vmem_shared>> -> memref<16x64xf32, #tpu.memory_space<vmem_shared>>
          %dma_start3A_91 = arith.constant 9984 : i32
          %dma_start3A_92 = arith.constant 0 : i32
          %dma_start3A_93 = tpu.memref_slice %arg5[%dma_start3A_91, %dma_start3A_92] : memref<10000x64xf32, #tpu.memory_space<hbm>> -> memref<16x64xf32, #tpu.memory_space<hbm>>
          tpu.enqueue_dma source(%dma_start3A_93 : memref<16x64xf32, #tpu.memory_space<hbm>>) target(%dma_start3A_90 : memref<16x64xf32, #tpu.memory_space<vmem_shared>>) target_semaphore(%run_scoped3A_87 : memref<!tpu.dma_semaphore, #tpu.memory_space<semaphore_mem>>)
          %dma_wait3A_94 = arith.constant 9984 : i32
          %dma_wait3A_95 = arith.constant 0 : i32
          %dma_wait3A_96 = tpu.memref_slice %arg13[%dma_wait3A_94, %dma_wait3A_95] : memref<10128x64xf32, #tpu.memory_space<vmem_shared>> -> memref<16x64xf32, #tpu.memory_space<vmem_shared>>
          %dma_wait3A_97 = arith.constant 9984 : i32
          %dma_wait3A_98 = arith.constant 0 : i32
          %dma_wait3A_99 = tpu.memref_slice %arg5[%dma_wait3A_97, %dma_wait3A_98] : memref<10000x64xf32, #tpu.memory_space<hbm>> -> memref<16x64xf32, #tpu.memory_space<hbm>>
          tpu.wait_dma2 semaphore(%run_scoped3A_87 : memref<!tpu.dma_semaphore, #tpu.memory_space<semaphore_mem>>) src(%dma_wait3A_99 : memref<16x64xf32, #tpu.memory_space<hbm>>) dst(%dma_wait3A_96 : memref<16x64xf32, #tpu.memory_space<vmem_shared>>)
          tpu.yield
        }) : () -> ()
      } else {
      }
    } else {
    }
    "tpu.region"() ({
      %run_scoped3A_78 = tpu.sem_alloc : memref<!tpu.dma_semaphore, #tpu.memory_space<semaphore_mem>>
      %dma_start3A_79 = arith.constant 0 : i32
      %dma_start3A_80 = arith.constant 0 : i32
      %dma_start3A_81 = tpu.memref_slice %arg3[%add3A, %dma_start3A_79, %dma_start3A_80] : memref<32x40x256xi32, #tpu.memory_space<hbm>> -> memref<1x40x256xi32, #tpu.memory_space<hbm>>
      %dma_start3A_82 = tpu.memref_squeeze %dma_start3A_81 : memref<1x40x256xi32, #tpu.memory_space<hbm>> -> memref<40x256xi32, #tpu.memory_space<hbm>>
      %dma_start3A_83 = arith.constant 0 : i32
      %dma_start3A_84 = arith.constant 0 : i32
      %dma_start3A_85 = tpu.memref_slice %arg3[%add3A, %dma_start3A_83, %dma_start3A_84] : memref<32x40x256xi32, #tpu.memory_space<hbm>> -> memref<1x40x256xi32, #tpu.memory_space<hbm>>
      %dma_start3A_86 = tpu.memref_squeeze %dma_start3A_85 : memref<1x40x256xi32, #tpu.memory_space<hbm>> -> memref<40x256xi32, #tpu.memory_space<hbm>>
      tpu.enqueue_dma source(%dma_start3A_86 : memref<40x256xi32, #tpu.memory_space<hbm>>) target(%arg7 : memref<40x256xi32, #tpu.memory_space<vmem>>) target_semaphore(%run_scoped3A_78 : memref<!tpu.dma_semaphore, #tpu.memory_space<semaphore_mem>>)
      %dma_wait3A_87 = arith.constant 0 : i32
      %dma_wait3A_88 = arith.constant 0 : i32
      %dma_wait3A_89 = tpu.memref_slice %arg3[%add3A, %dma_wait3A_87, %dma_wait3A_88] : memref<32x40x256xi32, #tpu.memory_space<hbm>> -> memref<1x40x256xi32, #tpu.memory_space<hbm>>
      %dma_wait3A_90 = tpu.memref_squeeze %dma_wait3A_89 : memref<1x40x256xi32, #tpu.memory_space<hbm>> -> memref<40x256xi32, #tpu.memory_space<hbm>>
      %dma_wait3A_91 = arith.constant 0 : i32
      %dma_wait3A_92 = arith.constant 0 : i32
      %dma_wait3A_93 = tpu.memref_slice %arg3[%add3A, %dma_wait3A_91, %dma_wait3A_92] : memref<32x40x256xi32, #tpu.memory_space<hbm>> -> memref<1x40x256xi32, #tpu.memory_space<hbm>>
      %dma_wait3A_94 = tpu.memref_squeeze %dma_wait3A_93 : memref<1x40x256xi32, #tpu.memory_space<hbm>> -> memref<40x256xi32, #tpu.memory_space<hbm>>
      tpu.wait_dma2 semaphore(%run_scoped3A_78 : memref<!tpu.dma_semaphore, #tpu.memory_space<semaphore_mem>>) src(%dma_wait3A_94 : memref<40x256xi32, #tpu.memory_space<hbm>>) dst(%arg7 : memref<40x256xi32, #tpu.memory_space<vmem>>)
      tpu.yield
    }) : () -> ()
    "tpu.region"() ({
      %run_scoped3A_78 = tpu.sem_alloc : memref<!tpu.dma_semaphore, #tpu.memory_space<semaphore_mem>>
      %dma_start3A_79 = arith.constant 0 : i32
      %dma_start3A_80 = arith.constant 0 : i32
      %dma_start3A_81 = tpu.memref_slice %arg4[%add3A, %dma_start3A_79, %dma_start3A_80] : memref<32x40x256xi32, #tpu.memory_space<hbm>> -> memref<1x40x256xi32, #tpu.memory_space<hbm>>
      %dma_start3A_82 = tpu.memref_squeeze %dma_start3A_81 : memref<1x40x256xi32, #tpu.memory_space<hbm>> -> memref<40x256xi32, #tpu.memory_space<hbm>>
      %dma_start3A_83 = arith.constant 0 : i32
      %dma_start3A_84 = arith.constant 0 : i32
      %dma_start3A_85 = tpu.memref_slice %arg4[%add3A, %dma_start3A_83, %dma_start3A_84] : memref<32x40x256xi32, #tpu.memory_space<hbm>> -> memref<1x40x256xi32, #tpu.memory_space<hbm>>
      %dma_start3A_86 = tpu.memref_squeeze %dma_start3A_85 : memref<1x40x256xi32, #tpu.memory_space<hbm>> -> memref<40x256xi32, #tpu.memory_space<hbm>>
      tpu.enqueue_dma source(%dma_start3A_86 : memref<40x256xi32, #tpu.memory_space<hbm>>) target(%arg8 : memref<40x256xi32, #tpu.memory_space<vmem>>) target_semaphore(%run_scoped3A_78 : memref<!tpu.dma_semaphore, #tpu.memory_space<semaphore_mem>>)
      %dma_wait3A_87 = arith.constant 0 : i32
      %dma_wait3A_88 = arith.constant 0 : i32
      %dma_wait3A_89 = tpu.memref_slice %arg4[%add3A, %dma_wait3A_87, %dma_wait3A_88] : memref<32x40x256xi32, #tpu.memory_space<hbm>> -> memref<1x40x256xi32, #tpu.memory_space<hbm>>
      %dma_wait3A_90 = tpu.memref_squeeze %dma_wait3A_89 : memref<1x40x256xi32, #tpu.memory_space<hbm>> -> memref<40x256xi32, #tpu.memory_space<hbm>>
      %dma_wait3A_91 = arith.constant 0 : i32
      %dma_wait3A_92 = arith.constant 0 : i32
      %dma_wait3A_93 = tpu.memref_slice %arg4[%add3A, %dma_wait3A_91, %dma_wait3A_92] : memref<32x40x256xi32, #tpu.memory_space<hbm>> -> memref<1x40x256xi32, #tpu.memory_space<hbm>>
      %dma_wait3A_94 = tpu.memref_squeeze %dma_wait3A_93 : memref<1x40x256xi32, #tpu.memory_space<hbm>> -> memref<40x256xi32, #tpu.memory_space<hbm>>
      tpu.wait_dma2 semaphore(%run_scoped3A_78 : memref<!tpu.dma_semaphore, #tpu.memory_space<semaphore_mem>>) src(%dma_wait3A_94 : memref<40x256xi32, #tpu.memory_space<hbm>>) dst(%arg8 : memref<40x256xi32, #tpu.memory_space<vmem>>)
      tpu.yield
    }) : () -> ()
    %barrier3A = arith.constant 0 : index
    tpu.barrier barrier_id(%barrier3A)
    %dma_start3A = arith.constant 0 : i32
    %dma_start3A_7 = arith.constant 0 : i32
    %dma_start3A_8 = tpu.memref_slice %arg7[%dma_start3A, %dma_start3A_7] : memref<40x256xi32, #tpu.memory_space<vmem>> -> memref<1x256xi32, #tpu.memory_space<vmem>>
    %dma_start3A_9 = tpu.memref_squeeze %dma_start3A_8 : memref<1x256xi32, #tpu.memory_space<vmem>> -> memref<256xi32, #tpu.memory_space<vmem>>
    %dma_start3A_10 = arith.constant 0 : i32
    %dma_start3A_11 = arith.constant 0 : i32
    %dma_start3A_12 = tpu.memref_slice %arg2[%dma_start3A_10, %dma_start3A_11] : memref<10000x64xf32, #tpu.memory_space<hbm>> -> memref<10000x64xf32, #tpu.memory_space<hbm>>
    tpu.enqueue_indirect_dma source(%dma_start3A_12 : memref<10000x64xf32, #tpu.memory_space<hbm>>) target(%arg9 : memref<256x64xf32, #tpu.memory_space<vmem>>) offsets(%dma_start3A_9 : memref<256xi32, #tpu.memory_space<vmem>>) semaphore(%arg14 : memref<!tpu.dma_semaphore, #tpu.memory_space<semaphore_mem>>)
    %dma_start3A_13 = arith.constant 1 : i32
    %dma_start3A_14 = arith.constant 0 : i32
    %dma_start3A_15 = tpu.memref_slice %arg7[%dma_start3A_13, %dma_start3A_14] : memref<40x256xi32, #tpu.memory_space<vmem>> -> memref<1x256xi32, #tpu.memory_space<vmem>>
    %dma_start3A_16 = tpu.memref_squeeze %dma_start3A_15 : memref<1x256xi32, #tpu.memory_space<vmem>> -> memref<256xi32, #tpu.memory_space<vmem>>
    %dma_start3A_17 = arith.constant 0 : i32
    %dma_start3A_18 = arith.constant 0 : i32
    %dma_start3A_19 = tpu.memref_slice %arg2[%dma_start3A_17, %dma_start3A_18] : memref<10000x64xf32, #tpu.memory_space<hbm>> -> memref<10000x64xf32, #tpu.memory_space<hbm>>
    tpu.enqueue_indirect_dma source(%dma_start3A_19 : memref<10000x64xf32, #tpu.memory_space<hbm>>) target(%arg10 : memref<256x64xf32, #tpu.memory_space<vmem>>) offsets(%dma_start3A_16 : memref<256xi32, #tpu.memory_space<vmem>>) semaphore(%arg15 : memref<!tpu.dma_semaphore, #tpu.memory_space<semaphore_mem>>)
    %dma_start3A_20 = arith.constant 2 : i32
    %dma_start3A_21 = arith.constant 0 : i32
    %dma_start3A_22 = tpu.memref_slice %arg7[%dma_start3A_20, %dma_start3A_21] : memref<40x256xi32, #tpu.memory_space<vmem>> -> memref<1x256xi32, #tpu.memory_space<vmem>>
    %dma_start3A_23 = tpu.memref_squeeze %dma_start3A_22 : memref<1x256xi32, #tpu.memory_space<vmem>> -> memref<256xi32, #tpu.memory_space<vmem>>
    %dma_start3A_24 = arith.constant 0 : i32
    %dma_start3A_25 = arith.constant 0 : i32
    %dma_start3A_26 = tpu.memref_slice %arg2[%dma_start3A_24, %dma_start3A_25] : memref<10000x64xf32, #tpu.memory_space<hbm>> -> memref<10000x64xf32, #tpu.memory_space<hbm>>
    tpu.enqueue_indirect_dma source(%dma_start3A_26 : memref<10000x64xf32, #tpu.memory_space<hbm>>) target(%arg11 : memref<256x64xf32, #tpu.memory_space<vmem>>) offsets(%dma_start3A_23 : memref<256xi32, #tpu.memory_space<vmem>>) semaphore(%arg16 : memref<!tpu.dma_semaphore, #tpu.memory_space<semaphore_mem>>)
    %scan3A = arith.constant 0 : i32
    %scan3A_27 = arith.constant 9 : i32
    %scan3A_28 = arith.addi %scan3A, %scan3A_27 : i32
    %scan3A_29 = arith.constant 1 : i32
    scf.for %scan3A_78 = %scan3A to %scan3A_28 step %scan3A_29  : i32 {
      %mul3A_79 = arith.constant 4 : i32
      %mul3A_80 = arith.muli %scan3A_78, %mul3A_79 : i32
      %add3A_81 = arith.constant 0 : i32
      %add3A_82 = arith.addi %add3A_81, %mul3A_80 : i32
      %add3A_83 = arith.constant 3 : i32
      %add3A_84 = arith.addi %add3A_82, %add3A_83 : i32
      %dma_start3A_85 = arith.constant 0 : i32
      %dma_start3A_86 = tpu.memref_slice %arg7[%add3A_84, %dma_start3A_85] : memref<40x256xi32, #tpu.memory_space<vmem>> -> memref<1x256xi32, #tpu.memory_space<vmem>>
      %dma_start3A_87 = tpu.memref_squeeze %dma_start3A_86 : memref<1x256xi32, #tpu.memory_space<vmem>> -> memref<256xi32, #tpu.memory_space<vmem>>
      %dma_start3A_88 = arith.constant 0 : i32
      %dma_start3A_89 = arith.constant 0 : i32
      %dma_start3A_90 = tpu.memref_slice %arg2[%dma_start3A_88, %dma_start3A_89] : memref<10000x64xf32, #tpu.memory_space<hbm>> -> memref<10000x64xf32, #tpu.memory_space<hbm>>
      tpu.enqueue_indirect_dma source(%dma_start3A_90 : memref<10000x64xf32, #tpu.memory_space<hbm>>) target(%arg12 : memref<256x64xf32, #tpu.memory_space<vmem>>) offsets(%dma_start3A_87 : memref<256xi32, #tpu.memory_space<vmem>>) semaphore(%arg17 : memref<!tpu.dma_semaphore, #tpu.memory_space<semaphore_mem>>)
      %dma_wait3A_91 = arith.constant 0 : i32
      %dma_wait3A_92 = tpu.memref_slice %arg7[%add3A_82, %dma_wait3A_91] : memref<40x256xi32, #tpu.memory_space<vmem>> -> memref<1x256xi32, #tpu.memory_space<vmem>>
      %dma_wait3A_93 = tpu.memref_squeeze %dma_wait3A_92 : memref<1x256xi32, #tpu.memory_space<vmem>> -> memref<256xi32, #tpu.memory_space<vmem>>
      %dma_wait3A_94 = arith.constant 0 : i32
      %dma_wait3A_95 = arith.constant 0 : i32
      %dma_wait3A_96 = tpu.memref_slice %arg2[%dma_wait3A_94, %dma_wait3A_95] : memref<10000x64xf32, #tpu.memory_space<hbm>> -> memref<10000x64xf32, #tpu.memory_space<hbm>>
      tpu.wait_indirect_dma semaphore(%arg14 : memref<!tpu.dma_semaphore, #tpu.memory_space<semaphore_mem>>) src(%dma_wait3A_96 : memref<10000x64xf32, #tpu.memory_space<hbm>>) dst(%arg9 : memref<256x64xf32, #tpu.memory_space<vmem>>)
      "tpu.region"() ({
        %run_scoped3A_145 = tpu.sem_alloc : memref<!tpu.dma_semaphore, #tpu.memory_space<semaphore_mem>>
        %dma_start3A_146 = arith.constant 0 : i32
        %dma_start3A_147 = tpu.memref_slice %arg8[%add3A_82, %dma_start3A_146] : memref<40x256xi32, #tpu.memory_space<vmem>> -> memref<1x256xi32, #tpu.memory_space<vmem>>
        %dma_start3A_148 = tpu.memref_squeeze %dma_start3A_147 : memref<1x256xi32, #tpu.memory_space<vmem>> -> memref<256xi32, #tpu.memory_space<vmem>>
        %dma_start3A_149 = arith.constant 0 : i32
        %dma_start3A_150 = arith.constant 0 : i32
        %dma_start3A_151 = tpu.memref_slice %arg13[%dma_start3A_149, %dma_start3A_150] : memref<10128x64xf32, #tpu.memory_space<vmem_shared>> -> memref<10128x64xf32, #tpu.memory_space<vmem_shared>>
        tpu.enqueue_indirect_dma source(%arg9 : memref<256x64xf32, #tpu.memory_space<vmem>>) target(%dma_start3A_151 : memref<10128x64xf32, #tpu.memory_space<vmem_shared>>) offsets(%dma_start3A_148 : memref<256xi32, #tpu.memory_space<vmem>>) semaphore(%run_scoped3A_145 : memref<!tpu.dma_semaphore, #tpu.memory_space<semaphore_mem>>) {add = true}
        %dma_wait3A_152 = arith.constant 0 : i32
        %dma_wait3A_153 = tpu.memref_slice %arg8[%add3A_82, %dma_wait3A_152] : memref<40x256xi32, #tpu.memory_space<vmem>> -> memref<1x256xi32, #tpu.memory_space<vmem>>
        %dma_wait3A_154 = tpu.memref_squeeze %dma_wait3A_153 : memref<1x256xi32, #tpu.memory_space<vmem>> -> memref<256xi32, #tpu.memory_space<vmem>>
        %dma_wait3A_155 = arith.constant 0 : i32
        %dma_wait3A_156 = arith.constant 0 : i32
        %dma_wait3A_157 = tpu.memref_slice %arg13[%dma_wait3A_155, %dma_wait3A_156] : memref<10128x64xf32, #tpu.memory_space<vmem_shared>> -> memref<10128x64xf32, #tpu.memory_space<vmem_shared>>
        tpu.wait_indirect_dma semaphore(%run_scoped3A_145 : memref<!tpu.dma_semaphore, #tpu.memory_space<semaphore_mem>>) src(%arg9 : memref<256x64xf32, #tpu.memory_space<vmem>>) dst(%dma_wait3A_157 : memref<10128x64xf32, #tpu.memory_space<vmem_shared>>)
        tpu.yield
      }) : () -> ()
      %add3A_97 = arith.constant 4 : i32
      %add3A_98 = arith.addi %add3A_82, %add3A_97 : i32
      %dma_start3A_99 = arith.constant 0 : i32
      %dma_start3A_100 = tpu.memref_slice %arg7[%add3A_98, %dma_start3A_99] : memref<40x256xi32, #tpu.memory_space<vmem>> -> memref<1x256xi32, #tpu.memory_space<vmem>>
      %dma_start3A_101 = tpu.memref_squeeze %dma_start3A_100 : memref<1x256xi32, #tpu.memory_space<vmem>> -> memref<256xi32, #tpu.memory_space<vmem>>
      %dma_start3A_102 = arith.constant 0 : i32
      %dma_start3A_103 = arith.constant 0 : i32
      %dma_start3A_104 = tpu.memref_slice %arg2[%dma_start3A_102, %dma_start3A_103] : memref<10000x64xf32, #tpu.memory_space<hbm>> -> memref<10000x64xf32, #tpu.memory_space<hbm>>
      tpu.enqueue_indirect_dma source(%dma_start3A_104 : memref<10000x64xf32, #tpu.memory_space<hbm>>) target(%arg9 : memref<256x64xf32, #tpu.memory_space<vmem>>) offsets(%dma_start3A_101 : memref<256xi32, #tpu.memory_space<vmem>>) semaphore(%arg14 : memref<!tpu.dma_semaphore, #tpu.memory_space<semaphore_mem>>)
      %add3A_105 = arith.constant 1 : i32
      %add3A_106 = arith.addi %add3A_82, %add3A_105 : i32
      %dma_wait3A_107 = arith.constant 0 : i32
      %dma_wait3A_108 = tpu.memref_slice %arg7[%add3A_106, %dma_wait3A_107] : memref<40x256xi32, #tpu.memory_space<vmem>> -> memref<1x256xi32, #tpu.memory_space<vmem>>
      %dma_wait3A_109 = tpu.memref_squeeze %dma_wait3A_108 : memref<1x256xi32, #tpu.memory_space<vmem>> -> memref<256xi32, #tpu.memory_space<vmem>>
      %dma_wait3A_110 = arith.constant 0 : i32
      %dma_wait3A_111 = arith.constant 0 : i32
      %dma_wait3A_112 = tpu.memref_slice %arg2[%dma_wait3A_110, %dma_wait3A_111] : memref<10000x64xf32, #tpu.memory_space<hbm>> -> memref<10000x64xf32, #tpu.memory_space<hbm>>
      tpu.wait_indirect_dma semaphore(%arg15 : memref<!tpu.dma_semaphore, #tpu.memory_space<semaphore_mem>>) src(%dma_wait3A_112 : memref<10000x64xf32, #tpu.memory_space<hbm>>) dst(%arg10 : memref<256x64xf32, #tpu.memory_space<vmem>>)
      "tpu.region"() ({
        %run_scoped3A_145 = tpu.sem_alloc : memref<!tpu.dma_semaphore, #tpu.memory_space<semaphore_mem>>
        %dma_start3A_146 = arith.constant 0 : i32
        %dma_start3A_147 = tpu.memref_slice %arg8[%add3A_106, %dma_start3A_146] : memref<40x256xi32, #tpu.memory_space<vmem>> -> memref<1x256xi32, #tpu.memory_space<vmem>>
        %dma_start3A_148 = tpu.memref_squeeze %dma_start3A_147 : memref<1x256xi32, #tpu.memory_space<vmem>> -> memref<256xi32, #tpu.memory_space<vmem>>
        %dma_start3A_149 = arith.constant 0 : i32
        %dma_start3A_150 = arith.constant 0 : i32
        %dma_start3A_151 = tpu.memref_slice %arg13[%dma_start3A_149, %dma_start3A_150] : memref<10128x64xf32, #tpu.memory_space<vmem_shared>> -> memref<10128x64xf32, #tpu.memory_space<vmem_shared>>
        tpu.enqueue_indirect_dma source(%arg10 : memref<256x64xf32, #tpu.memory_space<vmem>>) target(%dma_start3A_151 : memref<10128x64xf32, #tpu.memory_space<vmem_shared>>) offsets(%dma_start3A_148 : memref<256xi32, #tpu.memory_space<vmem>>) semaphore(%run_scoped3A_145 : memref<!tpu.dma_semaphore, #tpu.memory_space<semaphore_mem>>) {add = true}
        %dma_wait3A_152 = arith.constant 0 : i32
        %dma_wait3A_153 = tpu.memref_slice %arg8[%add3A_106, %dma_wait3A_152] : memref<40x256xi32, #tpu.memory_space<vmem>> -> memref<1x256xi32, #tpu.memory_space<vmem>>
        %dma_wait3A_154 = tpu.memref_squeeze %dma_wait3A_153 : memref<1x256xi32, #tpu.memory_space<vmem>> -> memref<256xi32, #tpu.memory_space<vmem>>
        %dma_wait3A_155 = arith.constant 0 : i32
        %dma_wait3A_156 = arith.constant 0 : i32
        %dma_wait3A_157 = tpu.memref_slice %arg13[%dma_wait3A_155, %dma_wait3A_156] : memref<10128x64xf32, #tpu.memory_space<vmem_shared>> -> memref<10128x64xf32, #tpu.memory_space<vmem_shared>>
        tpu.wait_indirect_dma semaphore(%run_scoped3A_145 : memref<!tpu.dma_semaphore, #tpu.memory_space<semaphore_mem>>) src(%arg10 : memref<256x64xf32, #tpu.memory_space<vmem>>) dst(%dma_wait3A_157 : memref<10128x64xf32, #tpu.memory_space<vmem_shared>>)
        tpu.yield
      }) : () -> ()
      %add3A_113 = arith.constant 5 : i32
      %add3A_114 = arith.addi %add3A_82, %add3A_113 : i32
      %dma_start3A_115 = arith.constant 0 : i32
      %dma_start3A_116 = tpu.memref_slice %arg7[%add3A_114, %dma_start3A_115] : memref<40x256xi32, #tpu.memory_space<vmem>> -> memref<1x256xi32, #tpu.memory_space<vmem>>
      %dma_start3A_117 = tpu.memref_squeeze %dma_start3A_116 : memref<1x256xi32, #tpu.memory_space<vmem>> -> memref<256xi32, #tpu.memory_space<vmem>>
      %dma_start3A_118 = arith.constant 0 : i32
      %dma_start3A_119 = arith.constant 0 : i32
      %dma_start3A_120 = tpu.memref_slice %arg2[%dma_start3A_118, %dma_start3A_119] : memref<10000x64xf32, #tpu.memory_space<hbm>> -> memref<10000x64xf32, #tpu.memory_space<hbm>>
      tpu.enqueue_indirect_dma source(%dma_start3A_120 : memref<10000x64xf32, #tpu.memory_space<hbm>>) target(%arg10 : memref<256x64xf32, #tpu.memory_space<vmem>>) offsets(%dma_start3A_117 : memref<256xi32, #tpu.memory_space<vmem>>) semaphore(%arg15 : memref<!tpu.dma_semaphore, #tpu.memory_space<semaphore_mem>>)
      %add3A_121 = arith.constant 2 : i32
      %add3A_122 = arith.addi %add3A_82, %add3A_121 : i32
      %dma_wait3A_123 = arith.constant 0 : i32
      %dma_wait3A_124 = tpu.memref_slice %arg7[%add3A_122, %dma_wait3A_123] : memref<40x256xi32, #tpu.memory_space<vmem>> -> memref<1x256xi32, #tpu.memory_space<vmem>>
      %dma_wait3A_125 = tpu.memref_squeeze %dma_wait3A_124 : memref<1x256xi32, #tpu.memory_space<vmem>> -> memref<256xi32, #tpu.memory_space<vmem>>
      %dma_wait3A_126 = arith.constant 0 : i32
      %dma_wait3A_127 = arith.constant 0 : i32
      %dma_wait3A_128 = tpu.memref_slice %arg2[%dma_wait3A_126, %dma_wait3A_127] : memref<10000x64xf32, #tpu.memory_space<hbm>> -> memref<10000x64xf32, #tpu.memory_space<hbm>>
      tpu.wait_indirect_dma semaphore(%arg16 : memref<!tpu.dma_semaphore, #tpu.memory_space<semaphore_mem>>) src(%dma_wait3A_128 : memref<10000x64xf32, #tpu.memory_space<hbm>>) dst(%arg11 : memref<256x64xf32, #tpu.memory_space<vmem>>)
      "tpu.region"() ({
        %run_scoped3A_145 = tpu.sem_alloc : memref<!tpu.dma_semaphore, #tpu.memory_space<semaphore_mem>>
        %dma_start3A_146 = arith.constant 0 : i32
        %dma_start3A_147 = tpu.memref_slice %arg8[%add3A_122, %dma_start3A_146] : memref<40x256xi32, #tpu.memory_space<vmem>> -> memref<1x256xi32, #tpu.memory_space<vmem>>
        %dma_start3A_148 = tpu.memref_squeeze %dma_start3A_147 : memref<1x256xi32, #tpu.memory_space<vmem>> -> memref<256xi32, #tpu.memory_space<vmem>>
        %dma_start3A_149 = arith.constant 0 : i32
        %dma_start3A_150 = arith.constant 0 : i32
        %dma_start3A_151 = tpu.memref_slice %arg13[%dma_start3A_149, %dma_start3A_150] : memref<10128x64xf32, #tpu.memory_space<vmem_shared>> -> memref<10128x64xf32, #tpu.memory_space<vmem_shared>>
        tpu.enqueue_indirect_dma source(%arg11 : memref<256x64xf32, #tpu.memory_space<vmem>>) target(%dma_start3A_151 : memref<10128x64xf32, #tpu.memory_space<vmem_shared>>) offsets(%dma_start3A_148 : memref<256xi32, #tpu.memory_space<vmem>>) semaphore(%run_scoped3A_145 : memref<!tpu.dma_semaphore, #tpu.memory_space<semaphore_mem>>) {add = true}
        %dma_wait3A_152 = arith.constant 0 : i32
        %dma_wait3A_153 = tpu.memref_slice %arg8[%add3A_122, %dma_wait3A_152] : memref<40x256xi32, #tpu.memory_space<vmem>> -> memref<1x256xi32, #tpu.memory_space<vmem>>
        %dma_wait3A_154 = tpu.memref_squeeze %dma_wait3A_153 : memref<1x256xi32, #tpu.memory_space<vmem>> -> memref<256xi32, #tpu.memory_space<vmem>>
        %dma_wait3A_155 = arith.constant 0 : i32
        %dma_wait3A_156 = arith.constant 0 : i32
        %dma_wait3A_157 = tpu.memref_slice %arg13[%dma_wait3A_155, %dma_wait3A_156] : memref<10128x64xf32, #tpu.memory_space<vmem_shared>> -> memref<10128x64xf32, #tpu.memory_space<vmem_shared>>
        tpu.wait_indirect_dma semaphore(%run_scoped3A_145 : memref<!tpu.dma_semaphore, #tpu.memory_space<semaphore_mem>>) src(%arg11 : memref<256x64xf32, #tpu.memory_space<vmem>>) dst(%dma_wait3A_157 : memref<10128x64xf32, #tpu.memory_space<vmem_shared>>)
        tpu.yield
      }) : () -> ()
      %add3A_129 = arith.constant 6 : i32
      %add3A_130 = arith.addi %add3A_82, %add3A_129 : i32
      %dma_start3A_131 = arith.constant 0 : i32
      %dma_start3A_132 = tpu.memref_slice %arg7[%add3A_130, %dma_start3A_131] : memref<40x256xi32, #tpu.memory_space<vmem>> -> memref<1x256xi32, #tpu.memory_space<vmem>>
      %dma_start3A_133 = tpu.memref_squeeze %dma_start3A_132 : memref<1x256xi32, #tpu.memory_space<vmem>> -> memref<256xi32, #tpu.memory_space<vmem>>
      %dma_start3A_134 = arith.constant 0 : i32
      %dma_start3A_135 = arith.constant 0 : i32
      %dma_start3A_136 = tpu.memref_slice %arg2[%dma_start3A_134, %dma_start3A_135] : memref<10000x64xf32, #tpu.memory_space<hbm>> -> memref<10000x64xf32, #tpu.memory_space<hbm>>
      tpu.enqueue_indirect_dma source(%dma_start3A_136 : memref<10000x64xf32, #tpu.memory_space<hbm>>) target(%arg11 : memref<256x64xf32, #tpu.memory_space<vmem>>) offsets(%dma_start3A_133 : memref<256xi32, #tpu.memory_space<vmem>>) semaphore(%arg16 : memref<!tpu.dma_semaphore, #tpu.memory_space<semaphore_mem>>)
      %add3A_137 = arith.constant 3 : i32
      %add3A_138 = arith.addi %add3A_82, %add3A_137 : i32
      %dma_wait3A_139 = arith.constant 0 : i32
      %dma_wait3A_140 = tpu.memref_slice %arg7[%add3A_138, %dma_wait3A_139] : memref<40x256xi32, #tpu.memory_space<vmem>> -> memref<1x256xi32, #tpu.memory_space<vmem>>
      %dma_wait3A_141 = tpu.memref_squeeze %dma_wait3A_140 : memref<1x256xi32, #tpu.memory_space<vmem>> -> memref<256xi32, #tpu.memory_space<vmem>>
      %dma_wait3A_142 = arith.constant 0 : i32
      %dma_wait3A_143 = arith.constant 0 : i32
      %dma_wait3A_144 = tpu.memref_slice %arg2[%dma_wait3A_142, %dma_wait3A_143] : memref<10000x64xf32, #tpu.memory_space<hbm>> -> memref<10000x64xf32, #tpu.memory_space<hbm>>
      tpu.wait_indirect_dma semaphore(%arg17 : memref<!tpu.dma_semaphore, #tpu.memory_space<semaphore_mem>>) src(%dma_wait3A_144 : memref<10000x64xf32, #tpu.memory_space<hbm>>) dst(%arg12 : memref<256x64xf32, #tpu.memory_space<vmem>>)
      "tpu.region"() ({
        %run_scoped3A_145 = tpu.sem_alloc : memref<!tpu.dma_semaphore, #tpu.memory_space<semaphore_mem>>
        %dma_start3A_146 = arith.constant 0 : i32
        %dma_start3A_147 = tpu.memref_slice %arg8[%add3A_138, %dma_start3A_146] : memref<40x256xi32, #tpu.memory_space<vmem>> -> memref<1x256xi32, #tpu.memory_space<vmem>>
        %dma_start3A_148 = tpu.memref_squeeze %dma_start3A_147 : memref<1x256xi32, #tpu.memory_space<vmem>> -> memref<256xi32, #tpu.memory_space<vmem>>
        %dma_start3A_149 = arith.constant 0 : i32
        %dma_start3A_150 = arith.constant 0 : i32
        %dma_start3A_151 = tpu.memref_slice %arg13[%dma_start3A_149, %dma_start3A_150] : memref<10128x64xf32, #tpu.memory_space<vmem_shared>> -> memref<10128x64xf32, #tpu.memory_space<vmem_shared>>
        tpu.enqueue_indirect_dma source(%arg12 : memref<256x64xf32, #tpu.memory_space<vmem>>) target(%dma_start3A_151 : memref<10128x64xf32, #tpu.memory_space<vmem_shared>>) offsets(%dma_start3A_148 : memref<256xi32, #tpu.memory_space<vmem>>) semaphore(%run_scoped3A_145 : memref<!tpu.dma_semaphore, #tpu.memory_space<semaphore_mem>>) {add = true}
        %dma_wait3A_152 = arith.constant 0 : i32
        %dma_wait3A_153 = tpu.memref_slice %arg8[%add3A_138, %dma_wait3A_152] : memref<40x256xi32, #tpu.memory_space<vmem>> -> memref<1x256xi32, #tpu.memory_space<vmem>>
        %dma_wait3A_154 = tpu.memref_squeeze %dma_wait3A_153 : memref<1x256xi32, #tpu.memory_space<vmem>> -> memref<256xi32, #tpu.memory_space<vmem>>
        %dma_wait3A_155 = arith.constant 0 : i32
        %dma_wait3A_156 = arith.constant 0 : i32
        %dma_wait3A_157 = tpu.memref_slice %arg13[%dma_wait3A_155, %dma_wait3A_156] : memref<10128x64xf32, #tpu.memory_space<vmem_shared>> -> memref<10128x64xf32, #tpu.memory_space<vmem_shared>>
        tpu.wait_indirect_dma semaphore(%run_scoped3A_145 : memref<!tpu.dma_semaphore, #tpu.memory_space<semaphore_mem>>) src(%arg12 : memref<256x64xf32, #tpu.memory_space<vmem>>) dst(%dma_wait3A_157 : memref<10128x64xf32, #tpu.memory_space<vmem_shared>>)
        tpu.yield
      }) : () -> ()
    }
    %scan3A_30 = arith.constant 9 : i32
    %dma_start3A_31 = arith.constant 39 : i32
    %dma_start3A_32 = arith.constant 0 : i32
    %dma_start3A_33 = tpu.memref_slice %arg7[%dma_start3A_31, %dma_start3A_32] : memref<40x256xi32, #tpu.memory_space<vmem>> -> memref<1x256xi32, #tpu.memory_space<vmem>>
    %dma_start3A_34 = tpu.memref_squeeze %dma_start3A_33 : memref<1x256xi32, #tpu.memory_space<vmem>> -> memref<256xi32, #tpu.memory_space<vmem>>
    %dma_start3A_35 = arith.constant 0 : i32
    %dma_start3A_36 = arith.constant 0 : i32
    %dma_start3A_37 = tpu.memref_slice %arg2[%dma_start3A_35, %dma_start3A_36] : memref<10000x64xf32, #tpu.memory_space<hbm>> -> memref<10000x64xf32, #tpu.memory_space<hbm>>
    tpu.enqueue_indirect_dma source(%dma_start3A_37 : memref<10000x64xf32, #tpu.memory_space<hbm>>) target(%arg12 : memref<256x64xf32, #tpu.memory_space<vmem>>) offsets(%dma_start3A_34 : memref<256xi32, #tpu.memory_space<vmem>>) semaphore(%arg17 : memref<!tpu.dma_semaphore, #tpu.memory_space<semaphore_mem>>)
    %dma_wait3A = arith.constant 36 : i32
    %dma_wait3A_38 = arith.constant 0 : i32
    %dma_wait3A_39 = tpu.memref_slice %arg7[%dma_wait3A, %dma_wait3A_38] : memref<40x256xi32, #tpu.memory_space<vmem>> -> memref<1x256xi32, #tpu.memory_space<vmem>>
    %dma_wait3A_40 = tpu.memref_squeeze %dma_wait3A_39 : memref<1x256xi32, #tpu.memory_space<vmem>> -> memref<256xi32, #tpu.memory_space<vmem>>
    %dma_wait3A_41 = arith.constant 0 : i32
    %dma_wait3A_42 = arith.constant 0 : i32
    %dma_wait3A_43 = tpu.memref_slice %arg2[%dma_wait3A_41, %dma_wait3A_42] : memref<10000x64xf32, #tpu.memory_space<hbm>> -> memref<10000x64xf32, #tpu.memory_space<hbm>>
    tpu.wait_indirect_dma semaphore(%arg14 : memref<!tpu.dma_semaphore, #tpu.memory_space<semaphore_mem>>) src(%dma_wait3A_43 : memref<10000x64xf32, #tpu.memory_space<hbm>>) dst(%arg9 : memref<256x64xf32, #tpu.memory_space<vmem>>)
    %run_scoped3A = arith.constant 36 : i32
    "tpu.region"() ({
      %run_scoped3A_78 = tpu.sem_alloc : memref<!tpu.dma_semaphore, #tpu.memory_space<semaphore_mem>>
      %dma_start3A_79 = arith.constant 0 : i32
      %dma_start3A_80 = tpu.memref_slice %arg8[%run_scoped3A, %dma_start3A_79] : memref<40x256xi32, #tpu.memory_space<vmem>> -> memref<1x256xi32, #tpu.memory_space<vmem>>
      %dma_start3A_81 = tpu.memref_squeeze %dma_start3A_80 : memref<1x256xi32, #tpu.memory_space<vmem>> -> memref<256xi32, #tpu.memory_space<vmem>>
      %dma_start3A_82 = arith.constant 0 : i32
      %dma_start3A_83 = arith.constant 0 : i32
      %dma_start3A_84 = tpu.memref_slice %arg13[%dma_start3A_82, %dma_start3A_83] : memref<10128x64xf32, #tpu.memory_space<vmem_shared>> -> memref<10128x64xf32, #tpu.memory_space<vmem_shared>>
      tpu.enqueue_indirect_dma source(%arg9 : memref<256x64xf32, #tpu.memory_space<vmem>>) target(%dma_start3A_84 : memref<10128x64xf32, #tpu.memory_space<vmem_shared>>) offsets(%dma_start3A_81 : memref<256xi32, #tpu.memory_space<vmem>>) semaphore(%run_scoped3A_78 : memref<!tpu.dma_semaphore, #tpu.memory_space<semaphore_mem>>) {add = true}
      %dma_wait3A_85 = arith.constant 0 : i32
      %dma_wait3A_86 = tpu.memref_slice %arg8[%run_scoped3A, %dma_wait3A_85] : memref<40x256xi32, #tpu.memory_space<vmem>> -> memref<1x256xi32, #tpu.memory_space<vmem>>
      %dma_wait3A_87 = tpu.memref_squeeze %dma_wait3A_86 : memref<1x256xi32, #tpu.memory_space<vmem>> -> memref<256xi32, #tpu.memory_space<vmem>>
      %dma_wait3A_88 = arith.constant 0 : i32
      %dma_wait3A_89 = arith.constant 0 : i32
      %dma_wait3A_90 = tpu.memref_slice %arg13[%dma_wait3A_88, %dma_wait3A_89] : memref<10128x64xf32, #tpu.memory_space<vmem_shared>> -> memref<10128x64xf32, #tpu.memory_space<vmem_shared>>
      tpu.wait_indirect_dma semaphore(%run_scoped3A_78 : memref<!tpu.dma_semaphore, #tpu.memory_space<semaphore_mem>>) src(%arg9 : memref<256x64xf32, #tpu.memory_space<vmem>>) dst(%dma_wait3A_90 : memref<10128x64xf32, #tpu.memory_space<vmem_shared>>)
      tpu.yield
    }) : () -> ()
    %dma_wait3A_44 = arith.constant 37 : i32
    %dma_wait3A_45 = arith.constant 0 : i32
    %dma_wait3A_46 = tpu.memref_slice %arg7[%dma_wait3A_44, %dma_wait3A_45] : memref<40x256xi32, #tpu.memory_space<vmem>> -> memref<1x256xi32, #tpu.memory_space<vmem>>
    %dma_wait3A_47 = tpu.memref_squeeze %dma_wait3A_46 : memref<1x256xi32, #tpu.memory_space<vmem>> -> memref<256xi32, #tpu.memory_space<vmem>>
    %dma_wait3A_48 = arith.constant 0 : i32
    %dma_wait3A_49 = arith.constant 0 : i32
    %dma_wait3A_50 = tpu.memref_slice %arg2[%dma_wait3A_48, %dma_wait3A_49] : memref<10000x64xf32, #tpu.memory_space<hbm>> -> memref<10000x64xf32, #tpu.memory_space<hbm>>
    tpu.wait_indirect_dma semaphore(%arg15 : memref<!tpu.dma_semaphore, #tpu.memory_space<semaphore_mem>>) src(%dma_wait3A_50 : memref<10000x64xf32, #tpu.memory_space<hbm>>) dst(%arg10 : memref<256x64xf32, #tpu.memory_space<vmem>>)
    %run_scoped3A_51 = arith.constant 37 : i32
    "tpu.region"() ({
      %run_scoped3A_78 = tpu.sem_alloc : memref<!tpu.dma_semaphore, #tpu.memory_space<semaphore_mem>>
      %dma_start3A_79 = arith.constant 0 : i32
      %dma_start3A_80 = tpu.memref_slice %arg8[%run_scoped3A_51, %dma_start3A_79] : memref<40x256xi32, #tpu.memory_space<vmem>> -> memref<1x256xi32, #tpu.memory_space<vmem>>
      %dma_start3A_81 = tpu.memref_squeeze %dma_start3A_80 : memref<1x256xi32, #tpu.memory_space<vmem>> -> memref<256xi32, #tpu.memory_space<vmem>>
      %dma_start3A_82 = arith.constant 0 : i32
      %dma_start3A_83 = arith.constant 0 : i32
      %dma_start3A_84 = tpu.memref_slice %arg13[%dma_start3A_82, %dma_start3A_83] : memref<10128x64xf32, #tpu.memory_space<vmem_shared>> -> memref<10128x64xf32, #tpu.memory_space<vmem_shared>>
      tpu.enqueue_indirect_dma source(%arg10 : memref<256x64xf32, #tpu.memory_space<vmem>>) target(%dma_start3A_84 : memref<10128x64xf32, #tpu.memory_space<vmem_shared>>) offsets(%dma_start3A_81 : memref<256xi32, #tpu.memory_space<vmem>>) semaphore(%run_scoped3A_78 : memref<!tpu.dma_semaphore, #tpu.memory_space<semaphore_mem>>) {add = true}
      %dma_wait3A_85 = arith.constant 0 : i32
      %dma_wait3A_86 = tpu.memref_slice %arg8[%run_scoped3A_51, %dma_wait3A_85] : memref<40x256xi32, #tpu.memory_space<vmem>> -> memref<1x256xi32, #tpu.memory_space<vmem>>
      %dma_wait3A_87 = tpu.memref_squeeze %dma_wait3A_86 : memref<1x256xi32, #tpu.memory_space<vmem>> -> memref<256xi32, #tpu.memory_space<vmem>>
      %dma_wait3A_88 = arith.constant 0 : i32
      %dma_wait3A_89 = arith.constant 0 : i32
      %dma_wait3A_90 = tpu.memref_slice %arg13[%dma_wait3A_88, %dma_wait3A_89] : memref<10128x64xf32, #tpu.memory_space<vmem_shared>> -> memref<10128x64xf32, #tpu.memory_space<vmem_shared>>
      tpu.wait_indirect_dma semaphore(%run_scoped3A_78 : memref<!tpu.dma_semaphore, #tpu.memory_space<semaphore_mem>>) src(%arg10 : memref<256x64xf32, #tpu.memory_space<vmem>>) dst(%dma_wait3A_90 : memref<10128x64xf32, #tpu.memory_space<vmem_shared>>)
      tpu.yield
    }) : () -> ()
    %dma_wait3A_52 = arith.constant 38 : i32
    %dma_wait3A_53 = arith.constant 0 : i32
    %dma_wait3A_54 = tpu.memref_slice %arg7[%dma_wait3A_52, %dma_wait3A_53] : memref<40x256xi32, #tpu.memory_space<vmem>> -> memref<1x256xi32, #tpu.memory_space<vmem>>
    %dma_wait3A_55 = tpu.memref_squeeze %dma_wait3A_54 : memref<1x256xi32, #tpu.memory_space<vmem>> -> memref<256xi32, #tpu.memory_space<vmem>>
    %dma_wait3A_56 = arith.constant 0 : i32
    %dma_wait3A_57 = arith.constant 0 : i32
    %dma_wait3A_58 = tpu.memref_slice %arg2[%dma_wait3A_56, %dma_wait3A_57] : memref<10000x64xf32, #tpu.memory_space<hbm>> -> memref<10000x64xf32, #tpu.memory_space<hbm>>
    tpu.wait_indirect_dma semaphore(%arg16 : memref<!tpu.dma_semaphore, #tpu.memory_space<semaphore_mem>>) src(%dma_wait3A_58 : memref<10000x64xf32, #tpu.memory_space<hbm>>) dst(%arg11 : memref<256x64xf32, #tpu.memory_space<vmem>>)
    %run_scoped3A_59 = arith.constant 38 : i32
    "tpu.region"() ({
      %run_scoped3A_78 = tpu.sem_alloc : memref<!tpu.dma_semaphore, #tpu.memory_space<semaphore_mem>>
      %dma_start3A_79 = arith.constant 0 : i32
      %dma_start3A_80 = tpu.memref_slice %arg8[%run_scoped3A_59, %dma_start3A_79] : memref<40x256xi32, #tpu.memory_space<vmem>> -> memref<1x256xi32, #tpu.memory_space<vmem>>
      %dma_start3A_81 = tpu.memref_squeeze %dma_start3A_80 : memref<1x256xi32, #tpu.memory_space<vmem>> -> memref<256xi32, #tpu.memory_space<vmem>>
      %dma_start3A_82 = arith.constant 0 : i32
      %dma_start3A_83 = arith.constant 0 : i32
      %dma_start3A_84 = tpu.memref_slice %arg13[%dma_start3A_82, %dma_start3A_83] : memref<10128x64xf32, #tpu.memory_space<vmem_shared>> -> memref<10128x64xf32, #tpu.memory_space<vmem_shared>>
      tpu.enqueue_indirect_dma source(%arg11 : memref<256x64xf32, #tpu.memory_space<vmem>>) target(%dma_start3A_84 : memref<10128x64xf32, #tpu.memory_space<vmem_shared>>) offsets(%dma_start3A_81 : memref<256xi32, #tpu.memory_space<vmem>>) semaphore(%run_scoped3A_78 : memref<!tpu.dma_semaphore, #tpu.memory_space<semaphore_mem>>) {add = true}
      %dma_wait3A_85 = arith.constant 0 : i32
      %dma_wait3A_86 = tpu.memref_slice %arg8[%run_scoped3A_59, %dma_wait3A_85] : memref<40x256xi32, #tpu.memory_space<vmem>> -> memref<1x256xi32, #tpu.memory_space<vmem>>
      %dma_wait3A_87 = tpu.memref_squeeze %dma_wait3A_86 : memref<1x256xi32, #tpu.memory_space<vmem>> -> memref<256xi32, #tpu.memory_space<vmem>>
      %dma_wait3A_88 = arith.constant 0 : i32
      %dma_wait3A_89 = arith.constant 0 : i32
      %dma_wait3A_90 = tpu.memref_slice %arg13[%dma_wait3A_88, %dma_wait3A_89] : memref<10128x64xf32, #tpu.memory_space<vmem_shared>> -> memref<10128x64xf32, #tpu.memory_space<vmem_shared>>
      tpu.wait_indirect_dma semaphore(%run_scoped3A_78 : memref<!tpu.dma_semaphore, #tpu.memory_space<semaphore_mem>>) src(%arg11 : memref<256x64xf32, #tpu.memory_space<vmem>>) dst(%dma_wait3A_90 : memref<10128x64xf32, #tpu.memory_space<vmem_shared>>)
      tpu.yield
    }) : () -> ()
    %dma_wait3A_60 = arith.constant 39 : i32
    %dma_wait3A_61 = arith.constant 0 : i32
    %dma_wait3A_62 = tpu.memref_slice %arg7[%dma_wait3A_60, %dma_wait3A_61] : memref<40x256xi32, #tpu.memory_space<vmem>> -> memref<1x256xi32, #tpu.memory_space<vmem>>
    %dma_wait3A_63 = tpu.memref_squeeze %dma_wait3A_62 : memref<1x256xi32, #tpu.memory_space<vmem>> -> memref<256xi32, #tpu.memory_space<vmem>>
    %dma_wait3A_64 = arith.constant 0 : i32
    %dma_wait3A_65 = arith.constant 0 : i32
    %dma_wait3A_66 = tpu.memref_slice %arg2[%dma_wait3A_64, %dma_wait3A_65] : memref<10000x64xf32, #tpu.memory_space<hbm>> -> memref<10000x64xf32, #tpu.memory_space<hbm>>
    tpu.wait_indirect_dma semaphore(%arg17 : memref<!tpu.dma_semaphore, #tpu.memory_space<semaphore_mem>>) src(%dma_wait3A_66 : memref<10000x64xf32, #tpu.memory_space<hbm>>) dst(%arg12 : memref<256x64xf32, #tpu.memory_space<vmem>>)
    %run_scoped3A_67 = arith.constant 39 : i32
    "tpu.region"() ({
      %run_scoped3A_78 = tpu.sem_alloc : memref<!tpu.dma_semaphore, #tpu.memory_space<semaphore_mem>>
      %dma_start3A_79 = arith.constant 0 : i32
      %dma_start3A_80 = tpu.memref_slice %arg8[%run_scoped3A_67, %dma_start3A_79] : memref<40x256xi32, #tpu.memory_space<vmem>> -> memref<1x256xi32, #tpu.memory_space<vmem>>
      %dma_start3A_81 = tpu.memref_squeeze %dma_start3A_80 : memref<1x256xi32, #tpu.memory_space<vmem>> -> memref<256xi32, #tpu.memory_space<vmem>>
      %dma_start3A_82 = arith.constant 0 : i32
      %dma_start3A_83 = arith.constant 0 : i32
      %dma_start3A_84 = tpu.memref_slice %arg13[%dma_start3A_82, %dma_start3A_83] : memref<10128x64xf32, #tpu.memory_space<vmem_shared>> -> memref<10128x64xf32, #tpu.memory_space<vmem_shared>>
      tpu.enqueue_indirect_dma source(%arg12 : memref<256x64xf32, #tpu.memory_space<vmem>>) target(%dma_start3A_84 : memref<10128x64xf32, #tpu.memory_space<vmem_shared>>) offsets(%dma_start3A_81 : memref<256xi32, #tpu.memory_space<vmem>>) semaphore(%run_scoped3A_78 : memref<!tpu.dma_semaphore, #tpu.memory_space<semaphore_mem>>) {add = true}
      %dma_wait3A_85 = arith.constant 0 : i32
      %dma_wait3A_86 = tpu.memref_slice %arg8[%run_scoped3A_67, %dma_wait3A_85] : memref<40x256xi32, #tpu.memory_space<vmem>> -> memref<1x256xi32, #tpu.memory_space<vmem>>
      %dma_wait3A_87 = tpu.memref_squeeze %dma_wait3A_86 : memref<1x256xi32, #tpu.memory_space<vmem>> -> memref<256xi32, #tpu.memory_space<vmem>>
      %dma_wait3A_88 = arith.constant 0 : i32
      %dma_wait3A_89 = arith.constant 0 : i32
      %dma_wait3A_90 = tpu.memref_slice %arg13[%dma_wait3A_88, %dma_wait3A_89] : memref<10128x64xf32, #tpu.memory_space<vmem_shared>> -> memref<10128x64xf32, #tpu.memory_space<vmem_shared>>
      tpu.wait_indirect_dma semaphore(%run_scoped3A_78 : memref<!tpu.dma_semaphore, #tpu.memory_space<semaphore_mem>>) src(%arg12 : memref<256x64xf32, #tpu.memory_space<vmem>>) dst(%dma_wait3A_90 : memref<10128x64xf32, #tpu.memory_space<vmem_shared>>)
      tpu.yield
    }) : () -> ()
    %barrier3A_68 = arith.constant 0 : index
    tpu.barrier barrier_id(%barrier3A_68)
    %mul3A_69 = arith.constant 624 : i32
    %mul3A_70 = arith.muli %arg1, %mul3A_69 : i32
    %mul3A_71 = arith.constant 624 : i32
    %mul3A_72 = arith.muli %arg1, %mul3A_71 : i32
    "tpu.region"() ({
      %run_scoped3A_78 = tpu.sem_alloc : memref<!tpu.dma_semaphore, #tpu.memory_space<semaphore_mem>>
      %dma_start3A_79 = arith.constant 0 : i32
      %dma_start3A_80 = arith.constant 0 : i32
      %dma_start3A_81 = tpu.memref_slice %arg6[%arg0, %dma_start3A_79, %dma_start3A_80] : memref<2x10000x64xf32, #tpu.memory_space<hbm>> -> memref<1x10000x64xf32, #tpu.memory_space<hbm>>
      %dma_start3A_82 = tpu.memref_squeeze %dma_start3A_81 : memref<1x10000x64xf32, #tpu.memory_space<hbm>> -> memref<10000x64xf32, #tpu.memory_space<hbm>>
      %dma_start3A_83 = arith.constant 0 : i32
      %dma_start3A_84 = tpu.memref_slice %dma_start3A_82[%mul3A_72, %dma_start3A_83] : memref<10000x64xf32, #tpu.memory_space<hbm>> -> memref<624x64xf32, #tpu.memory_space<hbm>>
      %dma_start3A_85 = arith.constant 0 : i32
      %dma_start3A_86 = tpu.memref_slice %arg13[%mul3A_70, %dma_start3A_85] : memref<10128x64xf32, #tpu.memory_space<vmem_shared>> -> memref<624x64xf32, #tpu.memory_space<vmem_shared>>
      tpu.enqueue_dma source(%dma_start3A_86 : memref<624x64xf32, #tpu.memory_space<vmem_shared>>) target(%dma_start3A_84 : memref<624x64xf32, #tpu.memory_space<hbm>>) target_semaphore(%run_scoped3A_78 : memref<!tpu.dma_semaphore, #tpu.memory_space<semaphore_mem>>)
      %dma_wait3A_87 = arith.constant 0 : i32
      %dma_wait3A_88 = arith.constant 0 : i32
      %dma_wait3A_89 = tpu.memref_slice %arg6[%arg0, %dma_wait3A_87, %dma_wait3A_88] : memref<2x10000x64xf32, #tpu.memory_space<hbm>> -> memref<1x10000x64xf32, #tpu.memory_space<hbm>>
      %dma_wait3A_90 = tpu.memref_squeeze %dma_wait3A_89 : memref<1x10000x64xf32, #tpu.memory_space<hbm>> -> memref<10000x64xf32, #tpu.memory_space<hbm>>
      %dma_wait3A_91 = arith.constant 0 : i32
      %dma_wait3A_92 = tpu.memref_slice %dma_wait3A_90[%mul3A_72, %dma_wait3A_91] : memref<10000x64xf32, #tpu.memory_space<hbm>> -> memref<624x64xf32, #tpu.memory_space<hbm>>
      %dma_wait3A_93 = arith.constant 0 : i32
      %dma_wait3A_94 = tpu.memref_slice %arg13[%mul3A_70, %dma_wait3A_93] : memref<10128x64xf32, #tpu.memory_space<vmem_shared>> -> memref<624x64xf32, #tpu.memory_space<vmem_shared>>
      tpu.wait_dma2 semaphore(%run_scoped3A_78 : memref<!tpu.dma_semaphore, #tpu.memory_space<semaphore_mem>>) src(%dma_wait3A_94 : memref<624x64xf32, #tpu.memory_space<vmem_shared>>) dst(%dma_wait3A_92 : memref<624x64xf32, #tpu.memory_space<hbm>>)
      tpu.yield
    }) : () -> ()
    %eq3A_73 = arith.constant 15 : i32
    %eq3A_74 = arith.cmpi eq, %arg1, %eq3A_73 : i32
    %convert_element_type3A_75 = arith.extui %eq3A_74 : i1 to i32
    %cond3A_76 = arith.constant 0 : i32
    %cond3A_77 = arith.cmpi ne, %convert_element_type3A_75, %cond3A_76 : i32
    scf.if %cond3A_77 {
      "tpu.region"() ({
        %run_scoped3A_78 = tpu.sem_alloc : memref<!tpu.dma_semaphore, #tpu.memory_space<semaphore_mem>>
        %dma_start3A_79 = arith.constant 0 : i32
        %dma_start3A_80 = arith.constant 0 : i32
        %dma_start3A_81 = tpu.memref_slice %arg6[%arg0, %dma_start3A_79, %dma_start3A_80] : memref<2x10000x64xf32, #tpu.memory_space<hbm>> -> memref<1x10000x64xf32, #tpu.memory_space<hbm>>
        %dma_start3A_82 = tpu.memref_squeeze %dma_start3A_81 : memref<1x10000x64xf32, #tpu.memory_space<hbm>> -> memref<10000x64xf32, #tpu.memory_space<hbm>>
        %dma_start3A_83 = arith.constant 9984 : i32
        %dma_start3A_84 = arith.constant 0 : i32
        %dma_start3A_85 = tpu.memref_slice %dma_start3A_82[%dma_start3A_83, %dma_start3A_84] : memref<10000x64xf32, #tpu.memory_space<hbm>> -> memref<16x64xf32, #tpu.memory_space<hbm>>
        %dma_start3A_86 = arith.constant 9984 : i32
        %dma_start3A_87 = arith.constant 0 : i32
        %dma_start3A_88 = tpu.memref_slice %arg13[%dma_start3A_86, %dma_start3A_87] : memref<10128x64xf32, #tpu.memory_space<vmem_shared>> -> memref<16x64xf32, #tpu.memory_space<vmem_shared>>
        tpu.enqueue_dma source(%dma_start3A_88 : memref<16x64xf32, #tpu.memory_space<vmem_shared>>) target(%dma_start3A_85 : memref<16x64xf32, #tpu.memory_space<hbm>>) target_semaphore(%run_scoped3A_78 : memref<!tpu.dma_semaphore, #tpu.memory_space<semaphore_mem>>)
        %dma_wait3A_89 = arith.constant 0 : i32
        %dma_wait3A_90 = arith.constant 0 : i32
        %dma_wait3A_91 = tpu.memref_slice %arg6[%arg0, %dma_wait3A_89, %dma_wait3A_90] : memref<2x10000x64xf32, #tpu.memory_space<hbm>> -> memref<1x10000x64xf32, #tpu.memory_space<hbm>>
        %dma_wait3A_92 = tpu.memref_squeeze %dma_wait3A_91 : memref<1x10000x64xf32, #tpu.memory_space<hbm>> -> memref<10000x64xf32, #tpu.memory_space<hbm>>
        %dma_wait3A_93 = arith.constant 9984 : i32
        %dma_wait3A_94 = arith.constant 0 : i32
        %dma_wait3A_95 = tpu.memref_slice %dma_wait3A_92[%dma_wait3A_93, %dma_wait3A_94] : memref<10000x64xf32, #tpu.memory_space<hbm>> -> memref<16x64xf32, #tpu.memory_space<hbm>>
        %dma_wait3A_96 = arith.constant 9984 : i32
        %dma_wait3A_97 = arith.constant 0 : i32
        %dma_wait3A_98 = tpu.memref_slice %arg13[%dma_wait3A_96, %dma_wait3A_97] : memref<10128x64xf32, #tpu.memory_space<vmem_shared>> -> memref<16x64xf32, #tpu.memory_space<vmem_shared>>
        tpu.wait_dma2 semaphore(%run_scoped3A_78 : memref<!tpu.dma_semaphore, #tpu.memory_space<semaphore_mem>>) src(%dma_wait3A_98 : memref<16x64xf32, #tpu.memory_space<vmem_shared>>) dst(%dma_wait3A_95 : memref<16x64xf32, #tpu.memory_space<hbm>>)
        tpu.yield
      }) : () -> ()
    } else {
    }
    return
  }
}

#map = affine_map<(d0, d1) -> (0, 0)>
#map1 = affine_map<(d0, d1) -> (0, 0, 0)>
module attributes {stable_mosaic.version = 14 : i64} {
  func.func @_agg_body(%arg0: i32, %arg1: i32, %arg2: memref<10000x64xf32, #tpu.memory_space<hbm>>, %arg3: memref<32x40x256xi32, #tpu.memory_space<hbm>>, %arg4: memref<32x40x256xi32, #tpu.memory_space<hbm>>, %arg5: memref<10000x64xf32, #tpu.memory_space<hbm>>, %arg6: memref<2x10000x64xf32, #tpu.memory_space<hbm>>, %arg7: memref<40x256xi32, #tpu.memory_space<vmem>>, %arg8: memref<40x256xi32, #tpu.memory_space<vmem>>, %arg9: memref<256x64xf32, #tpu.memory_space<vmem>>, %arg10: memref<256x64xf32, #tpu.memory_space<vmem>>, %arg11: memref<256x64xf32, #tpu.memory_space<vmem>>, %arg12: memref<256x64xf32, #tpu.memory_space<vmem>>, %arg13: memref<10128x64xf32, #tpu.memory_space<vmem_shared>>, %arg14: memref<!tpu.dma_semaphore, #tpu.memory_space<semaphore_mem>>, %arg15: memref<!tpu.dma_semaphore, #tpu.memory_space<semaphore_mem>>, %arg16: memref<!tpu.dma_semaphore, #tpu.memory_space<semaphore_mem>>, %arg17: memref<!tpu.dma_semaphore, #tpu.memory_space<semaphore_mem>>) attributes {dimension_semantics = [#tpu.dimension_semantics<core_parallel>, #tpu.dimension_semantics<subcore_parallel>], iteration_bounds = array<i64: 2, 16>, scalar_prefetch = 0 : i64, scratch_operands = 11 : i64, tpu.core_type = #tpu.core_type<sc_vector_subcore>, window_params = [{transform_indices = #map}, {transform_indices = #map1}, {transform_indices = #map1}, {transform_indices = #map}, {transform_indices = #map1}]} {
    %mul3A = arith.constant 16 : i32
    %mul3A_0 = arith.muli %arg0, %mul3A : i32
    %add3A = arith.addi %mul3A_0, %arg1 : i32
    %eq3A = arith.constant 0 : i32
    %eq3A_1 = arith.cmpi eq, %arg0, %eq3A : i32
    %convert_element_type3A = arith.extui %eq3A_1 : i1 to i32
    %cond3A = arith.constant 0 : i32
    %cond3A_2 = arith.cmpi ne, %convert_element_type3A, %cond3A : i32
    scf.if %cond3A_2 {
      %mul3A_78 = arith.constant 624 : i32
      %mul3A_79 = arith.muli %arg1, %mul3A_78 : i32
      %mul3A_80 = arith.constant 624 : i32
      %mul3A_81 = arith.muli %arg1, %mul3A_80 : i32
      "tpu.region"() ({
        %run_scoped3A_87 = tpu.sem_alloc : memref<!tpu.dma_semaphore, #tpu.memory_space<semaphore_mem>>
        %dma_start3A_88 = arith.constant 0 : i32
        %dma_start3A_89 = tpu.memref_slice %arg13[%mul3A_81, %dma_start3A_88] : memref<10128x64xf32, #tpu.memory_space<vmem_shared>> -> memref<624x64xf32, #tpu.memory_space<vmem_shared>>
        %dma_start3A_90 = arith.constant 0 : i32
        %dma_start3A_91 = tpu.memref_slice %arg2[%mul3A_79, %dma_start3A_90] : memref<10000x64xf32, #tpu.memory_space<hbm>> -> memref<624x64xf32, #tpu.memory_space<hbm>>
        tpu.enqueue_dma source(%dma_start3A_91 : memref<624x64xf32, #tpu.memory_space<hbm>>) target(%dma_start3A_89 : memref<624x64xf32, #tpu.memory_space<vmem_shared>>) target_semaphore(%run_scoped3A_87 : memref<!tpu.dma_semaphore, #tpu.memory_space<semaphore_mem>>)
        %dma_wait3A_92 = arith.constant 0 : i32
        %dma_wait3A_93 = tpu.memref_slice %arg13[%mul3A_81, %dma_wait3A_92] : memref<10128x64xf32, #tpu.memory_space<vmem_shared>> -> memref<624x64xf32, #tpu.memory_space<vmem_shared>>
        %dma_wait3A_94 = arith.constant 0 : i32
        %dma_wait3A_95 = tpu.memref_slice %arg2[%mul3A_79, %dma_wait3A_94] : memref<10000x64xf32, #tpu.memory_space<hbm>> -> memref<624x64xf32, #tpu.memory_space<hbm>>
        tpu.wait_dma2 semaphore(%run_scoped3A_87 : memref<!tpu.dma_semaphore, #tpu.memory_space<semaphore_mem>>) src(%dma_wait3A_95 : memref<624x64xf32, #tpu.memory_space<hbm>>) dst(%dma_wait3A_93 : memref<624x64xf32, #tpu.memory_space<vmem_shared>>)
        tpu.yield
      }) : () -> ()
      %eq3A_82 = arith.constant 15 : i32
      %eq3A_83 = arith.cmpi eq, %arg1, %eq3A_82 : i32
      %convert_element_type3A_84 = arith.extui %eq3A_83 : i1 to i32
      %cond3A_85 = arith.constant 0 : i32
      %cond3A_86 = arith.cmpi ne, %convert_element_type3A_84, %cond3A_85 : i32
      scf.if %cond3A_86 {
        "tpu.region"() ({
          %run_scoped3A_87 = tpu.sem_alloc : memref<!tpu.dma_semaphore, #tpu.memory_space<semaphore_mem>>
          %dma_start3A_88 = arith.constant 9984 : i32
          %dma_start3A_89 = arith.constant 0 : i32
          %dma_start3A_90 = tpu.memref_slice %arg13[%dma_start3A_88, %dma_start3A_89] : memref<10128x64xf32, #tpu.memory_space<vmem_shared>> -> memref<16x64xf32, #tpu.memory_space<vmem_shared>>
          %dma_start3A_91 = arith.constant 9984 : i32
          %dma_start3A_92 = arith.constant 0 : i32
          %dma_start3A_93 = tpu.memref_slice %arg2[%dma_start3A_91, %dma_start3A_92] : memref<10000x64xf32, #tpu.memory_space<hbm>> -> memref<16x64xf32, #tpu.memory_space<hbm>>
          tpu.enqueue_dma source(%dma_start3A_93 : memref<16x64xf32, #tpu.memory_space<hbm>>) target(%dma_start3A_90 : memref<16x64xf32, #tpu.memory_space<vmem_shared>>) target_semaphore(%run_scoped3A_87 : memref<!tpu.dma_semaphore, #tpu.memory_space<semaphore_mem>>)
          %dma_wait3A_94 = arith.constant 9984 : i32
          %dma_wait3A_95 = arith.constant 0 : i32
          %dma_wait3A_96 = tpu.memref_slice %arg13[%dma_wait3A_94, %dma_wait3A_95] : memref<10128x64xf32, #tpu.memory_space<vmem_shared>> -> memref<16x64xf32, #tpu.memory_space<vmem_shared>>
          %dma_wait3A_97 = arith.constant 9984 : i32
          %dma_wait3A_98 = arith.constant 0 : i32
          %dma_wait3A_99 = tpu.memref_slice %arg2[%dma_wait3A_97, %dma_wait3A_98] : memref<10000x64xf32, #tpu.memory_space<hbm>> -> memref<16x64xf32, #tpu.memory_space<hbm>>
          tpu.wait_dma2 semaphore(%run_scoped3A_87 : memref<!tpu.dma_semaphore, #tpu.memory_space<semaphore_mem>>) src(%dma_wait3A_99 : memref<16x64xf32, #tpu.memory_space<hbm>>) dst(%dma_wait3A_96 : memref<16x64xf32, #tpu.memory_space<vmem_shared>>)
          tpu.yield
        }) : () -> ()
      } else {
      }
    } else {
    }
    %ne3A = arith.constant 0 : i32
    %ne3A_3 = arith.cmpi ne, %arg0, %ne3A : i32
    %convert_element_type3A_4 = arith.extui %ne3A_3 : i1 to i32
    %cond3A_5 = arith.constant 0 : i32
    %cond3A_6 = arith.cmpi ne, %convert_element_type3A_4, %cond3A_5 : i32
    scf.if %cond3A_6 {
      %mul3A_78 = arith.constant 624 : i32
      %mul3A_79 = arith.muli %arg1, %mul3A_78 : i32
      %mul3A_80 = arith.constant 624 : i32
      %mul3A_81 = arith.muli %arg1, %mul3A_80 : i32
      "tpu.region"() ({
        %run_scoped3A_87 = tpu.sem_alloc : memref<!tpu.dma_semaphore, #tpu.memory_space<semaphore_mem>>
        %dma_start3A_88 = arith.constant 0 : i32
        %dma_start3A_89 = tpu.memref_slice %arg13[%mul3A_81, %dma_start3A_88] : memref<10128x64xf32, #tpu.memory_space<vmem_shared>> -> memref<624x64xf32, #tpu.memory_space<vmem_shared>>
        %dma_start3A_90 = arith.constant 0 : i32
        %dma_start3A_91 = tpu.memref_slice %arg5[%mul3A_79, %dma_start3A_90] : memref<10000x64xf32, #tpu.memory_space<hbm>> -> memref<624x64xf32, #tpu.memory_space<hbm>>
        tpu.enqueue_dma source(%dma_start3A_91 : memref<624x64xf32, #tpu.memory_space<hbm>>) target(%dma_start3A_89 : memref<624x64xf32, #tpu.memory_space<vmem_shared>>) target_semaphore(%run_scoped3A_87 : memref<!tpu.dma_semaphore, #tpu.memory_space<semaphore_mem>>)
        %dma_wait3A_92 = arith.constant 0 : i32
        %dma_wait3A_93 = tpu.memref_slice %arg13[%mul3A_81, %dma_wait3A_92] : memref<10128x64xf32, #tpu.memory_space<vmem_shared>> -> memref<624x64xf32, #tpu.memory_space<vmem_shared>>
        %dma_wait3A_94 = arith.constant 0 : i32
        %dma_wait3A_95 = tpu.memref_slice %arg5[%mul3A_79, %dma_wait3A_94] : memref<10000x64xf32, #tpu.memory_space<hbm>> -> memref<624x64xf32, #tpu.memory_space<hbm>>
        tpu.wait_dma2 semaphore(%run_scoped3A_87 : memref<!tpu.dma_semaphore, #tpu.memory_space<semaphore_mem>>) src(%dma_wait3A_95 : memref<624x64xf32, #tpu.memory_space<hbm>>) dst(%dma_wait3A_93 : memref<624x64xf32, #tpu.memory_space<vmem_shared>>)
        tpu.yield
      }) : () -> ()
      %eq3A_82 = arith.constant 15 : i32
      %eq3A_83 = arith.cmpi eq, %arg1, %eq3A_82 : i32
      %convert_element_type3A_84 = arith.extui %eq3A_83 : i1 to i32
      %cond3A_85 = arith.constant 0 : i32
      %cond3A_86 = arith.cmpi ne, %convert_element_type3A_84, %cond3A_85 : i32
      scf.if %cond3A_86 {
        "tpu.region"() ({
          %run_scoped3A_87 = tpu.sem_alloc : memref<!tpu.dma_semaphore, #tpu.memory_space<semaphore_mem>>
          %dma_start3A_88 = arith.constant 9984 : i32
          %dma_start3A_89 = arith.constant 0 : i32
          %dma_start3A_90 = tpu.memref_slice %arg13[%dma_start3A_88, %dma_start3A_89] : memref<10128x64xf32, #tpu.memory_space<vmem_shared>> -> memref<16x64xf32, #tpu.memory_space<vmem_shared>>
          %dma_start3A_91 = arith.constant 9984 : i32
          %dma_start3A_92 = arith.constant 0 : i32
          %dma_start3A_93 = tpu.memref_slice %arg5[%dma_start3A_91, %dma_start3A_92] : memref<10000x64xf32, #tpu.memory_space<hbm>> -> memref<16x64xf32, #tpu.memory_space<hbm>>
          tpu.enqueue_dma source(%dma_start3A_93 : memref<16x64xf32, #tpu.memory_space<hbm>>) target(%dma_start3A_90 : memref<16x64xf32, #tpu.memory_space<vmem_shared>>) target_semaphore(%run_scoped3A_87 : memref<!tpu.dma_semaphore, #tpu.memory_space<semaphore_mem>>)
          %dma_wait3A_94 = arith.constant 9984 : i32
          %dma_wait3A_95 = arith.constant 0 : i32
          %dma_wait3A_96 = tpu.memref_slice %arg13[%dma_wait3A_94, %dma_wait3A_95] : memref<10128x64xf32, #tpu.memory_space<vmem_shared>> -> memref<16x64xf32, #tpu.memory_space<vmem_shared>>
          %dma_wait3A_97 = arith.constant 9984 : i32
          %dma_wait3A_98 = arith.constant 0 : i32
          %dma_wait3A_99 = tpu.memref_slice %arg5[%dma_wait3A_97, %dma_wait3A_98] : memref<10000x64xf32, #tpu.memory_space<hbm>> -> memref<16x64xf32, #tpu.memory_space<hbm>>
          tpu.wait_dma2 semaphore(%run_scoped3A_87 : memref<!tpu.dma_semaphore, #tpu.memory_space<semaphore_mem>>) src(%dma_wait3A_99 : memref<16x64xf32, #tpu.memory_space<hbm>>) dst(%dma_wait3A_96 : memref<16x64xf32, #tpu.memory_space<vmem_shared>>)
          tpu.yield
        }) : () -> ()
      } else {
      }
    } else {
    }
    "tpu.region"() ({
      %run_scoped3A_78 = tpu.sem_alloc : memref<!tpu.dma_semaphore, #tpu.memory_space<semaphore_mem>>
      %dma_start3A_79 = arith.constant 0 : i32
      %dma_start3A_80 = arith.constant 0 : i32
      %dma_start3A_81 = tpu.memref_slice %arg3[%add3A, %dma_start3A_79, %dma_start3A_80] : memref<32x40x256xi32, #tpu.memory_space<hbm>> -> memref<1x40x256xi32, #tpu.memory_space<hbm>>
      %dma_start3A_82 = tpu.memref_squeeze %dma_start3A_81 : memref<1x40x256xi32, #tpu.memory_space<hbm>> -> memref<40x256xi32, #tpu.memory_space<hbm>>
      %dma_start3A_83 = arith.constant 0 : i32
      %dma_start3A_84 = arith.constant 0 : i32
      %dma_start3A_85 = tpu.memref_slice %arg3[%add3A, %dma_start3A_83, %dma_start3A_84] : memref<32x40x256xi32, #tpu.memory_space<hbm>> -> memref<1x40x256xi32, #tpu.memory_space<hbm>>
      %dma_start3A_86 = tpu.memref_squeeze %dma_start3A_85 : memref<1x40x256xi32, #tpu.memory_space<hbm>> -> memref<40x256xi32, #tpu.memory_space<hbm>>
      tpu.enqueue_dma source(%dma_start3A_86 : memref<40x256xi32, #tpu.memory_space<hbm>>) target(%arg7 : memref<40x256xi32, #tpu.memory_space<vmem>>) target_semaphore(%run_scoped3A_78 : memref<!tpu.dma_semaphore, #tpu.memory_space<semaphore_mem>>)
      %dma_wait3A_87 = arith.constant 0 : i32
      %dma_wait3A_88 = arith.constant 0 : i32
      %dma_wait3A_89 = tpu.memref_slice %arg3[%add3A, %dma_wait3A_87, %dma_wait3A_88] : memref<32x40x256xi32, #tpu.memory_space<hbm>> -> memref<1x40x256xi32, #tpu.memory_space<hbm>>
      %dma_wait3A_90 = tpu.memref_squeeze %dma_wait3A_89 : memref<1x40x256xi32, #tpu.memory_space<hbm>> -> memref<40x256xi32, #tpu.memory_space<hbm>>
      %dma_wait3A_91 = arith.constant 0 : i32
      %dma_wait3A_92 = arith.constant 0 : i32
      %dma_wait3A_93 = tpu.memref_slice %arg3[%add3A, %dma_wait3A_91, %dma_wait3A_92] : memref<32x40x256xi32, #tpu.memory_space<hbm>> -> memref<1x40x256xi32, #tpu.memory_space<hbm>>
      %dma_wait3A_94 = tpu.memref_squeeze %dma_wait3A_93 : memref<1x40x256xi32, #tpu.memory_space<hbm>> -> memref<40x256xi32, #tpu.memory_space<hbm>>
      tpu.wait_dma2 semaphore(%run_scoped3A_78 : memref<!tpu.dma_semaphore, #tpu.memory_space<semaphore_mem>>) src(%dma_wait3A_94 : memref<40x256xi32, #tpu.memory_space<hbm>>) dst(%arg7 : memref<40x256xi32, #tpu.memory_space<vmem>>)
      tpu.yield
    }) : () -> ()
    "tpu.region"() ({
      %run_scoped3A_78 = tpu.sem_alloc : memref<!tpu.dma_semaphore, #tpu.memory_space<semaphore_mem>>
      %dma_start3A_79 = arith.constant 0 : i32
      %dma_start3A_80 = arith.constant 0 : i32
      %dma_start3A_81 = tpu.memref_slice %arg4[%add3A, %dma_start3A_79, %dma_start3A_80] : memref<32x40x256xi32, #tpu.memory_space<hbm>> -> memref<1x40x256xi32, #tpu.memory_space<hbm>>
      %dma_start3A_82 = tpu.memref_squeeze %dma_start3A_81 : memref<1x40x256xi32, #tpu.memory_space<hbm>> -> memref<40x256xi32, #tpu.memory_space<hbm>>
      %dma_start3A_83 = arith.constant 0 : i32
      %dma_start3A_84 = arith.constant 0 : i32
      %dma_start3A_85 = tpu.memref_slice %arg4[%add3A, %dma_start3A_83, %dma_start3A_84] : memref<32x40x256xi32, #tpu.memory_space<hbm>> -> memref<1x40x256xi32, #tpu.memory_space<hbm>>
      %dma_start3A_86 = tpu.memref_squeeze %dma_start3A_85 : memref<1x40x256xi32, #tpu.memory_space<hbm>> -> memref<40x256xi32, #tpu.memory_space<hbm>>
      tpu.enqueue_dma source(%dma_start3A_86 : memref<40x256xi32, #tpu.memory_space<hbm>>) target(%arg8 : memref<40x256xi32, #tpu.memory_space<vmem>>) target_semaphore(%run_scoped3A_78 : memref<!tpu.dma_semaphore, #tpu.memory_space<semaphore_mem>>)
      %dma_wait3A_87 = arith.constant 0 : i32
      %dma_wait3A_88 = arith.constant 0 : i32
      %dma_wait3A_89 = tpu.memref_slice %arg4[%add3A, %dma_wait3A_87, %dma_wait3A_88] : memref<32x40x256xi32, #tpu.memory_space<hbm>> -> memref<1x40x256xi32, #tpu.memory_space<hbm>>
      %dma_wait3A_90 = tpu.memref_squeeze %dma_wait3A_89 : memref<1x40x256xi32, #tpu.memory_space<hbm>> -> memref<40x256xi32, #tpu.memory_space<hbm>>
      %dma_wait3A_91 = arith.constant 0 : i32
      %dma_wait3A_92 = arith.constant 0 : i32
      %dma_wait3A_93 = tpu.memref_slice %arg4[%add3A, %dma_wait3A_91, %dma_wait3A_92] : memref<32x40x256xi32, #tpu.memory_space<hbm>> -> memref<1x40x256xi32, #tpu.memory_space<hbm>>
      %dma_wait3A_94 = tpu.memref_squeeze %dma_wait3A_93 : memref<1x40x256xi32, #tpu.memory_space<hbm>> -> memref<40x256xi32, #tpu.memory_space<hbm>>
      tpu.wait_dma2 semaphore(%run_scoped3A_78 : memref<!tpu.dma_semaphore, #tpu.memory_space<semaphore_mem>>) src(%dma_wait3A_94 : memref<40x256xi32, #tpu.memory_space<hbm>>) dst(%arg8 : memref<40x256xi32, #tpu.memory_space<vmem>>)
      tpu.yield
    }) : () -> ()
    %barrier3A = arith.constant 0 : index
    tpu.barrier barrier_id(%barrier3A)
    %dma_start3A = arith.constant 0 : i32
    %dma_start3A_7 = arith.constant 0 : i32
    %dma_start3A_8 = tpu.memref_slice %arg7[%dma_start3A, %dma_start3A_7] : memref<40x256xi32, #tpu.memory_space<vmem>> -> memref<1x256xi32, #tpu.memory_space<vmem>>
    %dma_start3A_9 = tpu.memref_squeeze %dma_start3A_8 : memref<1x256xi32, #tpu.memory_space<vmem>> -> memref<256xi32, #tpu.memory_space<vmem>>
    %dma_start3A_10 = arith.constant 0 : i32
    %dma_start3A_11 = arith.constant 0 : i32
    %dma_start3A_12 = tpu.memref_slice %arg2[%dma_start3A_10, %dma_start3A_11] : memref<10000x64xf32, #tpu.memory_space<hbm>> -> memref<10000x64xf32, #tpu.memory_space<hbm>>
    tpu.enqueue_indirect_dma source(%dma_start3A_12 : memref<10000x64xf32, #tpu.memory_space<hbm>>) target(%arg9 : memref<256x64xf32, #tpu.memory_space<vmem>>) offsets(%dma_start3A_9 : memref<256xi32, #tpu.memory_space<vmem>>) semaphore(%arg14 : memref<!tpu.dma_semaphore, #tpu.memory_space<semaphore_mem>>)
    %dma_start3A_13 = arith.constant 1 : i32
    %dma_start3A_14 = arith.constant 0 : i32
    %dma_start3A_15 = tpu.memref_slice %arg7[%dma_start3A_13, %dma_start3A_14] : memref<40x256xi32, #tpu.memory_space<vmem>> -> memref<1x256xi32, #tpu.memory_space<vmem>>
    %dma_start3A_16 = tpu.memref_squeeze %dma_start3A_15 : memref<1x256xi32, #tpu.memory_space<vmem>> -> memref<256xi32, #tpu.memory_space<vmem>>
    %dma_start3A_17 = arith.constant 0 : i32
    %dma_start3A_18 = arith.constant 0 : i32
    %dma_start3A_19 = tpu.memref_slice %arg2[%dma_start3A_17, %dma_start3A_18] : memref<10000x64xf32, #tpu.memory_space<hbm>> -> memref<10000x64xf32, #tpu.memory_space<hbm>>
    tpu.enqueue_indirect_dma source(%dma_start3A_19 : memref<10000x64xf32, #tpu.memory_space<hbm>>) target(%arg10 : memref<256x64xf32, #tpu.memory_space<vmem>>) offsets(%dma_start3A_16 : memref<256xi32, #tpu.memory_space<vmem>>) semaphore(%arg15 : memref<!tpu.dma_semaphore, #tpu.memory_space<semaphore_mem>>)
    %dma_start3A_20 = arith.constant 2 : i32
    %dma_start3A_21 = arith.constant 0 : i32
    %dma_start3A_22 = tpu.memref_slice %arg7[%dma_start3A_20, %dma_start3A_21] : memref<40x256xi32, #tpu.memory_space<vmem>> -> memref<1x256xi32, #tpu.memory_space<vmem>>
    %dma_start3A_23 = tpu.memref_squeeze %dma_start3A_22 : memref<1x256xi32, #tpu.memory_space<vmem>> -> memref<256xi32, #tpu.memory_space<vmem>>
    %dma_start3A_24 = arith.constant 0 : i32
    %dma_start3A_25 = arith.constant 0 : i32
    %dma_start3A_26 = tpu.memref_slice %arg2[%dma_start3A_24, %dma_start3A_25] : memref<10000x64xf32, #tpu.memory_space<hbm>> -> memref<10000x64xf32, #tpu.memory_space<hbm>>
    tpu.enqueue_indirect_dma source(%dma_start3A_26 : memref<10000x64xf32, #tpu.memory_space<hbm>>) target(%arg11 : memref<256x64xf32, #tpu.memory_space<vmem>>) offsets(%dma_start3A_23 : memref<256xi32, #tpu.memory_space<vmem>>) semaphore(%arg16 : memref<!tpu.dma_semaphore, #tpu.memory_space<semaphore_mem>>)
    %scan3A = arith.constant 0 : i32
    %scan3A_27 = arith.constant 9 : i32
    %scan3A_28 = arith.addi %scan3A, %scan3A_27 : i32
    %scan3A_29 = arith.constant 1 : i32
    scf.for %scan3A_78 = %scan3A to %scan3A_28 step %scan3A_29  : i32 {
      %mul3A_79 = arith.constant 4 : i32
      %mul3A_80 = arith.muli %scan3A_78, %mul3A_79 : i32
      %add3A_81 = arith.constant 0 : i32
      %add3A_82 = arith.addi %add3A_81, %mul3A_80 : i32
      %add3A_83 = arith.constant 3 : i32
      %add3A_84 = arith.addi %add3A_82, %add3A_83 : i32
      %dma_start3A_85 = arith.constant 0 : i32
      %dma_start3A_86 = tpu.memref_slice %arg7[%add3A_84, %dma_start3A_85] : memref<40x256xi32, #tpu.memory_space<vmem>> -> memref<1x256xi32, #tpu.memory_space<vmem>>
      %dma_start3A_87 = tpu.memref_squeeze %dma_start3A_86 : memref<1x256xi32, #tpu.memory_space<vmem>> -> memref<256xi32, #tpu.memory_space<vmem>>
      %dma_start3A_88 = arith.constant 0 : i32
      %dma_start3A_89 = arith.constant 0 : i32
      %dma_start3A_90 = tpu.memref_slice %arg2[%dma_start3A_88, %dma_start3A_89] : memref<10000x64xf32, #tpu.memory_space<hbm>> -> memref<10000x64xf32, #tpu.memory_space<hbm>>
      tpu.enqueue_indirect_dma source(%dma_start3A_90 : memref<10000x64xf32, #tpu.memory_space<hbm>>) target(%arg12 : memref<256x64xf32, #tpu.memory_space<vmem>>) offsets(%dma_start3A_87 : memref<256xi32, #tpu.memory_space<vmem>>) semaphore(%arg17 : memref<!tpu.dma_semaphore, #tpu.memory_space<semaphore_mem>>)
      %dma_wait3A_91 = arith.constant 0 : i32
      %dma_wait3A_92 = tpu.memref_slice %arg7[%add3A_82, %dma_wait3A_91] : memref<40x256xi32, #tpu.memory_space<vmem>> -> memref<1x256xi32, #tpu.memory_space<vmem>>
      %dma_wait3A_93 = tpu.memref_squeeze %dma_wait3A_92 : memref<1x256xi32, #tpu.memory_space<vmem>> -> memref<256xi32, #tpu.memory_space<vmem>>
      %dma_wait3A_94 = arith.constant 0 : i32
      %dma_wait3A_95 = arith.constant 0 : i32
      %dma_wait3A_96 = tpu.memref_slice %arg2[%dma_wait3A_94, %dma_wait3A_95] : memref<10000x64xf32, #tpu.memory_space<hbm>> -> memref<10000x64xf32, #tpu.memory_space<hbm>>
      tpu.wait_indirect_dma semaphore(%arg14 : memref<!tpu.dma_semaphore, #tpu.memory_space<semaphore_mem>>) src(%dma_wait3A_96 : memref<10000x64xf32, #tpu.memory_space<hbm>>) dst(%arg9 : memref<256x64xf32, #tpu.memory_space<vmem>>)
      "tpu.region"() ({
        %run_scoped3A_145 = tpu.sem_alloc : memref<!tpu.dma_semaphore, #tpu.memory_space<semaphore_mem>>
        %dma_start3A_146 = arith.constant 0 : i32
        %dma_start3A_147 = tpu.memref_slice %arg8[%add3A_82, %dma_start3A_146] : memref<40x256xi32, #tpu.memory_space<vmem>> -> memref<1x256xi32, #tpu.memory_space<vmem>>
        %dma_start3A_148 = tpu.memref_squeeze %dma_start3A_147 : memref<1x256xi32, #tpu.memory_space<vmem>> -> memref<256xi32, #tpu.memory_space<vmem>>
        %dma_start3A_149 = arith.constant 0 : i32
        %dma_start3A_150 = arith.constant 0 : i32
        %dma_start3A_151 = tpu.memref_slice %arg13[%dma_start3A_149, %dma_start3A_150] : memref<10128x64xf32, #tpu.memory_space<vmem_shared>> -> memref<10128x64xf32, #tpu.memory_space<vmem_shared>>
        tpu.enqueue_indirect_dma source(%arg9 : memref<256x64xf32, #tpu.memory_space<vmem>>) target(%dma_start3A_151 : memref<10128x64xf32, #tpu.memory_space<vmem_shared>>) offsets(%dma_start3A_148 : memref<256xi32, #tpu.memory_space<vmem>>) semaphore(%run_scoped3A_145 : memref<!tpu.dma_semaphore, #tpu.memory_space<semaphore_mem>>) {add = true}
        %dma_wait3A_152 = arith.constant 0 : i32
        %dma_wait3A_153 = tpu.memref_slice %arg8[%add3A_82, %dma_wait3A_152] : memref<40x256xi32, #tpu.memory_space<vmem>> -> memref<1x256xi32, #tpu.memory_space<vmem>>
        %dma_wait3A_154 = tpu.memref_squeeze %dma_wait3A_153 : memref<1x256xi32, #tpu.memory_space<vmem>> -> memref<256xi32, #tpu.memory_space<vmem>>
        %dma_wait3A_155 = arith.constant 0 : i32
        %dma_wait3A_156 = arith.constant 0 : i32
        %dma_wait3A_157 = tpu.memref_slice %arg13[%dma_wait3A_155, %dma_wait3A_156] : memref<10128x64xf32, #tpu.memory_space<vmem_shared>> -> memref<10128x64xf32, #tpu.memory_space<vmem_shared>>
        tpu.wait_indirect_dma semaphore(%run_scoped3A_145 : memref<!tpu.dma_semaphore, #tpu.memory_space<semaphore_mem>>) src(%arg9 : memref<256x64xf32, #tpu.memory_space<vmem>>) dst(%dma_wait3A_157 : memref<10128x64xf32, #tpu.memory_space<vmem_shared>>)
        tpu.yield
      }) : () -> ()
      %add3A_97 = arith.constant 4 : i32
      %add3A_98 = arith.addi %add3A_82, %add3A_97 : i32
      %dma_start3A_99 = arith.constant 0 : i32
      %dma_start3A_100 = tpu.memref_slice %arg7[%add3A_98, %dma_start3A_99] : memref<40x256xi32, #tpu.memory_space<vmem>> -> memref<1x256xi32, #tpu.memory_space<vmem>>
      %dma_start3A_101 = tpu.memref_squeeze %dma_start3A_100 : memref<1x256xi32, #tpu.memory_space<vmem>> -> memref<256xi32, #tpu.memory_space<vmem>>
      %dma_start3A_102 = arith.constant 0 : i32
      %dma_start3A_103 = arith.constant 0 : i32
      %dma_start3A_104 = tpu.memref_slice %arg2[%dma_start3A_102, %dma_start3A_103] : memref<10000x64xf32, #tpu.memory_space<hbm>> -> memref<10000x64xf32, #tpu.memory_space<hbm>>
      tpu.enqueue_indirect_dma source(%dma_start3A_104 : memref<10000x64xf32, #tpu.memory_space<hbm>>) target(%arg9 : memref<256x64xf32, #tpu.memory_space<vmem>>) offsets(%dma_start3A_101 : memref<256xi32, #tpu.memory_space<vmem>>) semaphore(%arg14 : memref<!tpu.dma_semaphore, #tpu.memory_space<semaphore_mem>>)
      %add3A_105 = arith.constant 1 : i32
      %add3A_106 = arith.addi %add3A_82, %add3A_105 : i32
      %dma_wait3A_107 = arith.constant 0 : i32
      %dma_wait3A_108 = tpu.memref_slice %arg7[%add3A_106, %dma_wait3A_107] : memref<40x256xi32, #tpu.memory_space<vmem>> -> memref<1x256xi32, #tpu.memory_space<vmem>>
      %dma_wait3A_109 = tpu.memref_squeeze %dma_wait3A_108 : memref<1x256xi32, #tpu.memory_space<vmem>> -> memref<256xi32, #tpu.memory_space<vmem>>
      %dma_wait3A_110 = arith.constant 0 : i32
      %dma_wait3A_111 = arith.constant 0 : i32
      %dma_wait3A_112 = tpu.memref_slice %arg2[%dma_wait3A_110, %dma_wait3A_111] : memref<10000x64xf32, #tpu.memory_space<hbm>> -> memref<10000x64xf32, #tpu.memory_space<hbm>>
      tpu.wait_indirect_dma semaphore(%arg15 : memref<!tpu.dma_semaphore, #tpu.memory_space<semaphore_mem>>) src(%dma_wait3A_112 : memref<10000x64xf32, #tpu.memory_space<hbm>>) dst(%arg10 : memref<256x64xf32, #tpu.memory_space<vmem>>)
      "tpu.region"() ({
        %run_scoped3A_145 = tpu.sem_alloc : memref<!tpu.dma_semaphore, #tpu.memory_space<semaphore_mem>>
        %dma_start3A_146 = arith.constant 0 : i32
        %dma_start3A_147 = tpu.memref_slice %arg8[%add3A_106, %dma_start3A_146] : memref<40x256xi32, #tpu.memory_space<vmem>> -> memref<1x256xi32, #tpu.memory_space<vmem>>
        %dma_start3A_148 = tpu.memref_squeeze %dma_start3A_147 : memref<1x256xi32, #tpu.memory_space<vmem>> -> memref<256xi32, #tpu.memory_space<vmem>>
        %dma_start3A_149 = arith.constant 0 : i32
        %dma_start3A_150 = arith.constant 0 : i32
        %dma_start3A_151 = tpu.memref_slice %arg13[%dma_start3A_149, %dma_start3A_150] : memref<10128x64xf32, #tpu.memory_space<vmem_shared>> -> memref<10128x64xf32, #tpu.memory_space<vmem_shared>>
        tpu.enqueue_indirect_dma source(%arg10 : memref<256x64xf32, #tpu.memory_space<vmem>>) target(%dma_start3A_151 : memref<10128x64xf32, #tpu.memory_space<vmem_shared>>) offsets(%dma_start3A_148 : memref<256xi32, #tpu.memory_space<vmem>>) semaphore(%run_scoped3A_145 : memref<!tpu.dma_semaphore, #tpu.memory_space<semaphore_mem>>) {add = true}
        %dma_wait3A_152 = arith.constant 0 : i32
        %dma_wait3A_153 = tpu.memref_slice %arg8[%add3A_106, %dma_wait3A_152] : memref<40x256xi32, #tpu.memory_space<vmem>> -> memref<1x256xi32, #tpu.memory_space<vmem>>
        %dma_wait3A_154 = tpu.memref_squeeze %dma_wait3A_153 : memref<1x256xi32, #tpu.memory_space<vmem>> -> memref<256xi32, #tpu.memory_space<vmem>>
        %dma_wait3A_155 = arith.constant 0 : i32
        %dma_wait3A_156 = arith.constant 0 : i32
        %dma_wait3A_157 = tpu.memref_slice %arg13[%dma_wait3A_155, %dma_wait3A_156] : memref<10128x64xf32, #tpu.memory_space<vmem_shared>> -> memref<10128x64xf32, #tpu.memory_space<vmem_shared>>
        tpu.wait_indirect_dma semaphore(%run_scoped3A_145 : memref<!tpu.dma_semaphore, #tpu.memory_space<semaphore_mem>>) src(%arg10 : memref<256x64xf32, #tpu.memory_space<vmem>>) dst(%dma_wait3A_157 : memref<10128x64xf32, #tpu.memory_space<vmem_shared>>)
        tpu.yield
      }) : () -> ()
      %add3A_113 = arith.constant 5 : i32
      %add3A_114 = arith.addi %add3A_82, %add3A_113 : i32
      %dma_start3A_115 = arith.constant 0 : i32
      %dma_start3A_116 = tpu.memref_slice %arg7[%add3A_114, %dma_start3A_115] : memref<40x256xi32, #tpu.memory_space<vmem>> -> memref<1x256xi32, #tpu.memory_space<vmem>>
      %dma_start3A_117 = tpu.memref_squeeze %dma_start3A_116 : memref<1x256xi32, #tpu.memory_space<vmem>> -> memref<256xi32, #tpu.memory_space<vmem>>
      %dma_start3A_118 = arith.constant 0 : i32
      %dma_start3A_119 = arith.constant 0 : i32
      %dma_start3A_120 = tpu.memref_slice %arg2[%dma_start3A_118, %dma_start3A_119] : memref<10000x64xf32, #tpu.memory_space<hbm>> -> memref<10000x64xf32, #tpu.memory_space<hbm>>
      tpu.enqueue_indirect_dma source(%dma_start3A_120 : memref<10000x64xf32, #tpu.memory_space<hbm>>) target(%arg10 : memref<256x64xf32, #tpu.memory_space<vmem>>) offsets(%dma_start3A_117 : memref<256xi32, #tpu.memory_space<vmem>>) semaphore(%arg15 : memref<!tpu.dma_semaphore, #tpu.memory_space<semaphore_mem>>)
      %add3A_121 = arith.constant 2 : i32
      %add3A_122 = arith.addi %add3A_82, %add3A_121 : i32
      %dma_wait3A_123 = arith.constant 0 : i32
      %dma_wait3A_124 = tpu.memref_slice %arg7[%add3A_122, %dma_wait3A_123] : memref<40x256xi32, #tpu.memory_space<vmem>> -> memref<1x256xi32, #tpu.memory_space<vmem>>
      %dma_wait3A_125 = tpu.memref_squeeze %dma_wait3A_124 : memref<1x256xi32, #tpu.memory_space<vmem>> -> memref<256xi32, #tpu.memory_space<vmem>>
      %dma_wait3A_126 = arith.constant 0 : i32
      %dma_wait3A_127 = arith.constant 0 : i32
      %dma_wait3A_128 = tpu.memref_slice %arg2[%dma_wait3A_126, %dma_wait3A_127] : memref<10000x64xf32, #tpu.memory_space<hbm>> -> memref<10000x64xf32, #tpu.memory_space<hbm>>
      tpu.wait_indirect_dma semaphore(%arg16 : memref<!tpu.dma_semaphore, #tpu.memory_space<semaphore_mem>>) src(%dma_wait3A_128 : memref<10000x64xf32, #tpu.memory_space<hbm>>) dst(%arg11 : memref<256x64xf32, #tpu.memory_space<vmem>>)
      "tpu.region"() ({
        %run_scoped3A_145 = tpu.sem_alloc : memref<!tpu.dma_semaphore, #tpu.memory_space<semaphore_mem>>
        %dma_start3A_146 = arith.constant 0 : i32
        %dma_start3A_147 = tpu.memref_slice %arg8[%add3A_122, %dma_start3A_146] : memref<40x256xi32, #tpu.memory_space<vmem>> -> memref<1x256xi32, #tpu.memory_space<vmem>>
        %dma_start3A_148 = tpu.memref_squeeze %dma_start3A_147 : memref<1x256xi32, #tpu.memory_space<vmem>> -> memref<256xi32, #tpu.memory_space<vmem>>
        %dma_start3A_149 = arith.constant 0 : i32
        %dma_start3A_150 = arith.constant 0 : i32
        %dma_start3A_151 = tpu.memref_slice %arg13[%dma_start3A_149, %dma_start3A_150] : memref<10128x64xf32, #tpu.memory_space<vmem_shared>> -> memref<10128x64xf32, #tpu.memory_space<vmem_shared>>
        tpu.enqueue_indirect_dma source(%arg11 : memref<256x64xf32, #tpu.memory_space<vmem>>) target(%dma_start3A_151 : memref<10128x64xf32, #tpu.memory_space<vmem_shared>>) offsets(%dma_start3A_148 : memref<256xi32, #tpu.memory_space<vmem>>) semaphore(%run_scoped3A_145 : memref<!tpu.dma_semaphore, #tpu.memory_space<semaphore_mem>>) {add = true}
        %dma_wait3A_152 = arith.constant 0 : i32
        %dma_wait3A_153 = tpu.memref_slice %arg8[%add3A_122, %dma_wait3A_152] : memref<40x256xi32, #tpu.memory_space<vmem>> -> memref<1x256xi32, #tpu.memory_space<vmem>>
        %dma_wait3A_154 = tpu.memref_squeeze %dma_wait3A_153 : memref<1x256xi32, #tpu.memory_space<vmem>> -> memref<256xi32, #tpu.memory_space<vmem>>
        %dma_wait3A_155 = arith.constant 0 : i32
        %dma_wait3A_156 = arith.constant 0 : i32
        %dma_wait3A_157 = tpu.memref_slice %arg13[%dma_wait3A_155, %dma_wait3A_156] : memref<10128x64xf32, #tpu.memory_space<vmem_shared>> -> memref<10128x64xf32, #tpu.memory_space<vmem_shared>>
        tpu.wait_indirect_dma semaphore(%run_scoped3A_145 : memref<!tpu.dma_semaphore, #tpu.memory_space<semaphore_mem>>) src(%arg11 : memref<256x64xf32, #tpu.memory_space<vmem>>) dst(%dma_wait3A_157 : memref<10128x64xf32, #tpu.memory_space<vmem_shared>>)
        tpu.yield
      }) : () -> ()
      %add3A_129 = arith.constant 6 : i32
      %add3A_130 = arith.addi %add3A_82, %add3A_129 : i32
      %dma_start3A_131 = arith.constant 0 : i32
      %dma_start3A_132 = tpu.memref_slice %arg7[%add3A_130, %dma_start3A_131] : memref<40x256xi32, #tpu.memory_space<vmem>> -> memref<1x256xi32, #tpu.memory_space<vmem>>
      %dma_start3A_133 = tpu.memref_squeeze %dma_start3A_132 : memref<1x256xi32, #tpu.memory_space<vmem>> -> memref<256xi32, #tpu.memory_space<vmem>>
      %dma_start3A_134 = arith.constant 0 : i32
      %dma_start3A_135 = arith.constant 0 : i32
      %dma_start3A_136 = tpu.memref_slice %arg2[%dma_start3A_134, %dma_start3A_135] : memref<10000x64xf32, #tpu.memory_space<hbm>> -> memref<10000x64xf32, #tpu.memory_space<hbm>>
      tpu.enqueue_indirect_dma source(%dma_start3A_136 : memref<10000x64xf32, #tpu.memory_space<hbm>>) target(%arg11 : memref<256x64xf32, #tpu.memory_space<vmem>>) offsets(%dma_start3A_133 : memref<256xi32, #tpu.memory_space<vmem>>) semaphore(%arg16 : memref<!tpu.dma_semaphore, #tpu.memory_space<semaphore_mem>>)
      %add3A_137 = arith.constant 3 : i32
      %add3A_138 = arith.addi %add3A_82, %add3A_137 : i32
      %dma_wait3A_139 = arith.constant 0 : i32
      %dma_wait3A_140 = tpu.memref_slice %arg7[%add3A_138, %dma_wait3A_139] : memref<40x256xi32, #tpu.memory_space<vmem>> -> memref<1x256xi32, #tpu.memory_space<vmem>>
      %dma_wait3A_141 = tpu.memref_squeeze %dma_wait3A_140 : memref<1x256xi32, #tpu.memory_space<vmem>> -> memref<256xi32, #tpu.memory_space<vmem>>
      %dma_wait3A_142 = arith.constant 0 : i32
      %dma_wait3A_143 = arith.constant 0 : i32
      %dma_wait3A_144 = tpu.memref_slice %arg2[%dma_wait3A_142, %dma_wait3A_143] : memref<10000x64xf32, #tpu.memory_space<hbm>> -> memref<10000x64xf32, #tpu.memory_space<hbm>>
      tpu.wait_indirect_dma semaphore(%arg17 : memref<!tpu.dma_semaphore, #tpu.memory_space<semaphore_mem>>) src(%dma_wait3A_144 : memref<10000x64xf32, #tpu.memory_space<hbm>>) dst(%arg12 : memref<256x64xf32, #tpu.memory_space<vmem>>)
      "tpu.region"() ({
        %run_scoped3A_145 = tpu.sem_alloc : memref<!tpu.dma_semaphore, #tpu.memory_space<semaphore_mem>>
        %dma_start3A_146 = arith.constant 0 : i32
        %dma_start3A_147 = tpu.memref_slice %arg8[%add3A_138, %dma_start3A_146] : memref<40x256xi32, #tpu.memory_space<vmem>> -> memref<1x256xi32, #tpu.memory_space<vmem>>
        %dma_start3A_148 = tpu.memref_squeeze %dma_start3A_147 : memref<1x256xi32, #tpu.memory_space<vmem>> -> memref<256xi32, #tpu.memory_space<vmem>>
        %dma_start3A_149 = arith.constant 0 : i32
        %dma_start3A_150 = arith.constant 0 : i32
        %dma_start3A_151 = tpu.memref_slice %arg13[%dma_start3A_149, %dma_start3A_150] : memref<10128x64xf32, #tpu.memory_space<vmem_shared>> -> memref<10128x64xf32, #tpu.memory_space<vmem_shared>>
        tpu.enqueue_indirect_dma source(%arg12 : memref<256x64xf32, #tpu.memory_space<vmem>>) target(%dma_start3A_151 : memref<10128x64xf32, #tpu.memory_space<vmem_shared>>) offsets(%dma_start3A_148 : memref<256xi32, #tpu.memory_space<vmem>>) semaphore(%run_scoped3A_145 : memref<!tpu.dma_semaphore, #tpu.memory_space<semaphore_mem>>) {add = true}
        %dma_wait3A_152 = arith.constant 0 : i32
        %dma_wait3A_153 = tpu.memref_slice %arg8[%add3A_138, %dma_wait3A_152] : memref<40x256xi32, #tpu.memory_space<vmem>> -> memref<1x256xi32, #tpu.memory_space<vmem>>
        %dma_wait3A_154 = tpu.memref_squeeze %dma_wait3A_153 : memref<1x256xi32, #tpu.memory_space<vmem>> -> memref<256xi32, #tpu.memory_space<vmem>>
        %dma_wait3A_155 = arith.constant 0 : i32
        %dma_wait3A_156 = arith.constant 0 : i32
        %dma_wait3A_157 = tpu.memref_slice %arg13[%dma_wait3A_155, %dma_wait3A_156] : memref<10128x64xf32, #tpu.memory_space<vmem_shared>> -> memref<10128x64xf32, #tpu.memory_space<vmem_shared>>
        tpu.wait_indirect_dma semaphore(%run_scoped3A_145 : memref<!tpu.dma_semaphore, #tpu.memory_space<semaphore_mem>>) src(%arg12 : memref<256x64xf32, #tpu.memory_space<vmem>>) dst(%dma_wait3A_157 : memref<10128x64xf32, #tpu.memory_space<vmem_shared>>)
        tpu.yield
      }) : () -> ()
    }
    %scan3A_30 = arith.constant 9 : i32
    %dma_start3A_31 = arith.constant 39 : i32
    %dma_start3A_32 = arith.constant 0 : i32
    %dma_start3A_33 = tpu.memref_slice %arg7[%dma_start3A_31, %dma_start3A_32] : memref<40x256xi32, #tpu.memory_space<vmem>> -> memref<1x256xi32, #tpu.memory_space<vmem>>
    %dma_start3A_34 = tpu.memref_squeeze %dma_start3A_33 : memref<1x256xi32, #tpu.memory_space<vmem>> -> memref<256xi32, #tpu.memory_space<vmem>>
    %dma_start3A_35 = arith.constant 0 : i32
    %dma_start3A_36 = arith.constant 0 : i32
    %dma_start3A_37 = tpu.memref_slice %arg2[%dma_start3A_35, %dma_start3A_36] : memref<10000x64xf32, #tpu.memory_space<hbm>> -> memref<10000x64xf32, #tpu.memory_space<hbm>>
    tpu.enqueue_indirect_dma source(%dma_start3A_37 : memref<10000x64xf32, #tpu.memory_space<hbm>>) target(%arg12 : memref<256x64xf32, #tpu.memory_space<vmem>>) offsets(%dma_start3A_34 : memref<256xi32, #tpu.memory_space<vmem>>) semaphore(%arg17 : memref<!tpu.dma_semaphore, #tpu.memory_space<semaphore_mem>>)
    %dma_wait3A = arith.constant 36 : i32
    %dma_wait3A_38 = arith.constant 0 : i32
    %dma_wait3A_39 = tpu.memref_slice %arg7[%dma_wait3A, %dma_wait3A_38] : memref<40x256xi32, #tpu.memory_space<vmem>> -> memref<1x256xi32, #tpu.memory_space<vmem>>
    %dma_wait3A_40 = tpu.memref_squeeze %dma_wait3A_39 : memref<1x256xi32, #tpu.memory_space<vmem>> -> memref<256xi32, #tpu.memory_space<vmem>>
    %dma_wait3A_41 = arith.constant 0 : i32
    %dma_wait3A_42 = arith.constant 0 : i32
    %dma_wait3A_43 = tpu.memref_slice %arg2[%dma_wait3A_41, %dma_wait3A_42] : memref<10000x64xf32, #tpu.memory_space<hbm>> -> memref<10000x64xf32, #tpu.memory_space<hbm>>
    tpu.wait_indirect_dma semaphore(%arg14 : memref<!tpu.dma_semaphore, #tpu.memory_space<semaphore_mem>>) src(%dma_wait3A_43 : memref<10000x64xf32, #tpu.memory_space<hbm>>) dst(%arg9 : memref<256x64xf32, #tpu.memory_space<vmem>>)
    %run_scoped3A = arith.constant 36 : i32
    "tpu.region"() ({
      %run_scoped3A_78 = tpu.sem_alloc : memref<!tpu.dma_semaphore, #tpu.memory_space<semaphore_mem>>
      %dma_start3A_79 = arith.constant 0 : i32
      %dma_start3A_80 = tpu.memref_slice %arg8[%run_scoped3A, %dma_start3A_79] : memref<40x256xi32, #tpu.memory_space<vmem>> -> memref<1x256xi32, #tpu.memory_space<vmem>>
      %dma_start3A_81 = tpu.memref_squeeze %dma_start3A_80 : memref<1x256xi32, #tpu.memory_space<vmem>> -> memref<256xi32, #tpu.memory_space<vmem>>
      %dma_start3A_82 = arith.constant 0 : i32
      %dma_start3A_83 = arith.constant 0 : i32
      %dma_start3A_84 = tpu.memref_slice %arg13[%dma_start3A_82, %dma_start3A_83] : memref<10128x64xf32, #tpu.memory_space<vmem_shared>> -> memref<10128x64xf32, #tpu.memory_space<vmem_shared>>
      tpu.enqueue_indirect_dma source(%arg9 : memref<256x64xf32, #tpu.memory_space<vmem>>) target(%dma_start3A_84 : memref<10128x64xf32, #tpu.memory_space<vmem_shared>>) offsets(%dma_start3A_81 : memref<256xi32, #tpu.memory_space<vmem>>) semaphore(%run_scoped3A_78 : memref<!tpu.dma_semaphore, #tpu.memory_space<semaphore_mem>>) {add = true}
      %dma_wait3A_85 = arith.constant 0 : i32
      %dma_wait3A_86 = tpu.memref_slice %arg8[%run_scoped3A, %dma_wait3A_85] : memref<40x256xi32, #tpu.memory_space<vmem>> -> memref<1x256xi32, #tpu.memory_space<vmem>>
      %dma_wait3A_87 = tpu.memref_squeeze %dma_wait3A_86 : memref<1x256xi32, #tpu.memory_space<vmem>> -> memref<256xi32, #tpu.memory_space<vmem>>
      %dma_wait3A_88 = arith.constant 0 : i32
      %dma_wait3A_89 = arith.constant 0 : i32
      %dma_wait3A_90 = tpu.memref_slice %arg13[%dma_wait3A_88, %dma_wait3A_89] : memref<10128x64xf32, #tpu.memory_space<vmem_shared>> -> memref<10128x64xf32, #tpu.memory_space<vmem_shared>>
      tpu.wait_indirect_dma semaphore(%run_scoped3A_78 : memref<!tpu.dma_semaphore, #tpu.memory_space<semaphore_mem>>) src(%arg9 : memref<256x64xf32, #tpu.memory_space<vmem>>) dst(%dma_wait3A_90 : memref<10128x64xf32, #tpu.memory_space<vmem_shared>>)
      tpu.yield
    }) : () -> ()
    %dma_wait3A_44 = arith.constant 37 : i32
    %dma_wait3A_45 = arith.constant 0 : i32
    %dma_wait3A_46 = tpu.memref_slice %arg7[%dma_wait3A_44, %dma_wait3A_45] : memref<40x256xi32, #tpu.memory_space<vmem>> -> memref<1x256xi32, #tpu.memory_space<vmem>>
    %dma_wait3A_47 = tpu.memref_squeeze %dma_wait3A_46 : memref<1x256xi32, #tpu.memory_space<vmem>> -> memref<256xi32, #tpu.memory_space<vmem>>
    %dma_wait3A_48 = arith.constant 0 : i32
    %dma_wait3A_49 = arith.constant 0 : i32
    %dma_wait3A_50 = tpu.memref_slice %arg2[%dma_wait3A_48, %dma_wait3A_49] : memref<10000x64xf32, #tpu.memory_space<hbm>> -> memref<10000x64xf32, #tpu.memory_space<hbm>>
    tpu.wait_indirect_dma semaphore(%arg15 : memref<!tpu.dma_semaphore, #tpu.memory_space<semaphore_mem>>) src(%dma_wait3A_50 : memref<10000x64xf32, #tpu.memory_space<hbm>>) dst(%arg10 : memref<256x64xf32, #tpu.memory_space<vmem>>)
    %run_scoped3A_51 = arith.constant 37 : i32
    "tpu.region"() ({
      %run_scoped3A_78 = tpu.sem_alloc : memref<!tpu.dma_semaphore, #tpu.memory_space<semaphore_mem>>
      %dma_start3A_79 = arith.constant 0 : i32
      %dma_start3A_80 = tpu.memref_slice %arg8[%run_scoped3A_51, %dma_start3A_79] : memref<40x256xi32, #tpu.memory_space<vmem>> -> memref<1x256xi32, #tpu.memory_space<vmem>>
      %dma_start3A_81 = tpu.memref_squeeze %dma_start3A_80 : memref<1x256xi32, #tpu.memory_space<vmem>> -> memref<256xi32, #tpu.memory_space<vmem>>
      %dma_start3A_82 = arith.constant 0 : i32
      %dma_start3A_83 = arith.constant 0 : i32
      %dma_start3A_84 = tpu.memref_slice %arg13[%dma_start3A_82, %dma_start3A_83] : memref<10128x64xf32, #tpu.memory_space<vmem_shared>> -> memref<10128x64xf32, #tpu.memory_space<vmem_shared>>
      tpu.enqueue_indirect_dma source(%arg10 : memref<256x64xf32, #tpu.memory_space<vmem>>) target(%dma_start3A_84 : memref<10128x64xf32, #tpu.memory_space<vmem_shared>>) offsets(%dma_start3A_81 : memref<256xi32, #tpu.memory_space<vmem>>) semaphore(%run_scoped3A_78 : memref<!tpu.dma_semaphore, #tpu.memory_space<semaphore_mem>>) {add = true}
      %dma_wait3A_85 = arith.constant 0 : i32
      %dma_wait3A_86 = tpu.memref_slice %arg8[%run_scoped3A_51, %dma_wait3A_85] : memref<40x256xi32, #tpu.memory_space<vmem>> -> memref<1x256xi32, #tpu.memory_space<vmem>>
      %dma_wait3A_87 = tpu.memref_squeeze %dma_wait3A_86 : memref<1x256xi32, #tpu.memory_space<vmem>> -> memref<256xi32, #tpu.memory_space<vmem>>
      %dma_wait3A_88 = arith.constant 0 : i32
      %dma_wait3A_89 = arith.constant 0 : i32
      %dma_wait3A_90 = tpu.memref_slice %arg13[%dma_wait3A_88, %dma_wait3A_89] : memref<10128x64xf32, #tpu.memory_space<vmem_shared>> -> memref<10128x64xf32, #tpu.memory_space<vmem_shared>>
      tpu.wait_indirect_dma semaphore(%run_scoped3A_78 : memref<!tpu.dma_semaphore, #tpu.memory_space<semaphore_mem>>) src(%arg10 : memref<256x64xf32, #tpu.memory_space<vmem>>) dst(%dma_wait3A_90 : memref<10128x64xf32, #tpu.memory_space<vmem_shared>>)
      tpu.yield
    }) : () -> ()
    %dma_wait3A_52 = arith.constant 38 : i32
    %dma_wait3A_53 = arith.constant 0 : i32
    %dma_wait3A_54 = tpu.memref_slice %arg7[%dma_wait3A_52, %dma_wait3A_53] : memref<40x256xi32, #tpu.memory_space<vmem>> -> memref<1x256xi32, #tpu.memory_space<vmem>>
    %dma_wait3A_55 = tpu.memref_squeeze %dma_wait3A_54 : memref<1x256xi32, #tpu.memory_space<vmem>> -> memref<256xi32, #tpu.memory_space<vmem>>
    %dma_wait3A_56 = arith.constant 0 : i32
    %dma_wait3A_57 = arith.constant 0 : i32
    %dma_wait3A_58 = tpu.memref_slice %arg2[%dma_wait3A_56, %dma_wait3A_57] : memref<10000x64xf32, #tpu.memory_space<hbm>> -> memref<10000x64xf32, #tpu.memory_space<hbm>>
    tpu.wait_indirect_dma semaphore(%arg16 : memref<!tpu.dma_semaphore, #tpu.memory_space<semaphore_mem>>) src(%dma_wait3A_58 : memref<10000x64xf32, #tpu.memory_space<hbm>>) dst(%arg11 : memref<256x64xf32, #tpu.memory_space<vmem>>)
    %run_scoped3A_59 = arith.constant 38 : i32
    "tpu.region"() ({
      %run_scoped3A_78 = tpu.sem_alloc : memref<!tpu.dma_semaphore, #tpu.memory_space<semaphore_mem>>
      %dma_start3A_79 = arith.constant 0 : i32
      %dma_start3A_80 = tpu.memref_slice %arg8[%run_scoped3A_59, %dma_start3A_79] : memref<40x256xi32, #tpu.memory_space<vmem>> -> memref<1x256xi32, #tpu.memory_space<vmem>>
      %dma_start3A_81 = tpu.memref_squeeze %dma_start3A_80 : memref<1x256xi32, #tpu.memory_space<vmem>> -> memref<256xi32, #tpu.memory_space<vmem>>
      %dma_start3A_82 = arith.constant 0 : i32
      %dma_start3A_83 = arith.constant 0 : i32
      %dma_start3A_84 = tpu.memref_slice %arg13[%dma_start3A_82, %dma_start3A_83] : memref<10128x64xf32, #tpu.memory_space<vmem_shared>> -> memref<10128x64xf32, #tpu.memory_space<vmem_shared>>
      tpu.enqueue_indirect_dma source(%arg11 : memref<256x64xf32, #tpu.memory_space<vmem>>) target(%dma_start3A_84 : memref<10128x64xf32, #tpu.memory_space<vmem_shared>>) offsets(%dma_start3A_81 : memref<256xi32, #tpu.memory_space<vmem>>) semaphore(%run_scoped3A_78 : memref<!tpu.dma_semaphore, #tpu.memory_space<semaphore_mem>>) {add = true}
      %dma_wait3A_85 = arith.constant 0 : i32
      %dma_wait3A_86 = tpu.memref_slice %arg8[%run_scoped3A_59, %dma_wait3A_85] : memref<40x256xi32, #tpu.memory_space<vmem>> -> memref<1x256xi32, #tpu.memory_space<vmem>>
      %dma_wait3A_87 = tpu.memref_squeeze %dma_wait3A_86 : memref<1x256xi32, #tpu.memory_space<vmem>> -> memref<256xi32, #tpu.memory_space<vmem>>
      %dma_wait3A_88 = arith.constant 0 : i32
      %dma_wait3A_89 = arith.constant 0 : i32
      %dma_wait3A_90 = tpu.memref_slice %arg13[%dma_wait3A_88, %dma_wait3A_89] : memref<10128x64xf32, #tpu.memory_space<vmem_shared>> -> memref<10128x64xf32, #tpu.memory_space<vmem_shared>>
      tpu.wait_indirect_dma semaphore(%run_scoped3A_78 : memref<!tpu.dma_semaphore, #tpu.memory_space<semaphore_mem>>) src(%arg11 : memref<256x64xf32, #tpu.memory_space<vmem>>) dst(%dma_wait3A_90 : memref<10128x64xf32, #tpu.memory_space<vmem_shared>>)
      tpu.yield
    }) : () -> ()
    %dma_wait3A_60 = arith.constant 39 : i32
    %dma_wait3A_61 = arith.constant 0 : i32
    %dma_wait3A_62 = tpu.memref_slice %arg7[%dma_wait3A_60, %dma_wait3A_61] : memref<40x256xi32, #tpu.memory_space<vmem>> -> memref<1x256xi32, #tpu.memory_space<vmem>>
    %dma_wait3A_63 = tpu.memref_squeeze %dma_wait3A_62 : memref<1x256xi32, #tpu.memory_space<vmem>> -> memref<256xi32, #tpu.memory_space<vmem>>
    %dma_wait3A_64 = arith.constant 0 : i32
    %dma_wait3A_65 = arith.constant 0 : i32
    %dma_wait3A_66 = tpu.memref_slice %arg2[%dma_wait3A_64, %dma_wait3A_65] : memref<10000x64xf32, #tpu.memory_space<hbm>> -> memref<10000x64xf32, #tpu.memory_space<hbm>>
    tpu.wait_indirect_dma semaphore(%arg17 : memref<!tpu.dma_semaphore, #tpu.memory_space<semaphore_mem>>) src(%dma_wait3A_66 : memref<10000x64xf32, #tpu.memory_space<hbm>>) dst(%arg12 : memref<256x64xf32, #tpu.memory_space<vmem>>)
    %run_scoped3A_67 = arith.constant 39 : i32
    "tpu.region"() ({
      %run_scoped3A_78 = tpu.sem_alloc : memref<!tpu.dma_semaphore, #tpu.memory_space<semaphore_mem>>
      %dma_start3A_79 = arith.constant 0 : i32
      %dma_start3A_80 = tpu.memref_slice %arg8[%run_scoped3A_67, %dma_start3A_79] : memref<40x256xi32, #tpu.memory_space<vmem>> -> memref<1x256xi32, #tpu.memory_space<vmem>>
      %dma_start3A_81 = tpu.memref_squeeze %dma_start3A_80 : memref<1x256xi32, #tpu.memory_space<vmem>> -> memref<256xi32, #tpu.memory_space<vmem>>
      %dma_start3A_82 = arith.constant 0 : i32
      %dma_start3A_83 = arith.constant 0 : i32
      %dma_start3A_84 = tpu.memref_slice %arg13[%dma_start3A_82, %dma_start3A_83] : memref<10128x64xf32, #tpu.memory_space<vmem_shared>> -> memref<10128x64xf32, #tpu.memory_space<vmem_shared>>
      tpu.enqueue_indirect_dma source(%arg12 : memref<256x64xf32, #tpu.memory_space<vmem>>) target(%dma_start3A_84 : memref<10128x64xf32, #tpu.memory_space<vmem_shared>>) offsets(%dma_start3A_81 : memref<256xi32, #tpu.memory_space<vmem>>) semaphore(%run_scoped3A_78 : memref<!tpu.dma_semaphore, #tpu.memory_space<semaphore_mem>>) {add = true}
      %dma_wait3A_85 = arith.constant 0 : i32
      %dma_wait3A_86 = tpu.memref_slice %arg8[%run_scoped3A_67, %dma_wait3A_85] : memref<40x256xi32, #tpu.memory_space<vmem>> -> memref<1x256xi32, #tpu.memory_space<vmem>>
      %dma_wait3A_87 = tpu.memref_squeeze %dma_wait3A_86 : memref<1x256xi32, #tpu.memory_space<vmem>> -> memref<256xi32, #tpu.memory_space<vmem>>
      %dma_wait3A_88 = arith.constant 0 : i32
      %dma_wait3A_89 = arith.constant 0 : i32
      %dma_wait3A_90 = tpu.memref_slice %arg13[%dma_wait3A_88, %dma_wait3A_89] : memref<10128x64xf32, #tpu.memory_space<vmem_shared>> -> memref<10128x64xf32, #tpu.memory_space<vmem_shared>>
      tpu.wait_indirect_dma semaphore(%run_scoped3A_78 : memref<!tpu.dma_semaphore, #tpu.memory_space<semaphore_mem>>) src(%arg12 : memref<256x64xf32, #tpu.memory_space<vmem>>) dst(%dma_wait3A_90 : memref<10128x64xf32, #tpu.memory_space<vmem_shared>>)
      tpu.yield
    }) : () -> ()
    %barrier3A_68 = arith.constant 0 : index
    tpu.barrier barrier_id(%barrier3A_68)
    %mul3A_69 = arith.constant 624 : i32
    %mul3A_70 = arith.muli %arg1, %mul3A_69 : i32
    %mul3A_71 = arith.constant 624 : i32
    %mul3A_72 = arith.muli %arg1, %mul3A_71 : i32
    "tpu.region"() ({
      %run_scoped3A_78 = tpu.sem_alloc : memref<!tpu.dma_semaphore, #tpu.memory_space<semaphore_mem>>
      %dma_start3A_79 = arith.constant 0 : i32
      %dma_start3A_80 = arith.constant 0 : i32
      %dma_start3A_81 = tpu.memref_slice %arg6[%arg0, %dma_start3A_79, %dma_start3A_80] : memref<2x10000x64xf32, #tpu.memory_space<hbm>> -> memref<1x10000x64xf32, #tpu.memory_space<hbm>>
      %dma_start3A_82 = tpu.memref_squeeze %dma_start3A_81 : memref<1x10000x64xf32, #tpu.memory_space<hbm>> -> memref<10000x64xf32, #tpu.memory_space<hbm>>
      %dma_start3A_83 = arith.constant 0 : i32
      %dma_start3A_84 = tpu.memref_slice %dma_start3A_82[%mul3A_72, %dma_start3A_83] : memref<10000x64xf32, #tpu.memory_space<hbm>> -> memref<624x64xf32, #tpu.memory_space<hbm>>
      %dma_start3A_85 = arith.constant 0 : i32
      %dma_start3A_86 = tpu.memref_slice %arg13[%mul3A_70, %dma_start3A_85] : memref<10128x64xf32, #tpu.memory_space<vmem_shared>> -> memref<624x64xf32, #tpu.memory_space<vmem_shared>>
      tpu.enqueue_dma source(%dma_start3A_86 : memref<624x64xf32, #tpu.memory_space<vmem_shared>>) target(%dma_start3A_84 : memref<624x64xf32, #tpu.memory_space<hbm>>) target_semaphore(%run_scoped3A_78 : memref<!tpu.dma_semaphore, #tpu.memory_space<semaphore_mem>>)
      %dma_wait3A_87 = arith.constant 0 : i32
      %dma_wait3A_88 = arith.constant 0 : i32
      %dma_wait3A_89 = tpu.memref_slice %arg6[%arg0, %dma_wait3A_87, %dma_wait3A_88] : memref<2x10000x64xf32, #tpu.memory_space<hbm>> -> memref<1x10000x64xf32, #tpu.memory_space<hbm>>
      %dma_wait3A_90 = tpu.memref_squeeze %dma_wait3A_89 : memref<1x10000x64xf32, #tpu.memory_space<hbm>> -> memref<10000x64xf32, #tpu.memory_space<hbm>>
      %dma_wait3A_91 = arith.constant 0 : i32
      %dma_wait3A_92 = tpu.memref_slice %dma_wait3A_90[%mul3A_72, %dma_wait3A_91] : memref<10000x64xf32, #tpu.memory_space<hbm>> -> memref<624x64xf32, #tpu.memory_space<hbm>>
      %dma_wait3A_93 = arith.constant 0 : i32
      %dma_wait3A_94 = tpu.memref_slice %arg13[%mul3A_70, %dma_wait3A_93] : memref<10128x64xf32, #tpu.memory_space<vmem_shared>> -> memref<624x64xf32, #tpu.memory_space<vmem_shared>>
      tpu.wait_dma2 semaphore(%run_scoped3A_78 : memref<!tpu.dma_semaphore, #tpu.memory_space<semaphore_mem>>) src(%dma_wait3A_94 : memref<624x64xf32, #tpu.memory_space<vmem_shared>>) dst(%dma_wait3A_92 : memref<624x64xf32, #tpu.memory_space<hbm>>)
      tpu.yield
    }) : () -> ()
    %eq3A_73 = arith.constant 15 : i32
    %eq3A_74 = arith.cmpi eq, %arg1, %eq3A_73 : i32
    %convert_element_type3A_75 = arith.extui %eq3A_74 : i1 to i32
    %cond3A_76 = arith.constant 0 : i32
    %cond3A_77 = arith.cmpi ne, %convert_element_type3A_75, %cond3A_76 : i32
    scf.if %cond3A_77 {
      "tpu.region"() ({
        %run_scoped3A_78 = tpu.sem_alloc : memref<!tpu.dma_semaphore, #tpu.memory_space<semaphore_mem>>
        %dma_start3A_79 = arith.constant 0 : i32
        %dma_start3A_80 = arith.constant 0 : i32
        %dma_start3A_81 = tpu.memref_slice %arg6[%arg0, %dma_start3A_79, %dma_start3A_80] : memref<2x10000x64xf32, #tpu.memory_space<hbm>> -> memref<1x10000x64xf32, #tpu.memory_space<hbm>>
        %dma_start3A_82 = tpu.memref_squeeze %dma_start3A_81 : memref<1x10000x64xf32, #tpu.memory_space<hbm>> -> memref<10000x64xf32, #tpu.memory_space<hbm>>
        %dma_start3A_83 = arith.constant 9984 : i32
        %dma_start3A_84 = arith.constant 0 : i32
        %dma_start3A_85 = tpu.memref_slice %dma_start3A_82[%dma_start3A_83, %dma_start3A_84] : memref<10000x64xf32, #tpu.memory_space<hbm>> -> memref<16x64xf32, #tpu.memory_space<hbm>>
        %dma_start3A_86 = arith.constant 9984 : i32
        %dma_start3A_87 = arith.constant 0 : i32
        %dma_start3A_88 = tpu.memref_slice %arg13[%dma_start3A_86, %dma_start3A_87] : memref<10128x64xf32, #tpu.memory_space<vmem_shared>> -> memref<16x64xf32, #tpu.memory_space<vmem_shared>>
        tpu.enqueue_dma source(%dma_start3A_88 : memref<16x64xf32, #tpu.memory_space<vmem_shared>>) target(%dma_start3A_85 : memref<16x64xf32, #tpu.memory_space<hbm>>) target_semaphore(%run_scoped3A_78 : memref<!tpu.dma_semaphore, #tpu.memory_space<semaphore_mem>>)
        %dma_wait3A_89 = arith.constant 0 : i32
        %dma_wait3A_90 = arith.constant 0 : i32
        %dma_wait3A_91 = tpu.memref_slice %arg6[%arg0, %dma_wait3A_89, %dma_wait3A_90] : memref<2x10000x64xf32, #tpu.memory_space<hbm>> -> memref<1x10000x64xf32, #tpu.memory_space<hbm>>
        %dma_wait3A_92 = tpu.memref_squeeze %dma_wait3A_91 : memref<1x10000x64xf32, #tpu.memory_space<hbm>> -> memref<10000x64xf32, #tpu.memory_space<hbm>>
        %dma_wait3A_93 = arith.constant 9984 : i32
        %dma_wait3A_94 = arith.constant 0 : i32
        %dma_wait3A_95 = tpu.memref_slice %dma_wait3A_92[%dma_wait3A_93, %dma_wait3A_94] : memref<10000x64xf32, #tpu.memory_space<hbm>> -> memref<16x64xf32, #tpu.memory_space<hbm>>
        %dma_wait3A_96 = arith.constant 9984 : i32
        %dma_wait3A_97 = arith.constant 0 : i32
        %dma_wait3A_98 = tpu.memref_slice %arg13[%dma_wait3A_96, %dma_wait3A_97] : memref<10128x64xf32, #tpu.memory_space<vmem_shared>> -> memref<16x64xf32, #tpu.memory_space<vmem_shared>>
        tpu.wait_dma2 semaphore(%run_scoped3A_78 : memref<!tpu.dma_semaphore, #tpu.memory_space<semaphore_mem>>) src(%dma_wait3A_98 : memref<16x64xf32, #tpu.memory_space<vmem_shared>>) dst(%dma_wait3A_95 : memref<16x64xf32, #tpu.memory_space<hbm>>)
        tpu.yield
      }) : () -> ()
    } else {
    }
    return
  }
}

module attributes {stable_mosaic.version = 14 : i64} {
  func.func @_p1_body(%arg0: memref<10000x128xf32, #tpu.memory_space<vmem>>, %arg1: memref<128x64xf32, #tpu.memory_space<vmem>>, %arg2: memref<10000x16xf32, #tpu.memory_space<vmem>>, %arg3: memref<10000x16xf32, #tpu.memory_space<vmem>>, %arg4: memref<10000x64xf32, #tpu.memory_space<vmem>>) attributes {dimension_semantics = [], scalar_prefetch = 0 : i64, scratch_operands = 0 : i64, tpu.core_type = #tpu.core_type<tc>} {
    %get3A = arith.constant 0 : index
    %get3A_0 = arith.constant 0 : index
    %get3A_1 = vector.load %arg2[%get3A, %get3A_0] : memref<10000x16xf32, #tpu.memory_space<vmem>>, vector<10000x1xf32>
    %get3A_2 = arith.constant 0 : index
    %get3A_3 = arith.constant 0 : index
    %get3A_4 = vector.load %arg3[%get3A_2, %get3A_3] : memref<10000x16xf32, #tpu.memory_space<vmem>>, vector<10000x1xf32>
    %add3A = arith.addf %get3A_1, %get3A_4 : vector<10000x1xf32>
    %add3A_5 = arith.constant 1.000000e+00 : f32
    %add3A_6 = vector.broadcast %add3A_5 : f32 to vector<10000x1xf32>
    %add3A_7 = arith.addf %add3A, %add3A_6 : vector<10000x1xf32>
    %max3A = arith.constant 1.000000e+00 : f32
    %max3A_8 = vector.broadcast %max3A : f32 to vector<10000x1xf32>
    %max3A_9 = arith.maximumf %add3A_7, %max3A_8 : vector<10000x1xf32>
    %rsqrt3A = math.rsqrt %max3A_9 : vector<10000x1xf32>
    %get3A_10 = arith.constant 0 : index
    %get3A_11 = arith.constant 0 : index
    %get3A_12 = vector.load %arg0[%get3A_10, %get3A_11] : memref<10000x128xf32, #tpu.memory_space<vmem>>, vector<10000x128xf32>
    %get3A_13 = arith.constant 0 : index
    %get3A_14 = arith.constant 0 : index
    %get3A_15 = vector.load %arg1[%get3A_13, %get3A_14] : memref<128x64xf32, #tpu.memory_space<vmem>>, vector<128x64xf32>
    %dot_general3A = arith.constant dense<0.000000e+00> : vector<10000x64xf32>
    %dot_general3A_16 = tpu.matmul %get3A_12, %get3A_15, %dot_general3A {dimension_numbers = #tpu.dot_dimension_numbers<[1], [0], [0], [1], [0, 0, 1, 1], [], []>, transpose_lhs_hint = false} : vector<10000x128xf32>, vector<128x64xf32>, vector<10000x64xf32> -> vector<10000x64xf32>
    %mul3A = vector.broadcast %rsqrt3A : vector<10000x1xf32> to vector<10000x64xf32>
    %mul3A_17 = arith.mulf %dot_general3A_16, %mul3A : vector<10000x64xf32>
    %swap3A = arith.constant 0 : index
    %swap3A_18 = arith.constant 0 : index
    %swap3A_19 = vector.load %arg4[%swap3A, %swap3A_18] : memref<10000x64xf32, #tpu.memory_space<vmem>>, vector<10000x64xf32>
    tpu.vector_store %arg4[%swap3A, %swap3A_18], %mul3A_17 {strides = array<i32>} : memref<10000x64xf32, #tpu.memory_space<vmem>>, vector<10000x64xf32>,
    return
  }
}

module attributes {stable_mosaic.version = 14 : i64} {
  func.func @_fuse_body(%arg0: memref<2x10000x64xf32, #tpu.memory_space<vmem>>, %arg1: memref<64x64xf32, #tpu.memory_space<vmem>>, %arg2: memref<1x64xf32, #tpu.memory_space<vmem>>, %arg3: memref<10000x16xf32, #tpu.memory_space<vmem>>, %arg4: memref<10000x16xf32, #tpu.memory_space<vmem>>, %arg5: memref<10000x64xf32, #tpu.memory_space<vmem>>) attributes {dimension_semantics = [], scalar_prefetch = 0 : i64, scratch_operands = 0 : i64, tpu.core_type = #tpu.core_type<tc>} {
    %get3A = arith.constant 0 : index
    %get3A_0 = arith.constant 0 : index
    %get3A_1 = vector.load %arg3[%get3A, %get3A_0] : memref<10000x16xf32, #tpu.memory_space<vmem>>, vector<10000x1xf32>
    %get3A_2 = arith.constant 0 : index
    %get3A_3 = arith.constant 0 : index
    %get3A_4 = vector.load %arg4[%get3A_2, %get3A_3] : memref<10000x16xf32, #tpu.memory_space<vmem>>, vector<10000x1xf32>
    %add3A = arith.addf %get3A_1, %get3A_4 : vector<10000x1xf32>
    %add3A_5 = arith.constant 1.000000e+00 : f32
    %add3A_6 = vector.broadcast %add3A_5 : f32 to vector<10000x1xf32>
    %add3A_7 = arith.addf %add3A, %add3A_6 : vector<10000x1xf32>
    %max3A = arith.constant 1.000000e+00 : f32
    %max3A_8 = vector.broadcast %max3A : f32 to vector<10000x1xf32>
    %max3A_9 = arith.maximumf %add3A_7, %max3A_8 : vector<10000x1xf32>
    %rsqrt3A = math.rsqrt %max3A_9 : vector<10000x1xf32>
    %get3A_10 = arith.constant 0 : index
    %get3A_11 = arith.constant 0 : index
    %get3A_12 = arith.constant 0 : index
    %get3A_13 = vector.load %arg0[%get3A_10, %get3A_11, %get3A_12] : memref<2x10000x64xf32, #tpu.memory_space<vmem>>, vector<1x10000x64xf32>
    %get3A_14 = vector.shape_cast %get3A_13 : vector<1x10000x64xf32> to vector<10000x64xf32>
    %get3A_15 = arith.constant 1 : index
    %get3A_16 = arith.constant 0 : index
    %get3A_17 = arith.constant 0 : index
    %get3A_18 = vector.load %arg0[%get3A_15, %get3A_16, %get3A_17] : memref<2x10000x64xf32, #tpu.memory_space<vmem>>, vector<1x10000x64xf32>
    %get3A_19 = vector.shape_cast %get3A_18 : vector<1x10000x64xf32> to vector<10000x64xf32>
    %add3A_20 = arith.addf %get3A_14, %get3A_19 : vector<10000x64xf32>
    %mul3A = vector.broadcast %rsqrt3A : vector<10000x1xf32> to vector<10000x64xf32>
    %mul3A_21 = arith.mulf %mul3A, %add3A_20 : vector<10000x64xf32>
    %get3A_22 = arith.constant 0 : index
    %get3A_23 = arith.constant 0 : index
    %get3A_24 = vector.load %arg2[%get3A_22, %get3A_23] : memref<1x64xf32, #tpu.memory_space<vmem>>, vector<1x64xf32>
    %add3A_25 = vector.broadcast %get3A_24 : vector<1x64xf32> to vector<10000x64xf32>
    %add3A_26 = arith.addf %mul3A_21, %add3A_25 : vector<10000x64xf32>
    %max3A_27 = arith.constant 0.000000e+00 : f32
    %max3A_28 = vector.broadcast %max3A_27 : f32 to vector<10000x64xf32>
    %max3A_29 = arith.maximumf %add3A_26, %max3A_28 : vector<10000x64xf32>
    %get3A_30 = arith.constant 0 : index
    %get3A_31 = arith.constant 0 : index
    %get3A_32 = vector.load %arg1[%get3A_30, %get3A_31] : memref<64x64xf32, #tpu.memory_space<vmem>>, vector<64x64xf32>
    %dot_general3A = arith.constant dense<0.000000e+00> : vector<10000x64xf32>
    %dot_general3A_33 = tpu.matmul %max3A_29, %get3A_32, %dot_general3A {dimension_numbers = #tpu.dot_dimension_numbers<[1], [0], [0], [1], [0, 0, 1, 1], [], []>, transpose_lhs_hint = false} : vector<10000x64xf32>, vector<64x64xf32>, vector<10000x64xf32> -> vector<10000x64xf32>
    %mul3A_34 = vector.broadcast %rsqrt3A : vector<10000x1xf32> to vector<10000x64xf32>
    %mul3A_35 = arith.mulf %dot_general3A_33, %mul3A_34 : vector<10000x64xf32>
    %swap3A = arith.constant 0 : index
    %swap3A_36 = arith.constant 0 : index
    %swap3A_37 = vector.load %arg5[%swap3A, %swap3A_36] : memref<10000x64xf32, #tpu.memory_space<vmem>>, vector<10000x64xf32>
    tpu.vector_store %arg5[%swap3A, %swap3A_36], %mul3A_35 {strides = array<i32>} : memref<10000x64xf32, #tpu.memory_space<vmem>>, vector<10000x64xf32>,
    return
  }
}

module attributes {stable_mosaic.version = 14 : i64} {
  func.func @_final_body(%arg0: memref<2x10000x64xf32, #tpu.memory_space<vmem>>, %arg1: memref<1x64xf32, #tpu.memory_space<vmem>>, %arg2: memref<10000x16xf32, #tpu.memory_space<vmem>>, %arg3: memref<10000x16xf32, #tpu.memory_space<vmem>>, %arg4: memref<10000x1xi32, #tpu.memory_space<vmem>>, %arg5: memref<64x32xf32, #tpu.memory_space<vmem>>, %arg6: memref<1x32xf32, #tpu.memory_space<vmem>>, %arg7: memref<32x1xf32, #tpu.memory_space<vmem>>, %arg8: memref<1x1xf32, #tpu.memory_space<vmem>>, %arg9: memref<16x1xf32, #tpu.memory_space<vmem>>) attributes {dimension_semantics = [], scalar_prefetch = 0 : i64, scratch_operands = 0 : i64, tpu.core_type = #tpu.core_type<tc>} {
    %get3A = arith.constant 0 : index
    %get3A_0 = arith.constant 0 : index
    %get3A_1 = vector.load %arg2[%get3A, %get3A_0] : memref<10000x16xf32, #tpu.memory_space<vmem>>, vector<10000x1xf32>
    %get3A_2 = arith.constant 0 : index
    %get3A_3 = arith.constant 0 : index
    %get3A_4 = vector.load %arg3[%get3A_2, %get3A_3] : memref<10000x16xf32, #tpu.memory_space<vmem>>, vector<10000x1xf32>
    %add3A = arith.addf %get3A_1, %get3A_4 : vector<10000x1xf32>
    %add3A_5 = arith.constant 1.000000e+00 : f32
    %add3A_6 = vector.broadcast %add3A_5 : f32 to vector<10000x1xf32>
    %add3A_7 = arith.addf %add3A, %add3A_6 : vector<10000x1xf32>
    %max3A = arith.constant 1.000000e+00 : f32
    %max3A_8 = vector.broadcast %max3A : f32 to vector<10000x1xf32>
    %max3A_9 = arith.maximumf %add3A_7, %max3A_8 : vector<10000x1xf32>
    %rsqrt3A = math.rsqrt %max3A_9 : vector<10000x1xf32>
    %get3A_10 = arith.constant 0 : index
    %get3A_11 = arith.constant 0 : index
    %get3A_12 = arith.constant 0 : index
    %get3A_13 = vector.load %arg0[%get3A_10, %get3A_11, %get3A_12] : memref<2x10000x64xf32, #tpu.memory_space<vmem>>, vector<1x10000x64xf32>
    %get3A_14 = vector.shape_cast %get3A_13 : vector<1x10000x64xf32> to vector<10000x64xf32>
    %get3A_15 = arith.constant 1 : index
    %get3A_16 = arith.constant 0 : index
    %get3A_17 = arith.constant 0 : index
    %get3A_18 = vector.load %arg0[%get3A_15, %get3A_16, %get3A_17] : memref<2x10000x64xf32, #tpu.memory_space<vmem>>, vector<1x10000x64xf32>
    %get3A_19 = vector.shape_cast %get3A_18 : vector<1x10000x64xf32> to vector<10000x64xf32>
    %add3A_20 = arith.addf %get3A_14, %get3A_19 : vector<10000x64xf32>
    %mul3A = vector.broadcast %rsqrt3A : vector<10000x1xf32> to vector<10000x64xf32>
    %mul3A_21 = arith.mulf %mul3A, %add3A_20 : vector<10000x64xf32>
    %get3A_22 = arith.constant 0 : index
    %get3A_23 = arith.constant 0 : index
    %get3A_24 = vector.load %arg1[%get3A_22, %get3A_23] : memref<1x64xf32, #tpu.memory_space<vmem>>, vector<1x64xf32>
    %add3A_25 = vector.broadcast %get3A_24 : vector<1x64xf32> to vector<10000x64xf32>
    %add3A_26 = arith.addf %mul3A_21, %add3A_25 : vector<10000x64xf32>
    %max3A_27 = arith.constant 0.000000e+00 : f32
    %max3A_28 = vector.broadcast %max3A_27 : f32 to vector<10000x64xf32>
    %max3A_29 = arith.maximumf %add3A_26, %max3A_28 : vector<10000x64xf32>
    %get3A_30 = arith.constant 0 : index
    %get3A_31 = arith.constant 0 : index
    %get3A_32 = vector.load %arg4[%get3A_30, %get3A_31] : memref<10000x1xi32, #tpu.memory_space<vmem>>, vector<10000x1xi32>
    %iota3A = tpu.iota {dimensions = array<i32: 1>} : vector<1x16xi32>
    %eq3A = vector.broadcast %get3A_32 : vector<10000x1xi32> to vector<10000x16xi32>
    %eq3A_33 = vector.broadcast %iota3A : vector<1x16xi32> to vector<10000x16xi32>
    %eq3A_34 = arith.cmpi eq, %eq3A, %eq3A_33 : vector<10000x16xi32>
    %convert_element_type3A = arith.extui %eq3A_34 : vector<10000x16xi1> to vector<10000x16xi32>
    %convert_element_type3A_35 = arith.sitofp %convert_element_type3A : vector<10000x16xi32> to vector<10000x16xf32>
    %dot_general3A = arith.constant dense<0.000000e+00> : vector<16x64xf32>
    %dot_general3A_36 = tpu.matmul %convert_element_type3A_35, %max3A_29, %dot_general3A {dimension_numbers = #tpu.dot_dimension_numbers<[0], [0], [1], [1], [0, 1, 1, 1], [], []>, transpose_lhs_hint = false} : vector<10000x16xf32>, vector<10000x64xf32>, vector<16x64xf32> -> vector<16x64xf32>
    %reduce_sum3A = arith.constant dense<0.000000e+00> : vector<16xf32>
    %reduce_sum3A_37 = vector.multi_reduction <add>, %convert_element_type3A_35, %reduce_sum3A [0] : vector<10000x16xf32> to vector<16xf32>
    %broadcast_in_dim3A = vector.shape_cast %reduce_sum3A_37 : vector<16xf32> to vector<16x1xf32>
    %max3A_38 = arith.constant 1.000000e+00 : f32
    %max3A_39 = vector.broadcast %max3A_38 : f32 to vector<16x1xf32>
    %max3A_40 = arith.maximumf %broadcast_in_dim3A, %max3A_39 : vector<16x1xf32>
    %div3A = vector.broadcast %max3A_40 : vector<16x1xf32> to vector<16x64xf32>
    %div3A_41 = arith.divf %dot_general3A_36, %div3A : vector<16x64xf32>
    %get3A_42 = arith.constant 0 : index
    %get3A_43 = arith.constant 0 : index
    %get3A_44 = vector.load %arg5[%get3A_42, %get3A_43] : memref<64x32xf32, #tpu.memory_space<vmem>>, vector<64x32xf32>
    %dot_general3A_45 = arith.constant dense<0.000000e+00> : vector<16x32xf32>
    %dot_general3A_46 = tpu.matmul %div3A_41, %get3A_44, %dot_general3A_45 {dimension_numbers = #tpu.dot_dimension_numbers<[1], [0], [0], [1], [0, 0, 1, 1], [], []>, transpose_lhs_hint = false} : vector<16x64xf32>, vector<64x32xf32>, vector<16x32xf32> -> vector<16x32xf32>
    %get3A_47 = arith.constant 0 : index
    %get3A_48 = arith.constant 0 : index
    %get3A_49 = vector.load %arg6[%get3A_47, %get3A_48] : memref<1x32xf32, #tpu.memory_space<vmem>>, vector<1x32xf32>
    %add3A_50 = vector.broadcast %get3A_49 : vector<1x32xf32> to vector<16x32xf32>
    %add3A_51 = arith.addf %dot_general3A_46, %add3A_50 : vector<16x32xf32>
    %max3A_52 = arith.constant 0.000000e+00 : f32
    %max3A_53 = vector.broadcast %max3A_52 : f32 to vector<16x32xf32>
    %max3A_54 = arith.maximumf %add3A_51, %max3A_53 : vector<16x32xf32>
    %get3A_55 = arith.constant 0 : index
    %get3A_56 = arith.constant 0 : index
    %get3A_57 = vector.load %arg7[%get3A_55, %get3A_56] : memref<32x1xf32, #tpu.memory_space<vmem>>, vector<32x1xf32>
    %dot_general3A_58 = arith.constant dense<0.000000e+00> : vector<16x1xf32>
    %dot_general3A_59 = tpu.matmul %max3A_54, %get3A_57, %dot_general3A_58 {dimension_numbers = #tpu.dot_dimension_numbers<[1], [0], [0], [1], [0, 0, 1, 1], [], []>, transpose_lhs_hint = false} : vector<16x32xf32>, vector<32x1xf32>, vector<16x1xf32> -> vector<16x1xf32>
    %get3A_60 = arith.constant 0 : index
    %get3A_61 = arith.constant 0 : index
    %get3A_62 = vector.load %arg8[%get3A_60, %get3A_61] : memref<1x1xf32, #tpu.memory_space<vmem>>, vector<1x1xf32>
    %add3A_63 = vector.broadcast %get3A_62 : vector<1x1xf32> to vector<16x1xf32>
    %add3A_64 = arith.addf %dot_general3A_59, %add3A_63 : vector<16x1xf32>
    %swap3A = arith.constant 0 : index
    %swap3A_65 = arith.constant 0 : index
    %swap3A_66 = vector.load %arg9[%swap3A, %swap3A_65] : memref<16x1xf32, #tpu.memory_space<vmem>>, vector<16x1xf32>
    tpu.vector_store %arg9[%swap3A, %swap3A_65], %add3A_64 {strides = array<i32>} : memref<16x1xf32, #tpu.memory_space<vmem>>, vector<16x1xf32>,
    return
  }
}

</mosaic_0001>

<sc_bundles>
// kernel: kernel.10.cloned.1.call-start
scs
__scs_entry_jumppad:
0x0: {  	(pc) =	sbr.rel $0x88, $3  }
0x1: {  	(tag) =	ssettag $0x0;
	lr =	simm.s32 $0x1  }
0x2: {  	[smem:$0x3F94] =	sst lr;
	_ =	strace $0xD0000000  }
0x3: {  	_ = 	snop  }
0x4: {  	_ = 	snop  }
0x5: {  	_ = 	snop  }
0x6: {  	_ = 	snop  }
0x7: {  	_ = 	snop  }
__scs_overlays_trampoline_lowered:
0x8: {  	[smem:$0x3FA3] =	sst s0  }
0x9: {  	[smem:$0x3FA4] =	sst s1  }
0xa: {  	[smem:$0x3FA5] =	sst s2  }
0xb: {  	[smem:$0x3FA6] =	sst s3  }
0xc: {  	[smem:$0x3FA7] =	sst s4  }
0xd: {  	[smem:$0x3FA8] =	sst s5  }
0xe: {  	[smem:$0x3FA9] =	sst s6  }
0xf: {  	[smem:$0x3FAA] =	sst s7  }
0x10: {  	[smem:$0x3FAB] =	sst s8  }
0x11: {  	[smem:$0x3FAC] =	sst s9;
	s0 =	simm.s32 @!p0 $0x0  }
0x12: {  	s1 =	sld [smem:$0x3F92];
	s0 =	simm.s32 @p0 $0x1  }
0x13: {  	[smem:$0x3FAD] =	sst s0;
	s0 =	simm.s32 @!p1 $0x0  }
0x14: {  	s2 =	sld [smem:$0x3F91];
	s0 =	simm.s32 @p1 $0x1  }
0x15: {  	[smem:$0x3FAE] =	sst s0;
	s0 =	simm.s32 @!p2 $0x0  }
0x16: {  	s3 =	sld [smem:$0x3FDB];
	s0 =	simm.s32 @p2 $0x1  }
0x17: {  	s4 =	simm.s32 $0x1BF5;
	[smem:$0x3FB0] =	sst s0  }
0x18: {  	s0 =	sld [smem:$0x3F93];
	_ =	swait.ge [sflag:s4], $0x0  }
0x19: {  	s7 =	sld [smem:$0x3F94]  }
0x1a: {  	s8 =	sadd.s32 $0xFFFFE003, lr  }
0x1b: {  	s9 =	sadd.s32 $0xFFFFFEF7, lr;
	s5 =	simm.s32 $0xFFFFFFFF;
	p2 =	slt.u32 s8, $0xFFFFF086  }
0x1c: {  	p1 =	slt.u32 s9, $0xF7A;
	s5 =	simm.s32 @!p2 $0x0  }
0x1d: {  	s5 =	simm.s32 @p1 $0x1;
	p0 =	seq.s32 s7, s2  }
0x1e: {  	s7 =	smul.u32 @!p0 $0xF7A, s2;
	p2 =	seq.s32 @!p0 s5, $0x0  }
0x1f: {  	s9 =	smul.u32 $0xF7A, s1;
	s8 =	simm.s32 @!p0 $0x1BF5;
	p2 =	por !p2, p0  }
0x20: {  	[sflag:s8] =	ssyncset.s32 @!p0 $0xFFFFF086;
	s6 =	sadd.s32 @!p0 s3, s7;
	s7 =	simm.s32 @!p0 $0x108  }
0x21: {  	s3 =	sadd.s32 s3, s9;
	s6 =	sadd.s32 @!p0 $0x88, s6;
	s7 =	simm.s32 @p2 $0x1082  }
0x22: {  	[simem:s7], [sflag:s8] =	dma.local @!p0 [hbm:s6], $0xF7A  }
0x23: {  	s9 =	sor.u32 $0xD0000000, s2;
	s6 =	simm.s32 $0x108;
	_ =	swait.ge @!p0 [sflag:s8], $0x0  }
0x24: {  	s3 =	sadd.s32 $0x88, s3;
	s6 =	simm.s32 @!p1 $0x1082;
	[sflag:s4] =	ssyncset.s32 $0xFFFFF086  }
0x25: {  	[simem:s6], [sflag:s4] =	dma.local [hbm:s3], $0xF7A  }
0x26: {  	[smem:$0x3F94] =	sst s1;
	(tag) =	ssettag s2;
	_ =	strace s9  }
0x27: {  	s1 =	sld [smem:$0x3FA4]  }
0x28: {  	s2 =	sld [smem:$0x3FA5]  }
0x29: {  	s4 =	sld [smem:$0x3FA7]  }
0x2a: {  	p0 =	seq.s32 s5, $0x0;
	s5 =	sld [smem:$0x3FA8]  }
0x2b: {  	s6 =	sld [smem:$0x3FA9]  }
0x2c: {  	s7 =	sld [smem:$0x3FAA]  }
0x2d: {  	s3 =	simm.s32 $0x108;
	s8 =	sld [smem:$0x3FAB]  }
0x2e: {  	s3 =	simm.s32 @!p0 $0x1082;
	s9 =	sld [smem:$0x3FAC]  }
0x2f: {  	lr =	sadd.s32 s0, s3;
	s0 =	sld [smem:$0x3FA3]  }
0x30: {  	s3 =	sld [smem:$0x3FA6]  }
0x31: {  	[smem:$0x3FAF] =	sst s10  }
0x32: {  	s10 =	sld [smem:$0x3FAD];
	_ =	sdelay $0x3  }
0x33: {  	p0 =	seq.s32 s10, $0x1;
	s10 =	sld [smem:$0x3FAF];
	_ =	sdelay $0x3  }
0x34: {  	[smem:$0x3FAF] =	sst s10  }
0x35: {  	s10 =	sld [smem:$0x3FAE];
	_ =	sdelay $0x3  }
0x36: {  	p1 =	seq.s32 s10, $0x1;
	s10 =	sld [smem:$0x3FAF];
	_ =	sdelay $0x3  }
0x37: {  	[smem:$0x3FAF] =	sst s10  }
0x38: {  	s10 =	sld [smem:$0x3FB0]  }
0x39: {  	_ = 	snop;
	(pc) =	sbr.ind lr, $3  }
0x3a: {  	_ = 	snop  }
0x3b: {  	_ = 	snop  }
0x3c: {  	p2 =	seq.s32 s10, $0x1;
	s10 =	sld [smem:$0x3FAF]  }
0x3d: {  	_ =	shalt  }
0x3e: {  	_ =	shalt  }
0x3f: {  	_ =	shalt  }
0x40: {  	_ =	shalt  }
0x41: {  	_ =	shalt  }
0x42: {  	_ =	shalt  }
0x43: {  	_ =	shalt  }
0x44: {  	_ =	shalt  }
0x45: {  	_ =	shalt  }
0x46: {  	_ =	shalt  }
0x47: {  	_ =	shalt  }
0x48: {  	_ =	shalt  }
0x49: {  	_ =	shalt  }
0x4a: {  	_ =	shalt  }
0x4b: {  	_ =	shalt  }
0x4c: {  	_ =	shalt  }
0x4d: {  	_ =	shalt  }
0x4e: {  	_ =	shalt  }
0x4f: {  	_ =	shalt  }
0x50: {  	_ =	shalt  }
0x51: {  	_ =	shalt  }
0x52: {  	_ =	shalt  }
0x53: {  	_ =	shalt  }
0x54: {  	_ =	shalt  }
0x55: {  	_ =	shalt  }
0x56: {  	_ =	shalt  }
0x57: {  	_ =	shalt  }
0x58: {  	_ =	shalt  }
0x59: {  	_ =	shalt  }
0x5a: {  	_ =	shalt  }
0x5b: {  	_ =	shalt  }
0x5c: {  	_ =	shalt  }
0x5d: {  	_ =	shalt  }
0x5e: {  	_ =	shalt  }
0x5f: {  	_ =	shalt  }
0x60: {  	_ =	shalt  }
0x61: {  	_ =	shalt  }
0x62: {  	_ =	shalt  }
0x63: {  	_ =	shalt  }
0x64: {  	_ =	shalt  }
0x65: {  	_ =	shalt  }
0x66: {  	_ =	shalt  }
0x67: {  	_ =	shalt  }
0x68: {  	_ =	shalt  }
0x69: {  	_ =	shalt  }
0x6a: {  	_ =	shalt  }
0x6b: {  	_ =	shalt  }
0x6c: {  	_ =	shalt  }
0x6d: {  	_ =	shalt  }
0x6e: {  	_ =	shalt  }
0x6f: {  	_ =	shalt  }
0x70: {  	_ =	shalt  }
0x71: {  	_ =	shalt  }
0x72: {  	_ =	shalt  }
0x73: {  	_ =	shalt  }
0x74: {  	_ =	shalt  }
0x75: {  	_ =	shalt  }
0x76: {  	_ =	shalt  }
0x77: {  	_ =	shalt  }
0x78: {  	_ =	shalt  }
0x79: {  	_ =	shalt  }
0x7a: {  	_ =	shalt  }
0x7b: {  	_ =	shalt  }
0x7c: {  	_ =	shalt  }
0x7d: {  	_ =	shalt  }
0x7e: {  	_ =	shalt  }
0x7f: {  	_ =	shalt  }
0x80: {  	_ =	shalt  }
0x81: {  	_ =	shalt  }
0x82: {  	_ =	shalt  }
0x83: {  	_ =	shalt  }
0x84: {  	_ =	shalt  }
0x85: {  	_ =	shalt  }
0x86: {  	_ =	shalt  }
0x87: {  	_ =	shalt  }
.Lfunc_end0:
.L_simem_size_0:
called_computation_lowered:
.L_overlay_start_0:
0x88: {  	s2 =	sld [smem:$0x3FD9]  }
0x89: {  	s3 =	sld [smem:$0x3FFE];
	_ =	sdelay $0x1  }
0x8a: {  	s1 =	srdreg.scid  }
0x8b: {  	s0 =	sand.u32 $0x1, s1  }
0x8c: {  	s16 =	sshll.u32 s0, $0xA;
	s2 =	sadd.s32 s3, s2  }
0x8d: {  	s2 =	sadd.s32 s2, s16  }
0x8e: {  	[smem:$0x3FBB] =	sst s2  }
0x8f: {  	_ = 	snop  }
0x90: {  	(tm) =	ssettm $0x1  }
0x91: {  	s17 =	sld [smem:$0x3FFB];
	_ =	sdelay $0x3  }
0x92: {  	_ =	strace s17  }
0x93: {  	s2 =	sld [smem:$0x3FFC];
	_ =	sdelay $0x3  }
0x94: {  	_ =	strace s2  }
0x95: {  	s2 =	sld [smem:$0x3FFD];
	_ =	sdelay $0x3  }
0x96: {  	_ =	strace s2  }
0x97: {  	_ =	strace $0x8FFFFFFF  }
0x98: {  	s18 =	sld [smem:$0x3FDB];
	_ =	sdelay $0x1  }
0x99: {  	s19 =	simm.s32 $_scs_section_size  }
0x9a: {  	s4 =	simm.s32 $_size__tile_overlayer_lowered;
	s5 =	simm.s32 $_tile_overlayer_lowered  }
0x9b: {  	s22 =	simm.s32 $0x1BFF;
	s21 =	sshll.u32 s5, $0x1;
	s2 =	sadd.s32 s19, s18  }
0x9c: {  	s6 =	simm.s32 $0x0;
	s20 =	sshll.u32 s4, $0x1;
	s4 =	sadd.s32 s21, s2  }
0x9d: {  	[timem:s6], [sflag:s22] =	dma.local [hbm:s4], s20  }
0x9e: {  	_ =	swait.ge [sflag:s22], s20  }
0x9f: {  	s3 =	ssub.s32 $0x0, s20;
	[sflag:s22] =	ssyncset.done $0x0  }
0xa0: {  	[sflag:s22] =	ssyncadd.s32 s3;
	_ =	sdelay $0x1  }
0xa1: {  	s23 =	simm.s32 $0x1B8B  }
0xa2: {  	_ =	swait.ge [sflag:s23], $0x1  }
0xa3: {  	[sflag:s23] =	ssyncset.done $0x0  }
0xa4: {  	s25 =	simm.s32 $0x1B8E;
	s24 =	sld [smem:$0x3FFE];
	[sflag:s23] =	ssyncadd.s32 $0xFFFFFFFF  }
0xa5: {  	s26 =	simm.s32 $execute0_lowered;
	[smem:$0x3FD2] =	sst s25  }
0xa6: {  	s4 =	sshll.u32 s26, $0x1;
	_ =	strace $0x80000046;
	[dreg:$0x1] =	wrdreg $0xFFFFFFFF  }
0xa7: {  	s28 =	simm.s32 $_size_execute0_lowered;
	s2 =	sadd.s32 s2, s4;
	[dreg:$0x0] =	wrdreg $0x0  }
0xa8: {  	s4 =	sshll.u32 s28, $0x1;
	[dreg:$0x2] =	wrdreg s2  }
0xa9: {  	[dreg:$0x3] =	wrdreg s4  }
0xaa: {  	[dreg:$0x4] =	wrdreg $0xC0  }
0xab: {  	_ =	task [dreg:s6], $0x5FFFF  }
0xac: {  	[dreg:$0x1] =	wrdreg $0xFFFFFFFF  }
0xad: {  	[dreg:$0x0] =	wrdreg $0x60  }
0xae: {  	[dreg:$0x2] =	wrdreg s24  }
0xaf: {  	[dreg:$0x3] =	wrdreg $0x38000  }
0xb0: {  	[dreg:$0x4] =	wrdreg $0x9  }
0xb1: {  	_ =	task.clear_ibuf [dreg:s6], $0x5FFFF;
	_ =	strace $0x90000046  }
0xb2: {  	s29 =	simm.s32 $0x9;
	_ =	strace $0x80000048  }
0xb3: {  	_ =	swait.ge [sflag:s29], $0x1  }
0xb4: {  	[sflag:s29] =	ssyncadd.s32 $0xFFFFFFFF  }
0xb5: {  	_ =	strace $0x90000048  }
0xb6: {  	_ =	sfence  }
0xb7: {  	s30 =	sld [smem:$0x0];
	_ =	sdelay $0x2  }
0xb8: {  	s31 =	sshll.u32 s1, $0xD;
	s1 =	sshrl.u32 s1, $0x2  }
0xb9: {  	s3 =	sand.u32 $0x4000, s31;
	s1 =	sadd.s32 s1, s30  }
0xba: {  	s0 =	sor.u32 s3, s0;
	s1 =	sshll.u32 s1, $0x11  }
0xbb: {  	s0 =	sor.u32 s1, s0  }
0xbc: {  	s0 =	sadd.s32 $0x8F2B, s0  }
0xbd: {  	[sflag:s0] =	ssyncadd.remote.s32 $0x1  }
0xbe: {  	_ =	sfence.sel $0xFFFF  }
0xbf: {  	[dreg:$0x0] =	wrdreg $0xFFFFFFFF;
	(pc) =	sbr.abs _section_cstart, $3  }
0xc0: {  	[dreg:$0x1] =	wrdreg $0xFFFFFFFF  }
0xc1: {  	_ =	task.clear_ibuf [dreg:s6], $0x2FFFF;
	_ =	strace $0x9FFFFFFF  }
0xc2: {  	(tm) =	ssettm $0x7FFFFFFF  }
0xc3: {  	_ =	shalt  }
tec
execute0_lowered:
.L_overlay_start_1:
0x0: {  	(tag) =	ssettag $0x1  }
0x1: {  	s0 =	srdreg.scid;
	s7 =	rddreg [dreg:$0x0]  }
0x2: {  	s2 =	rddreg [dreg:$0x1];
	s1 =	stileid.u32  }
0x3: {  	s3 =	simm.s32 $0x0;
	s4 =	sand.u32 $0x1, s0;
	s0 =	rddreg [dreg:$0x2]  }
0x4: {  	s14 =	simm.s32 $0x100;
	s17 =	simm.s32 $0x0;
	[smem:$0x7FF] =	sst s3  }
0x5: {  	s6 =	smul.u32 $0x2700, s1;
	s31 =	sshll.u32 s1, $0x6;
	s13 =	sadd.s32 $0x27000, s2  }
0x6: {  	p0 =	sne.s32 s1, $0xF;
	s5 =	sshll.u32 s4, $0x4;
	_ =	strace $0x80000047  }
0x7: {  	s29 =	smul.u32 $0x4E20, s4;
	s9 =	ssub.s32 $0x2, s4;
	s4 =	sadd.s32 $0x11800, s7  }
0x8: {  	s5 =	sor.u32 s1, s5;
	s15 =	sshrl.u32 s6, $0x3;
	s10 =	sshrl.u32 s9, $0x1  }
0x9: {  	s30 =	sadd.s32 s6, s2;
	s6 =	sor.u32 $0x1C01, s31;
	s5 =	smul.u32 $0x500, s5  }
0xa: {  	s11 =	sadd.s32 s15, s7;
	s12 =	sadd.s32 s29, s7;
	s9 =	ssub.s32 s9, s10  }
0xb: {  	s10 =	sshrl.u32 s30, $0x3;
	s16 =	sadd.s32 $0x11A00, s12;
	s9 =	smax.u32 s9, $0x1  }
0xc: {  	s12 =	sshrl.u32 @!p0 s13, $0x3;
	s13 =	simm.s32 $0x2800;
	s8 =	sadd.s32 s5, s7  }
0xd: {  	s5 =	sadd.s32 $0xC800, s11;
	s7 =	sadd.s32 $0x11600, s7;
	s11 =	simm.s32 $0x1  }
0xe: {  	s15 =	sadd.s32 s15, s16;
	s16 =	sadd.s32 @!p0 $0x4E00, s16;
	s8 =	sadd.s32 $0x2800, s8  }
.LBB2_1:
0xf: {  	[spmem:s10], [sflag:s6] =	dma.local [hbm:s5], $0x4E0  }
0x10: {  	_ =	swait.ge [sflag:s11], $0x4E0  }
0x11: {  	[sflag:s11] =	ssyncset.done $0x0  }
0x12: {  	s18 =	simm.s32 @!p0 $0x1;
	[sflag:s11] =	ssyncadd.s32 $0xFFFFFB20  }
0x13: {  	[spmem:s12], [sflag:s6] =	dma.local @!p0 [hbm:s7], $0x20  }
0x14: {  	_ =	swait.ge @!p0 [sflag:s18], $0x20  }
0x15: {  	[sflag:s18] =	ssyncset.done @!p0 $0x0  }
0x16: {  	[sflag:s18] =	ssyncadd.s32 @!p0 $0xFFFFFFE0  }
0x17: {  	[tilespmem:s13], [sflag:$0x1] =	stream.linear.gather [hbm4b:s4+s3], $0x1000, $0x38;
	[tilespmem:$0x5F90] =	vst v63  }
0x18: {  	_ =	swait.ge [sflag:s11], $0x1000  }
0x19: {  	[sflag:s11] =	ssyncset.done $0x0  }
0x1a: {  	[sflag:s11] =	ssyncadd.s32 $0xFFFFF000  }
0x1b: {  	[tilespmem:s3], [sflag:$0x1] =	stream.linear.gather [hbm4b:s8+s3], $0x2800, $0x38;
	[tilespmem:$0x5F90] =	vst v63  }
0x1c: {  	_ =	swait.ge [sflag:s11], $0x2800  }
0x1d: {  	[sflag:s11] =	ssyncset.done $0x0  }
0x1e: {  	[sflag:s11] =	ssyncadd.s32 $0xFFFFD800  }
0x1f: {  	s31 =	simm.s32 $0x0;
	[bflag:$0x0] =	sbarrier.arrive $0xFFFF  }
0x20: {  	[spmem:s2] =	stream.indirect.scatter.add.f32 [tilespmem:s13], [sflag:$0x1], $0x10, s31, s14, $0xb8;
	[tilespmem:$0x5F90] =	vst v63  }
0x21: {  	_ =	swait.ge [sflag:s11], $0x1000  }
0x22: {  	s18 =	simm.s32 $0x400;
	[sflag:s11] =	ssyncset.done $0x0  }
.LBB2_2:
0x23: {  	s19 =	sshra.s32 s18, $0x2;
	[sflag:s11] =	ssyncadd.s32 $0xFFFFF000;
	p1 =	sne.s32 s18, $0x9C00  }
0x24: {  	[spmem:s2] =	stream.indirect.scatter.add.f32 [tilespmem:s13], [sflag:$0x1], $0x10, s19, s14, $0xb8;
	[tilespmem:$0x5F90] =	vst v63  }
.Ltmp0:
0x25: {  	_ = 	snop;
	(pc) =	sbr.rel @p1 .LBB2_2-.Ltmp0, $4  }
0x26: {  	_ = 	snop  }
0x27: {  	s18 =	sadd.s32 $0x400, s18  }
0x28: {  	_ =	swait.ge [sflag:s11], $0x1000  }
0x29: {  	[sflag:s11] =	ssyncset.done $0x0  }
0x2a: {  	[sflag:s11] =	ssyncadd.s32 $0xFFFFF000  }
0x2b: {  	[bflag:$0x0] =	sbarrier.arrive $0xFFFF  }
0x2c: {  	[hbm:s15], [sflag:s6] =	dma.local [spmem:s10], $0x4E0  }
0x2d: {  	s17 =	sadd.s32 $0x1, s17;
	_ =	swait.ge [sflag:s11], $0x4E0  }
0x2e: {  	p1 =	sne.s32 s17, s9;
	[sflag:s11] =	ssyncset.done $0x0  }
.Ltmp1:
0x2f: {  	s18 =	simm.s32 @!p0 $0x1;
	[sflag:s11] =	ssyncadd.s32 $0xFFFFFB20;
	(pc) =	sbr.rel @p1 .LBB2_1-.Ltmp1, $4  }
0x30: {  	[hbm:s16], [sflag:s6] =	dma.local @!p0 [spmem:s12], $0x20  }
0x31: {  	_ =	swait.ge @!p0 [sflag:s18], $0x20  }
0x32: {  	[sflag:s18] =	ssyncset.done @!p0 $0x0  }
0x33: {  	[sflag:s18] =	ssyncadd.s32 @!p0 $0xFFFFFFE0  }
0x34: {  	_ =	sfence.sel $0x180000  }
0x35: {  	[bflag:$0x0] =	sbarrier.arrive $0xFFFF  }
0x36: {  	p0 =	sne.s32 s1, $0x0;
	_ =	strace $0x90000047  }
0x37: {  	s0 =	sadd.s32 @!p0 $0x100000, s0;
	[bflag:$0x2] =	sbarrier.arrive $0xFFFF  }
0x38: {  	[sflag:s0] =	ssyncadd.tile.s32 @!p0 $0x1;
	_ =	shalt  }
.Lfunc_end2:
_tile_overlayer_lowered:
.L_overlay_start_2:
0x39: {  	(tag) =	ssettag $0x2  }
0x3a: {  	s0 =	rddreg [dreg:$0x0];
	s2 =	stileid.u32  }
0x3b: {  	s1 =	rddreg [dreg:$0x1];
	p0 =	sne.s32 s2, $0x0  }
0x3c: {  	s3 =	rddreg [dreg:$0x2];
	[bflag:$0x3] =	sbarrier.arrive $0xFFFF;
	s2 =	simm.s32 @!p0 $0x1C01  }
0x3d: {  	[timem:s3], [sflag:s2] =	dma.local @!p0 [hbm:s0], s1  }
0x3e: {  	s0 =	simm.s32 @!p0 $0x1  }
0x3f: {  	_ =	swait.ge @!p0 [sflag:s0], s1  }
0x40: {  	s1 =	ssub.s32 @!p0 $0x0, s1;
	[sflag:s0] =	ssyncset.done @!p0 $0x0  }
0x41: {  	[sflag:s0] =	ssyncadd.s32 @!p0 s1  }
0x42: {  	[bflag:$0x3] =	sbarrier.arrive $0xFFFF  }
0x43: {  	_ =	shalt  }

// kernel: kernel.13.cloned.1.call-start
scs
__scs_entry_jumppad:
0x0: {  	(pc) =	sbr.rel $0x88, $3  }
0x1: {  	(tag) =	ssettag $0x0;
	lr =	simm.s32 $0x1  }
0x2: {  	[smem:$0x3F94] =	sst lr;
	_ =	strace $0xD0000000  }
0x3: {  	_ = 	snop  }
0x4: {  	_ = 	snop  }
0x5: {  	_ = 	snop  }
0x6: {  	_ = 	snop  }
0x7: {  	_ = 	snop  }
__scs_overlays_trampoline_lowered:
0x8: {  	[smem:$0x3FA3] =	sst s0  }
0x9: {  	[smem:$0x3FA4] =	sst s1  }
0xa: {  	[smem:$0x3FA5] =	sst s2  }
0xb: {  	[smem:$0x3FA6] =	sst s3  }
0xc: {  	[smem:$0x3FA7] =	sst s4  }
0xd: {  	[smem:$0x3FA8] =	sst s5  }
0xe: {  	[smem:$0x3FA9] =	sst s6  }
0xf: {  	[smem:$0x3FAA] =	sst s7  }
0x10: {  	[smem:$0x3FAB] =	sst s8  }
0x11: {  	[smem:$0x3FAC] =	sst s9;
	s0 =	simm.s32 @!p0 $0x0  }
0x12: {  	s1 =	sld [smem:$0x3F92];
	s0 =	simm.s32 @p0 $0x1  }
0x13: {  	[smem:$0x3FAD] =	sst s0;
	s0 =	simm.s32 @!p1 $0x0  }
0x14: {  	s2 =	sld [smem:$0x3F91];
	s0 =	simm.s32 @p1 $0x1  }
0x15: {  	[smem:$0x3FAE] =	sst s0;
	s0 =	simm.s32 @!p2 $0x0  }
0x16: {  	s3 =	sld [smem:$0x3FDB];
	s0 =	simm.s32 @p2 $0x1  }
0x17: {  	s4 =	simm.s32 $0x1BF5;
	[smem:$0x3FB0] =	sst s0  }
0x18: {  	s0 =	sld [smem:$0x3F93];
	_ =	swait.ge [sflag:s4], $0x0  }
0x19: {  	s7 =	sld [smem:$0x3F94]  }
0x1a: {  	s8 =	sadd.s32 $0xFFFFE003, lr  }
0x1b: {  	s9 =	sadd.s32 $0xFFFFFEF7, lr;
	s5 =	simm.s32 $0xFFFFFFFF;
	p2 =	slt.u32 s8, $0xFFFFF086  }
0x1c: {  	p1 =	slt.u32 s9, $0xF7A;
	s5 =	simm.s32 @!p2 $0x0  }
0x1d: {  	s5 =	simm.s32 @p1 $0x1;
	p0 =	seq.s32 s7, s2  }
0x1e: {  	s7 =	smul.u32 @!p0 $0xF7A, s2;
	p2 =	seq.s32 @!p0 s5, $0x0  }
0x1f: {  	s9 =	smul.u32 $0xF7A, s1;
	s8 =	simm.s32 @!p0 $0x1BF5;
	p2 =	por !p2, p0  }
0x20: {  	[sflag:s8] =	ssyncset.s32 @!p0 $0xFFFFF086;
	s6 =	sadd.s32 @!p0 s3, s7;
	s7 =	simm.s32 @!p0 $0x108  }
0x21: {  	s3 =	sadd.s32 s3, s9;
	s6 =	sadd.s32 @!p0 $0x88, s6;
	s7 =	simm.s32 @p2 $0x1082  }
0x22: {  	[simem:s7], [sflag:s8] =	dma.local @!p0 [hbm:s6], $0xF7A  }
0x23: {  	s9 =	sor.u32 $0xD0000000, s2;
	s6 =	simm.s32 $0x108;
	_ =	swait.ge @!p0 [sflag:s8], $0x0  }
0x24: {  	s3 =	sadd.s32 $0x88, s3;
	s6 =	simm.s32 @!p1 $0x1082;
	[sflag:s4] =	ssyncset.s32 $0xFFFFF086  }
0x25: {  	[simem:s6], [sflag:s4] =	dma.local [hbm:s3], $0xF7A  }
0x26: {  	[smem:$0x3F94] =	sst s1;
	(tag) =	ssettag s2;
	_ =	strace s9  }
0x27: {  	s1 =	sld [smem:$0x3FA4]  }
0x28: {  	s2 =	sld [smem:$0x3FA5]  }
0x29: {  	s4 =	sld [smem:$0x3FA7]  }
0x2a: {  	p0 =	seq.s32 s5, $0x0;
	s5 =	sld [smem:$0x3FA8]  }
0x2b: {  	s6 =	sld [smem:$0x3FA9]  }
0x2c: {  	s7 =	sld [smem:$0x3FAA]  }
0x2d: {  	s3 =	simm.s32 $0x108;
	s8 =	sld [smem:$0x3FAB]  }
0x2e: {  	s3 =	simm.s32 @!p0 $0x1082;
	s9 =	sld [smem:$0x3FAC]  }
0x2f: {  	lr =	sadd.s32 s0, s3;
	s0 =	sld [smem:$0x3FA3]  }
0x30: {  	s3 =	sld [smem:$0x3FA6]  }
0x31: {  	[smem:$0x3FAF] =	sst s10  }
0x32: {  	s10 =	sld [smem:$0x3FAD];
	_ =	sdelay $0x3  }
0x33: {  	p0 =	seq.s32 s10, $0x1;
	s10 =	sld [smem:$0x3FAF];
	_ =	sdelay $0x3  }
0x34: {  	[smem:$0x3FAF] =	sst s10  }
0x35: {  	s10 =	sld [smem:$0x3FAE];
	_ =	sdelay $0x3  }
0x36: {  	p1 =	seq.s32 s10, $0x1;
	s10 =	sld [smem:$0x3FAF];
	_ =	sdelay $0x3  }
0x37: {  	[smem:$0x3FAF] =	sst s10  }
0x38: {  	s10 =	sld [smem:$0x3FB0]  }
0x39: {  	_ = 	snop;
	(pc) =	sbr.ind lr, $3  }
0x3a: {  	_ = 	snop  }
0x3b: {  	_ = 	snop  }
0x3c: {  	p2 =	seq.s32 s10, $0x1;
	s10 =	sld [smem:$0x3FAF]  }
0x3d: {  	_ =	shalt  }
0x3e: {  	_ =	shalt  }
0x3f: {  	_ =	shalt  }
0x40: {  	_ =	shalt  }
0x41: {  	_ =	shalt  }
0x42: {  	_ =	shalt  }
0x43: {  	_ =	shalt  }
0x44: {  	_ =	shalt  }
0x45: {  	_ =	shalt  }
0x46: {  	_ =	shalt  }
0x47: {  	_ =	shalt  }
0x48: {  	_ =	shalt  }
0x49: {  	_ =	shalt  }
0x4a: {  	_ =	shalt  }
0x4b: {  	_ =	shalt  }
0x4c: {  	_ =	shalt  }
0x4d: {  	_ =	shalt  }
0x4e: {  	_ =	shalt  }
0x4f: {  	_ =	shalt  }
0x50: {  	_ =	shalt  }
0x51: {  	_ =	shalt  }
0x52: {  	_ =	shalt  }
0x53: {  	_ =	shalt  }
0x54: {  	_ =	shalt  }
0x55: {  	_ =	shalt  }
0x56: {  	_ =	shalt  }
0x57: {  	_ =	shalt  }
0x58: {  	_ =	shalt  }
0x59: {  	_ =	shalt  }
0x5a: {  	_ =	shalt  }
0x5b: {  	_ =	shalt  }
0x5c: {  	_ =	shalt  }
0x5d: {  	_ =	shalt  }
0x5e: {  	_ =	shalt  }
0x5f: {  	_ =	shalt  }
0x60: {  	_ =	shalt  }
0x61: {  	_ =	shalt  }
0x62: {  	_ =	shalt  }
0x63: {  	_ =	shalt  }
0x64: {  	_ =	shalt  }
0x65: {  	_ =	shalt  }
0x66: {  	_ =	shalt  }
0x67: {  	_ =	shalt  }
0x68: {  	_ =	shalt  }
0x69: {  	_ =	shalt  }
0x6a: {  	_ =	shalt  }
0x6b: {  	_ =	shalt  }
0x6c: {  	_ =	shalt  }
0x6d: {  	_ =	shalt  }
0x6e: {  	_ =	shalt  }
0x6f: {  	_ =	shalt  }
0x70: {  	_ =	shalt  }
0x71: {  	_ =	shalt  }
0x72: {  	_ =	shalt  }
0x73: {  	_ =	shalt  }
0x74: {  	_ =	shalt  }
0x75: {  	_ =	shalt  }
0x76: {  	_ =	shalt  }
0x77: {  	_ =	shalt  }
0x78: {  	_ =	shalt  }
0x79: {  	_ =	shalt  }
0x7a: {  	_ =	shalt  }
0x7b: {  	_ =	shalt  }
0x7c: {  	_ =	shalt  }
0x7d: {  	_ =	shalt  }
0x7e: {  	_ =	shalt  }
0x7f: {  	_ =	shalt  }
0x80: {  	_ =	shalt  }
0x81: {  	_ =	shalt  }
0x82: {  	_ =	shalt  }
0x83: {  	_ =	shalt  }
0x84: {  	_ =	shalt  }
0x85: {  	_ =	shalt  }
0x86: {  	_ =	shalt  }
0x87: {  	_ =	shalt  }
.Lfunc_end0:
.L_simem_size_0:
called_computation.1_lowered:
.L_overlay_start_0:
0x88: {  	s2 =	sld [smem:$0x3FD9]  }
0x89: {  	s3 =	sld [smem:$0x3FFE];
	_ =	sdelay $0x1  }
0x8a: {  	s1 =	srdreg.scid  }
0x8b: {  	s0 =	sand.u32 $0x1, s1  }
0x8c: {  	s16 =	sshll.u32 s0, $0xA;
	s2 =	sadd.s32 s3, s2  }
0x8d: {  	s2 =	sadd.s32 s2, s16  }
0x8e: {  	[smem:$0x3FBB] =	sst s2  }
0x8f: {  	_ = 	snop  }
0x90: {  	(tm) =	ssettm $0x1  }
0x91: {  	s17 =	sld [smem:$0x3FFB];
	_ =	sdelay $0x3  }
0x92: {  	_ =	strace s17  }
0x93: {  	s2 =	sld [smem:$0x3FFC];
	_ =	sdelay $0x3  }
0x94: {  	_ =	strace s2  }
0x95: {  	s2 =	sld [smem:$0x3FFD];
	_ =	sdelay $0x3  }
0x96: {  	_ =	strace s2  }
0x97: {  	_ =	strace $0x8FFFFFFF  }
0x98: {  	s18 =	sld [smem:$0x3FDB];
	_ =	sdelay $0x1  }
0x99: {  	s19 =	simm.s32 $_scs_section_size  }
0x9a: {  	s4 =	simm.s32 $_size__tile_overlayer_lowered;
	s5 =	simm.s32 $_tile_overlayer_lowered  }
0x9b: {  	s22 =	simm.s32 $0x1BFF;
	s21 =	sshll.u32 s5, $0x1;
	s2 =	sadd.s32 s19, s18  }
0x9c: {  	s6 =	simm.s32 $0x0;
	s20 =	sshll.u32 s4, $0x1;
	s4 =	sadd.s32 s21, s2  }
0x9d: {  	[timem:s6], [sflag:s22] =	dma.local [hbm:s4], s20  }
0x9e: {  	_ =	swait.ge [sflag:s22], s20  }
0x9f: {  	s3 =	ssub.s32 $0x0, s20;
	[sflag:s22] =	ssyncset.done $0x0  }
0xa0: {  	[sflag:s22] =	ssyncadd.s32 s3;
	_ =	sdelay $0x1  }
0xa1: {  	s23 =	simm.s32 $0x1B8B  }
0xa2: {  	_ =	swait.ge [sflag:s23], $0x1  }
0xa3: {  	[sflag:s23] =	ssyncset.done $0x0  }
0xa4: {  	s25 =	simm.s32 $0x1B8E;
	s24 =	sld [smem:$0x3FFE];
	[sflag:s23] =	ssyncadd.s32 $0xFFFFFFFF  }
0xa5: {  	s26 =	simm.s32 $execute0_lowered;
	[smem:$0x3FD2] =	sst s25  }
0xa6: {  	s4 =	sshll.u32 s26, $0x1;
	_ =	strace $0x80000049;
	[dreg:$0x1] =	wrdreg $0xFFFFFFFF  }
0xa7: {  	s28 =	simm.s32 $_size_execute0_lowered;
	s2 =	sadd.s32 s2, s4;
	[dreg:$0x0] =	wrdreg $0x0  }
0xa8: {  	s4 =	sshll.u32 s28, $0x1;
	[dreg:$0x2] =	wrdreg s2  }
0xa9: {  	[dreg:$0x3] =	wrdreg s4  }
0xaa: {  	[dreg:$0x4] =	wrdreg $0xC0  }
0xab: {  	_ =	task [dreg:s6], $0x5FFFF  }
0xac: {  	[dreg:$0x1] =	wrdreg $0xFFFFFFFF  }
0xad: {  	[dreg:$0x0] =	wrdreg $0x60  }
0xae: {  	[dreg:$0x2] =	wrdreg s24  }
0xaf: {  	[dreg:$0x3] =	wrdreg $0x150000  }
0xb0: {  	[dreg:$0x4] =	wrdreg $0x9  }
0xb1: {  	_ =	task.clear_ibuf [dreg:s6], $0x5FFFF;
	_ =	strace $0x90000049  }
0xb2: {  	s29 =	simm.s32 $0x9;
	_ =	strace $0x8000004B  }
0xb3: {  	_ =	swait.ge [sflag:s29], $0x1  }
0xb4: {  	[sflag:s29] =	ssyncadd.s32 $0xFFFFFFFF  }
0xb5: {  	_ =	strace $0x9000004B  }
0xb6: {  	_ =	sfence  }
0xb7: {  	s30 =	sld [smem:$0x0];
	_ =	sdelay $0x2  }
0xb8: {  	s31 =	sshll.u32 s1, $0xD;
	s1 =	sshrl.u32 s1, $0x2  }
0xb9: {  	s3 =	sand.u32 $0x4000, s31;
	s1 =	sadd.s32 s1, s30  }
0xba: {  	s0 =	sor.u32 s3, s0;
	s1 =	sshll.u32 s1, $0x11  }
0xbb: {  	s0 =	sor.u32 s1, s0  }
0xbc: {  	s0 =	sadd.s32 $0x8F2B, s0  }
0xbd: {  	[sflag:s0] =	ssyncadd.remote.s32 $0x1  }
0xbe: {  	_ =	sfence.sel $0xFFFF  }
0xbf: {  	[dreg:$0x0] =	wrdreg $0xFFFFFFFF;
	(pc) =	sbr.abs _section_cstart, $3  }
0xc0: {  	[dreg:$0x1] =	wrdreg $0xFFFFFFFF  }
0xc1: {  	_ =	task.clear_ibuf [dreg:s6], $0x2FFFF;
	_ =	strace $0x9FFFFFFF  }
0xc2: {  	(tm) =	ssettm $0x7FFFFFFF  }
0xc3: {  	_ =	shalt  }
tec
execute0_lowered:
.L_overlay_start_1:
0x0: {  	(tag) =	ssettag $0x1  }
0x1: {  	s0 =	srdreg.scid  }
0x2: {  	s1 =	rddreg [dreg:$0x0];
	s18 =	stileid.u32  }
0x3: {  	s2 =	rddreg [dreg:$0x1];
	s17 =	simm.s32 $0x5;
	s20 =	simm.s32 $0x100  }
0x4: {  	s21 =	simm.s32 $0x5000;
	s22 =	simm.s32 $0x9000;
	s24 =	simm.s32 $0xD000  }
0x5: {  	s28 =	simm.s32 $0x2;
	s29 =	simm.s32 $0x3;
	s30 =	simm.s32 $0x4  }
0x6: {  	s0 =	sand.u32 $0x1, s0;
	s7 =	smul.u32 $0x9C00, s18;
	s10 =	sadd.s32 $0x39200, s1  }
0x7: {  	p1 =	seq.s32 s18, $0xF;
	s14 =	sshll.u32 s18, $0x6;
	p2 =	sne.s32 s18, $0xF  }
0x8: {  	s3 =	sshll.u32 s0, $0x4;
	s6 =	smul.u32 $0x13880, s0;
	s8 =	ssub.s32 $0x2, s0  }
0x9: {  	p0 =	sne.s32 s0, $0x0;
	s15 =	sor.u32 $0x1C05, s14;
	s0 =	simm.s32 $0x4D00  }
0xa: {  	s4 =	sor.u32 s18, s3;
	s3 =	simm.s32 $0x0;
	s9 =	sshrl.u32 s8, $0x1  }
0xb: {  	s5 =	smul.u32 $0x500, s4;
	[smem:$0x7FF] =	sst s3;
	s4 =	sadd.s32 $0x25800, s1  }
0xc: {  	s9 =	ssub.s32 s8, s9;
	s8 =	sadd.s32 $0x9C000, s2;
	_ =	strace $0x8000004A  }
0xd: {  	[dreg:$0x3] =	wrdreg s10;
	s13 =	smax.u32 s9, $0x1;
	s31 =	sshrl.u32 s8, $0x3  }
0xe: {  	s9 =	simm.s32 $0x4F00;
	s5 =	sadd.s32 s5, s1;
	s1 =	sadd.s32 s6, s1  }
0xf: {  	s6 =	sshrl.u32 s7, $0x3;
	s7 =	sadd.s32 s7, s2;
	[dreg:$0x6] =	wrdreg s31  }
0x10: {  	s25 =	sadd.s32 s10, s6;
	s26 =	sadd.s32 s4, s6;
	s10 =	sadd.s32 $0x1B800, s5  }
0x11: {  	s11 =	sadd.s32 $0x2800, s5;
	s12 =	sadd.s32 $0x4CC00, s1;
	s16 =	sshrl.u32 s7, $0x3  }
0x12: {  	s1 =	simm.s32 $0x4C00;
	s7 =	simm.s32 $0x4E00;
	[dreg:$0x4] =	wrdreg s25  }
0x13: {  	[dreg:$0x5] =	wrdreg s26;
	s25 =	simm.s32 $0x11000;
	s26 =	simm.s32 $0x1  }
.LBB2_1:
.Ltmp0:
0x14: {  	(pc) =	sbr.rel @p0 .LBB2_3-.Ltmp0, $1  }
0x15: {  	_ =	sdelay $0x3  }
0x16: {  	s5 =	rddreg [dreg:$0x5]  }
0x17: {  	[spmem:s16], [sflag:s15] =	dma.local [hbm:s5], $0x1380  }
.Ltmp1:
0x18: {  	_ = 	snop;
	(pc) =	sbr.rel @p1 .LBB2_4-.Ltmp1, $4  }
.Ltmp2:
0x19: {  	_ = 	snop;
	(pc) =	sbr.rel @!p1 .LBB2_5-.Ltmp2, $4  }
0x1a: {  	_ =	swait.ge [sflag:s17], $0x1380  }
0x1b: {  	[sflag:s17] =	ssyncset.done $0x0  }
0x1c: {  	s18 =	smov.u32 s4;
	s5 =	smov.u32 s15;
	[sflag:s17] =	ssyncadd.s32 $0xFFFFEC80  }
0x1d: {  	_ = 	snop  }
.LBB2_3:
.Ltmp3:
0x1e: {  	s5 =	sor.u32 $0x1C05, s14;
	s18 =	rddreg [dreg:$0x4];
	(pc) =	sbr.rel @p2 .LBB2_5-.Ltmp3, $4  }
0x1f: {  	[spmem:s16], [sflag:s5] =	dma.local [hbm:s18], $0x1380  }
0x20: {  	_ =	swait.ge [sflag:s17], $0x1380  }
0x21: {  	[sflag:s17] =	ssyncset.done $0x0  }
0x22: {  	s18 =	rddreg [dreg:$0x3];
	[sflag:s17] =	ssyncadd.s32 $0xFFFFEC80  }
.LBB2_4:
0x23: {  	s18 =	sadd.s32 $0x13800, s18;
	s19 =	rddreg [dreg:$0x6]  }
0x24: {  	[spmem:s19], [sflag:s5] =	dma.local [hbm:s18], $0x80  }
0x25: {  	_ =	swait.ge [sflag:s17], $0x80  }
0x26: {  	[sflag:s17] =	ssyncset.done $0x0  }
0x27: {  	[sflag:s17] =	ssyncadd.s32 $0xFFFFFF80  }
.LBB2_5:
0x28: {  	s5 =	simm.s32 $0x0  }
0x29: {  	[tilespmem:s5], [sflag:$0x5] =	stream.linear.gather [hbm4b:s10+s5], $0x2800, $0x38;
	[tilespmem:$0x1EE40] =	vst v63  }
0x2a: {  	_ =	swait.ge [sflag:s17], $0x2800  }
0x2b: {  	[sflag:s17] =	ssyncset.done $0x0  }
0x2c: {  	s18 =	simm.s32 $0x2800;
	[sflag:s17] =	ssyncadd.s32 $0xFFFFD800  }
0x2d: {  	[tilespmem:s18], [sflag:$0x5] =	stream.linear.gather [hbm4b:s11+s5], $0x2800, $0x38;
	[tilespmem:$0x1EE40] =	vst v63  }
0x2e: {  	_ =	swait.ge [sflag:s17], $0x2800  }
0x2f: {  	[sflag:s17] =	ssyncset.done $0x0  }
0x30: {  	[sflag:s17] =	ssyncadd.s32 $0xFFFFD800  }
0x31: {  	[bflag:$0x0] =	sbarrier.arrive $0xFFFF  }
0x32: {  	[tilespmem:s21], [sflag:$0x1] =	stream.indirect.gather [hbm4b:s4+s20], $0x40, s5, s20, $0xb8;
	[tilespmem:$0x1EE40] =	vst v63  }
0x33: {  	_ = 	snop  }
0x34: {  	[tilespmem:s22], [sflag:$0x2] =	stream.indirect.gather [hbm4b:s4+s20], $0x40, s20, s20, $0xb8;
	[tilespmem:$0x1EE40] =	vst v63  }
0x35: {  	s31 =	simm.s32 $0x200  }
0x36: {  	[tilespmem:s24], [sflag:$0x3] =	stream.indirect.gather [hbm4b:s4+s20], $0x40, s31, s20, $0xb8;
	[tilespmem:$0x1EE40] =	vst v63  }
0x37: {  	s18 =	simm.s32 $0x300  }
0x38: {  	[tilespmem:s25], [sflag:$0x4] =	stream.indirect.gather [hbm4b:s4+s20], $0x40, s18, s20, $0xb8;
	[tilespmem:$0x1EE40] =	vst v63  }
0x39: {  	_ =	swait.ge [sflag:s26], $0x4000  }
0x3a: {  	[sflag:s26] =	ssyncset.done $0x0  }
0x3b: {  	s19 =	simm.s32 $0x2800;
	[sflag:s26] =	ssyncadd.s32 $0xFFFFC000  }
0x3c: {  	[spmem:s2] =	stream.indirect.scatter.add.f32 [tilespmem:s21], [sflag:$0x5], $0x40, s19, s20, $0xb8;
	[tilespmem:$0x1EE40] =	vst v63  }
0x3d: {  	_ =	swait.ge [sflag:s17], $0x4000  }
0x3e: {  	[sflag:s17] =	ssyncset.done $0x0  }
0x3f: {  	s23 =	simm.s32 $0x400;
	[sflag:s17] =	ssyncadd.s32 $0xFFFFC000  }
0x40: {  	[tilespmem:s21], [sflag:$0x1] =	stream.indirect.gather [hbm4b:s4+s20], $0x40, s23, s20, $0xb8;
	[tilespmem:$0x1EE40] =	vst v63  }
0x41: {  	_ =	swait.ge [sflag:s28], $0x4000  }
0x42: {  	[sflag:s28] =	ssyncset.done $0x0  }
0x43: {  	s31 =	simm.s32 $0x2900;
	[sflag:s28] =	ssyncadd.s32 $0xFFFFC000  }
0x44: {  	[spmem:s2] =	stream.indirect.scatter.add.f32 [tilespmem:s22], [sflag:$0x5], $0x40, s31, s20, $0xb8;
	[tilespmem:$0x1EE40] =	vst v63  }
0x45: {  	_ =	swait.ge [sflag:s17], $0x4000  }
0x46: {  	[sflag:s17] =	ssyncset.done $0x0  }
0x47: {  	s18 =	simm.s32 $0x500;
	[sflag:s17] =	ssyncadd.s32 $0xFFFFC000  }
0x48: {  	[tilespmem:s22], [sflag:$0x2] =	stream.indirect.gather [hbm4b:s4+s20], $0x40, s18, s20, $0xb8;
	[tilespmem:$0x1EE40] =	vst v63  }
0x49: {  	_ =	swait.ge [sflag:s29], $0x4000  }
0x4a: {  	[sflag:s29] =	ssyncset.done $0x0  }
0x4b: {  	s19 =	simm.s32 $0x2A00;
	[sflag:s29] =	ssyncadd.s32 $0xFFFFC000  }
0x4c: {  	[spmem:s2] =	stream.indirect.scatter.add.f32 [tilespmem:s24], [sflag:$0x5], $0x40, s19, s20, $0xb8;
	[tilespmem:$0x1EE40] =	vst v63  }
0x4d: {  	_ =	swait.ge [sflag:s17], $0x4000  }
0x4e: {  	[sflag:s17] =	ssyncset.done $0x0  }
0x4f: {  	s23 =	simm.s32 $0x600;
	[sflag:s17] =	ssyncadd.s32 $0xFFFFC000  }
0x50: {  	[tilespmem:s24], [sflag:$0x3] =	stream.indirect.gather [hbm4b:s4+s20], $0x40, s23, s20, $0xb8;
	[tilespmem:$0x1EE40] =	vst v63  }
0x51: {  	_ =	swait.ge [sflag:s30], $0x4000  }
0x52: {  	[sflag:s30] =	ssyncset.done $0x0  }
0x53: {  	s31 =	simm.s32 $0x2B00;
	[sflag:s30] =	ssyncadd.s32 $0xFFFFC000  }
0x54: {  	[spmem:s2] =	stream.indirect.scatter.add.f32 [tilespmem:s25], [sflag:$0x5], $0x40, s31, s20, $0xb8;
	[tilespmem:$0x1EE40] =	vst v63  }
0x55: {  	_ =	swait.ge [sflag:s17], $0x4000  }
0x56: {  	s19 =	simm.s32 $0x400;
	s23 =	simm.s32 $0x2000;
	[sflag:s17] =	ssyncset.done $0x0  }
.LBB2_6:
0x57: {  	s31 =	sadd.s32 $0x300, s19  }
0x58: {  	[sflag:s17] =	ssyncadd.s32 $0xFFFFC000;
	s18 =	smov.u32 s23;
	s5 =	sadd.s32 $0x1000, s23  }
0x59: {  	[tilespmem:s25], [sflag:$0x4] =	stream.indirect.gather [hbm4b:s4+s20], $0x40, s31, s20, $0xb8;
	[tilespmem:$0x1EE40] =	vst v63  }
0x5a: {  	p3 =	sne.s32 s23, $0x8000;
	_ =	swait.ge [sflag:s26], $0x4000  }
0x5b: {  	[sflag:s26] =	ssyncset.done $0x0  }
0x5c: {  	s23 =	sadd.s32 $0x2800, s19;
	[sflag:s26] =	ssyncadd.s32 $0xFFFFC000  }
0x5d: {  	[spmem:s2] =	stream.indirect.scatter.add.f32 [tilespmem:s21], [sflag:$0x5], $0x40, s23, s20, $0xb8;
	[tilespmem:$0x1EE40] =	vst v63  }
0x5e: {  	_ =	swait.ge [sflag:s17], $0x4000  }
0x5f: {  	[sflag:s17] =	ssyncset.done $0x0  }
0x60: {  	s23 =	sadd.s32 $0x400, s19;
	[sflag:s17] =	ssyncadd.s32 $0xFFFFC000  }
0x61: {  	[tilespmem:s21], [sflag:$0x1] =	stream.indirect.gather [hbm4b:s4+s20], $0x40, s23, s20, $0xb8;
	[tilespmem:$0x1EE40] =	vst v63  }
0x62: {  	_ =	swait.ge [sflag:s28], $0x4000  }
0x63: {  	[sflag:s28] =	ssyncset.done $0x0  }
0x64: {  	s23 =	sadd.s32 $0x2900, s19;
	[sflag:s28] =	ssyncadd.s32 $0xFFFFC000  }
0x65: {  	[spmem:s2] =	stream.indirect.scatter.add.f32 [tilespmem:s22], [sflag:$0x5], $0x40, s23, s20, $0xb8;
	[tilespmem:$0x1EE40] =	vst v63  }
0x66: {  	_ =	swait.ge [sflag:s17], $0x4000  }
0x67: {  	[sflag:s17] =	ssyncset.done $0x0  }
0x68: {  	s23 =	sadd.s32 $0x500, s19;
	[sflag:s17] =	ssyncadd.s32 $0xFFFFC000  }
0x69: {  	[tilespmem:s22], [sflag:$0x2] =	stream.indirect.gather [hbm4b:s4+s20], $0x40, s23, s20, $0xb8;
	[tilespmem:$0x1EE40] =	vst v63  }
0x6a: {  	_ =	swait.ge [sflag:s29], $0x4000  }
0x6b: {  	[sflag:s29] =	ssyncset.done $0x0  }
0x6c: {  	s23 =	sadd.s32 $0x2A00, s19;
	[sflag:s29] =	ssyncadd.s32 $0xFFFFC000  }
0x6d: {  	[spmem:s2] =	stream.indirect.scatter.add.f32 [tilespmem:s24], [sflag:$0x5], $0x40, s23, s20, $0xb8;
	[tilespmem:$0x1EE40] =	vst v63  }
0x6e: {  	_ =	swait.ge [sflag:s17], $0x4000  }
0x6f: {  	[sflag:s17] =	ssyncset.done $0x0  }
0x70: {  	s23 =	sadd.s32 $0x600, s19;
	[sflag:s17] =	ssyncadd.s32 $0xFFFFC000  }
0x71: {  	[tilespmem:s24], [sflag:$0x3] =	stream.indirect.gather [hbm4b:s4+s20], $0x40, s23, s20, $0xb8;
	[tilespmem:$0x1EE40] =	vst v63  }
0x72: {  	_ =	swait.ge [sflag:s30], $0x4000  }
.Ltmp4:
0x73: {  	[sflag:s30] =	ssyncset.done $0x0;
	(pc) =	sbr.rel @p3 .LBB2_6-.Ltmp4, $4  }
0x74: {  	s19 =	sadd.s32 $0x2B00, s19;
	[sflag:s30] =	ssyncadd.s32 $0xFFFFC000  }
0x75: {  	[spmem:s2] =	stream.indirect.scatter.add.f32 [tilespmem:s25], [sflag:$0x5], $0x40, s19, s20, $0xb8;
	[tilespmem:$0x1EE40] =	vst v63  }
0x76: {  	_ =	swait.ge [sflag:s17], $0x4000  }
0x77: {  	s23 =	smov.u32 s5;
	s19 =	sshra.s32 s18, $0x2;
	[sflag:s17] =	ssyncset.done $0x0  }
0x78: {  	s5 =	sadd.s32 $0x300, s19;
	[sflag:s17] =	ssyncadd.s32 $0xFFFFC000  }
0x79: {  	[tilespmem:s25], [sflag:$0x4] =	stream.indirect.gather [hbm4b:s4+s20], $0x40, s5, s20, $0xb8;
	[tilespmem:$0x1EE40] =	vst v63  }
0x7a: {  	_ =	swait.ge [sflag:s26], $0x4000  }
0x7b: {  	[sflag:s26] =	ssyncset.done $0x0  }
0x7c: {  	s23 =	sadd.s32 $0x2800, s19;
	[sflag:s26] =	ssyncadd.s32 $0xFFFFC000  }
0x7d: {  	[spmem:s2] =	stream.indirect.scatter.add.f32 [tilespmem:s21], [sflag:$0x5], $0x40, s23, s20, $0xb8;
	[tilespmem:$0x1EE40] =	vst v63  }
0x7e: {  	_ =	swait.ge [sflag:s17], $0x4000  }
0x7f: {  	[sflag:s17] =	ssyncset.done $0x0  }
0x80: {  	s31 =	sadd.s32 $0x400, s19;
	[sflag:s17] =	ssyncadd.s32 $0xFFFFC000  }
0x81: {  	[tilespmem:s21], [sflag:$0x1] =	stream.indirect.gather [hbm4b:s4+s20], $0x40, s31, s20, $0xb8;
	[tilespmem:$0x1EE40] =	vst v63  }
0x82: {  	_ =	swait.ge [sflag:s28], $0x4000  }
0x83: {  	[sflag:s28] =	ssyncset.done $0x0  }
0x84: {  	s18 =	sadd.s32 $0x2900, s19;
	[sflag:s28] =	ssyncadd.s32 $0xFFFFC000  }
0x85: {  	[spmem:s2] =	stream.indirect.scatter.add.f32 [tilespmem:s22], [sflag:$0x5], $0x40, s18, s20, $0xb8;
	[tilespmem:$0x1EE40] =	vst v63  }
0x86: {  	_ =	swait.ge [sflag:s17], $0x4000  }
0x87: {  	[sflag:s17] =	ssyncset.done $0x0  }
0x88: {  	s23 =	sadd.s32 $0x500, s19;
	[sflag:s17] =	ssyncadd.s32 $0xFFFFC000  }
0x89: {  	[tilespmem:s22], [sflag:$0x2] =	stream.indirect.gather [hbm4b:s4+s20], $0x40, s23, s20, $0xb8;
	[tilespmem:$0x1EE40] =	vst v63  }
0x8a: {  	_ =	swait.ge [sflag:s29], $0x4000  }
0x8b: {  	[sflag:s29] =	ssyncset.done $0x0  }
0x8c: {  	s31 =	sadd.s32 $0x2A00, s19;
	[sflag:s29] =	ssyncadd.s32 $0xFFFFC000  }
0x8d: {  	[spmem:s2] =	stream.indirect.scatter.add.f32 [tilespmem:s24], [sflag:$0x5], $0x40, s31, s20, $0xb8;
	[tilespmem:$0x1EE40] =	vst v63  }
0x8e: {  	_ =	swait.ge [sflag:s17], $0x4000  }
0x8f: {  	[sflag:s17] =	ssyncset.done $0x0  }
0x90: {  	s18 =	sadd.s32 $0x600, s19;
	[sflag:s17] =	ssyncadd.s32 $0xFFFFC000  }
0x91: {  	[tilespmem:s24], [sflag:$0x3] =	stream.indirect.gather [hbm4b:s4+s20], $0x40, s18, s20, $0xb8;
	[tilespmem:$0x1EE40] =	vst v63  }
0x92: {  	_ =	swait.ge [sflag:s30], $0x4000  }
0x93: {  	[sflag:s30] =	ssyncset.done $0x0  }
0x94: {  	s19 =	sadd.s32 $0x2B00, s19;
	[sflag:s30] =	ssyncadd.s32 $0xFFFFC000  }
0x95: {  	[spmem:s2] =	stream.indirect.scatter.add.f32 [tilespmem:s25], [sflag:$0x5], $0x40, s19, s20, $0xb8;
	[tilespmem:$0x1EE40] =	vst v63  }
0x96: {  	_ =	swait.ge [sflag:s17], $0x4000  }
0x97: {  	[sflag:s17] =	ssyncset.done $0x0  }
0x98: {  	s23 =	simm.s32 $0x2700;
	[sflag:s17] =	ssyncadd.s32 $0xFFFFC000  }
0x99: {  	[tilespmem:s25], [sflag:$0x4] =	stream.indirect.gather [hbm4b:s4+s20], $0x40, s23, s20, $0xb8;
	[tilespmem:$0x1EE40] =	vst v63  }
0x9a: {  	_ =	swait.ge [sflag:s26], $0x4000  }
0x9b: {  	[sflag:s26] =	ssyncset.done $0x0  }
0x9c: {  	[sflag:s26] =	ssyncadd.s32 $0xFFFFC000  }
0x9d: {  	[spmem:s2] =	stream.indirect.scatter.add.f32 [tilespmem:s21], [sflag:$0x5], $0x40, s1, s20, $0xb8;
	[tilespmem:$0x1EE40] =	vst v63  }
0x9e: {  	_ =	swait.ge [sflag:s17], $0x4000  }
0x9f: {  	[sflag:s17] =	ssyncset.done $0x0  }
0xa0: {  	[sflag:s17] =	ssyncadd.s32 $0xFFFFC000  }
0xa1: {  	_ =	swait.ge [sflag:s28], $0x4000  }
0xa2: {  	[sflag:s28] =	ssyncset.done $0x0  }
0xa3: {  	[sflag:s28] =	ssyncadd.s32 $0xFFFFC000  }
0xa4: {  	[spmem:s2] =	stream.indirect.scatter.add.f32 [tilespmem:s22], [sflag:$0x5], $0x40, s0, s20, $0xb8;
	[tilespmem:$0x1EE40] =	vst v63  }
0xa5: {  	_ =	swait.ge [sflag:s17], $0x4000  }
0xa6: {  	[sflag:s17] =	ssyncset.done $0x0  }
0xa7: {  	[sflag:s17] =	ssyncadd.s32 $0xFFFFC000  }
0xa8: {  	_ =	swait.ge [sflag:s29], $0x4000  }
0xa9: {  	[sflag:s29] =	ssyncset.done $0x0  }
0xaa: {  	[sflag:s29] =	ssyncadd.s32 $0xFFFFC000  }
0xab: {  	[spmem:s2] =	stream.indirect.scatter.add.f32 [tilespmem:s24], [sflag:$0x5], $0x40, s7, s20, $0xb8;
	[tilespmem:$0x1EE40] =	vst v63  }
0xac: {  	_ =	swait.ge [sflag:s17], $0x4000  }
0xad: {  	[sflag:s17] =	ssyncset.done $0x0  }
0xae: {  	[sflag:s17] =	ssyncadd.s32 $0xFFFFC000  }
0xaf: {  	_ =	swait.ge [sflag:s30], $0x4000  }
0xb0: {  	[sflag:s30] =	ssyncset.done $0x0  }
0xb1: {  	[sflag:s30] =	ssyncadd.s32 $0xFFFFC000  }
0xb2: {  	[spmem:s2] =	stream.indirect.scatter.add.f32 [tilespmem:s25], [sflag:$0x5], $0x40, s9, s20, $0xb8;
	[tilespmem:$0x1EE40] =	vst v63  }
0xb3: {  	_ =	swait.ge [sflag:s17], $0x4000  }
0xb4: {  	[sflag:s17] =	ssyncset.done $0x0  }
0xb5: {  	[sflag:s17] =	ssyncadd.s32 $0xFFFFC000  }
0xb6: {  	s31 =	sadd.s32 s6, s12;
	s18 =	sor.u32 $0x1C05, s14;
	[bflag:$0x0] =	sbarrier.arrive $0xFFFF  }
0xb7: {  	[hbm:s31], [sflag:s18] =	dma.local [spmem:s16], $0x1380  }
0xb8: {  	_ =	swait.ge [sflag:s17], $0x1380  }
0xb9: {  	s3 =	sadd.s32 $0x1, s3;
	s5 =	sadd.s32 @!p2 $0x13800, s12;
	[sflag:s17] =	ssyncset.done $0x0  }
0xba: {  	p3 =	sne.s32 s3, s13;
	s19 =	sshrl.u32 @!p2 s8, $0x3;
	[sflag:s17] =	ssyncadd.s32 $0xFFFFEC80  }
0xbb: {  	[hbm:s5], [sflag:s18] =	dma.local @!p2 [spmem:s19], $0x80  }
.Ltmp5:
0xbc: {  	_ = 	snop;
	(pc) =	sbr.rel @p3 .LBB2_1-.Ltmp5, $4  }
0xbd: {  	s5 =	simm.s32 @!p2 $0x5  }
0xbe: {  	_ =	swait.ge @!p2 [sflag:s5], $0x80  }
0xbf: {  	[sflag:s5] =	ssyncset.done @!p2 $0x0  }
0xc0: {  	[sflag:s5] =	ssyncadd.s32 @!p2 $0xFFFFFF80  }
0xc1: {  	_ =	sfence.sel $0x180000  }
0xc2: {  	[bflag:$0x0] =	sbarrier.arrive $0xFFFF  }
0xc3: {  	_ =	strace $0x9000004A  }
0xc4: {  	s0 =	stileid.u32;
	[bflag:$0x2] =	sbarrier.arrive $0xFFFF  }
0xc5: {  	p0 =	sne.s32 s0, $0x0;
	s0 =	rddreg [dreg:$0x2]  }
0xc6: {  	s0 =	sadd.s32 @!p0 $0x100000, s0  }
0xc7: {  	[sflag:s0] =	ssyncadd.tile.s32 @!p0 $0x1;
	_ =	shalt  }
.Lfunc_end2:
_tile_overlayer_lowered:
.L_overlay_start_2:
0xc8: {  	(tag) =	ssettag $0x2  }
0xc9: {  	s0 =	rddreg [dreg:$0x0];
	s2 =	stileid.u32  }
0xca: {  	s1 =	rddreg [dreg:$0x1];
	p0 =	sne.s32 s2, $0x0  }
0xcb: {  	s3 =	rddreg [dreg:$0x2];
	[bflag:$0x3] =	sbarrier.arrive $0xFFFF;
	s2 =	simm.s32 @!p0 $0x1C05  }
0xcc: {  	[timem:s3], [sflag:s2] =	dma.local @!p0 [hbm:s0], s1  }
0xcd: {  	s0 =	simm.s32 @!p0 $0x5  }
0xce: {  	_ =	swait.ge @!p0 [sflag:s0], s1  }
0xcf: {  	s1 =	ssub.s32 @!p0 $0x0, s1;
	[sflag:s0] =	ssyncset.done @!p0 $0x0  }
0xd0: {  	[sflag:s0] =	ssyncadd.s32 @!p0 s1  }
0xd1: {  	[bflag:$0x3] =	sbarrier.arrive $0xFFFF  }
0xd2: {  	_ =	shalt  }

// kernel: kernel.16.cloned.1.call-start
scs
__scs_entry_jumppad:
0x0: {  	(pc) =	sbr.rel $0x88, $3  }
0x1: {  	(tag) =	ssettag $0x0;
	lr =	simm.s32 $0x1  }
0x2: {  	[smem:$0x3F94] =	sst lr;
	_ =	strace $0xD0000000  }
0x3: {  	_ = 	snop  }
0x4: {  	_ = 	snop  }
0x5: {  	_ = 	snop  }
0x6: {  	_ = 	snop  }
0x7: {  	_ = 	snop  }
__scs_overlays_trampoline_lowered:
0x8: {  	[smem:$0x3FA3] =	sst s0  }
0x9: {  	[smem:$0x3FA4] =	sst s1  }
0xa: {  	[smem:$0x3FA5] =	sst s2  }
0xb: {  	[smem:$0x3FA6] =	sst s3  }
0xc: {  	[smem:$0x3FA7] =	sst s4  }
0xd: {  	[smem:$0x3FA8] =	sst s5  }
0xe: {  	[smem:$0x3FA9] =	sst s6  }
0xf: {  	[smem:$0x3FAA] =	sst s7  }
0x10: {  	[smem:$0x3FAB] =	sst s8  }
0x11: {  	[smem:$0x3FAC] =	sst s9;
	s0 =	simm.s32 @!p0 $0x0  }
0x12: {  	s1 =	sld [smem:$0x3F92];
	s0 =	simm.s32 @p0 $0x1  }
0x13: {  	[smem:$0x3FAD] =	sst s0;
	s0 =	simm.s32 @!p1 $0x0  }
0x14: {  	s2 =	sld [smem:$0x3F91];
	s0 =	simm.s32 @p1 $0x1  }
0x15: {  	[smem:$0x3FAE] =	sst s0;
	s0 =	simm.s32 @!p2 $0x0  }
0x16: {  	s3 =	sld [smem:$0x3FDB];
	s0 =	simm.s32 @p2 $0x1  }
0x17: {  	s4 =	simm.s32 $0x1BF5;
	[smem:$0x3FB0] =	sst s0  }
0x18: {  	s0 =	sld [smem:$0x3F93];
	_ =	swait.ge [sflag:s4], $0x0  }
0x19: {  	s7 =	sld [smem:$0x3F94]  }
0x1a: {  	s8 =	sadd.s32 $0xFFFFE003, lr  }
0x1b: {  	s9 =	sadd.s32 $0xFFFFFEF7, lr;
	s5 =	simm.s32 $0xFFFFFFFF;
	p2 =	slt.u32 s8, $0xFFFFF086  }
0x1c: {  	p1 =	slt.u32 s9, $0xF7A;
	s5 =	simm.s32 @!p2 $0x0  }
0x1d: {  	s5 =	simm.s32 @p1 $0x1;
	p0 =	seq.s32 s7, s2  }
0x1e: {  	s7 =	smul.u32 @!p0 $0xF7A, s2;
	p2 =	seq.s32 @!p0 s5, $0x0  }
0x1f: {  	s9 =	smul.u32 $0xF7A, s1;
	s8 =	simm.s32 @!p0 $0x1BF5;
	p2 =	por !p2, p0  }
0x20: {  	[sflag:s8] =	ssyncset.s32 @!p0 $0xFFFFF086;
	s6 =	sadd.s32 @!p0 s3, s7;
	s7 =	simm.s32 @!p0 $0x108  }
0x21: {  	s3 =	sadd.s32 s3, s9;
	s6 =	sadd.s32 @!p0 $0x88, s6;
	s7 =	simm.s32 @p2 $0x1082  }
0x22: {  	[simem:s7], [sflag:s8] =	dma.local @!p0 [hbm:s6], $0xF7A  }
0x23: {  	s9 =	sor.u32 $0xD0000000, s2;
	s6 =	simm.s32 $0x108;
	_ =	swait.ge @!p0 [sflag:s8], $0x0  }
0x24: {  	s3 =	sadd.s32 $0x88, s3;
	s6 =	simm.s32 @!p1 $0x1082;
	[sflag:s4] =	ssyncset.s32 $0xFFFFF086  }
0x25: {  	[simem:s6], [sflag:s4] =	dma.local [hbm:s3], $0xF7A  }
0x26: {  	[smem:$0x3F94] =	sst s1;
	(tag) =	ssettag s2;
	_ =	strace s9  }
0x27: {  	s1 =	sld [smem:$0x3FA4]  }
0x28: {  	s2 =	sld [smem:$0x3FA5]  }
0x29: {  	s4 =	sld [smem:$0x3FA7]  }
0x2a: {  	p0 =	seq.s32 s5, $0x0;
	s5 =	sld [smem:$0x3FA8]  }
0x2b: {  	s6 =	sld [smem:$0x3FA9]  }
0x2c: {  	s7 =	sld [smem:$0x3FAA]  }
0x2d: {  	s3 =	simm.s32 $0x108;
	s8 =	sld [smem:$0x3FAB]  }
0x2e: {  	s3 =	simm.s32 @!p0 $0x1082;
	s9 =	sld [smem:$0x3FAC]  }
0x2f: {  	lr =	sadd.s32 s0, s3;
	s0 =	sld [smem:$0x3FA3]  }
0x30: {  	s3 =	sld [smem:$0x3FA6]  }
0x31: {  	[smem:$0x3FAF] =	sst s10  }
0x32: {  	s10 =	sld [smem:$0x3FAD];
	_ =	sdelay $0x3  }
0x33: {  	p0 =	seq.s32 s10, $0x1;
	s10 =	sld [smem:$0x3FAF];
	_ =	sdelay $0x3  }
0x34: {  	[smem:$0x3FAF] =	sst s10  }
0x35: {  	s10 =	sld [smem:$0x3FAE];
	_ =	sdelay $0x3  }
0x36: {  	p1 =	seq.s32 s10, $0x1;
	s10 =	sld [smem:$0x3FAF];
	_ =	sdelay $0x3  }
0x37: {  	[smem:$0x3FAF] =	sst s10  }
0x38: {  	s10 =	sld [smem:$0x3FB0]  }
0x39: {  	_ = 	snop;
	(pc) =	sbr.ind lr, $3  }
0x3a: {  	_ = 	snop  }
0x3b: {  	_ = 	snop  }
0x3c: {  	p2 =	seq.s32 s10, $0x1;
	s10 =	sld [smem:$0x3FAF]  }
0x3d: {  	_ =	shalt  }
0x3e: {  	_ =	shalt  }
0x3f: {  	_ =	shalt  }
0x40: {  	_ =	shalt  }
0x41: {  	_ =	shalt  }
0x42: {  	_ =	shalt  }
0x43: {  	_ =	shalt  }
0x44: {  	_ =	shalt  }
0x45: {  	_ =	shalt  }
0x46: {  	_ =	shalt  }
0x47: {  	_ =	shalt  }
0x48: {  	_ =	shalt  }
0x49: {  	_ =	shalt  }
0x4a: {  	_ =	shalt  }
0x4b: {  	_ =	shalt  }
0x4c: {  	_ =	shalt  }
0x4d: {  	_ =	shalt  }
0x4e: {  	_ =	shalt  }
0x4f: {  	_ =	shalt  }
0x50: {  	_ =	shalt  }
0x51: {  	_ =	shalt  }
0x52: {  	_ =	shalt  }
0x53: {  	_ =	shalt  }
0x54: {  	_ =	shalt  }
0x55: {  	_ =	shalt  }
0x56: {  	_ =	shalt  }
0x57: {  	_ =	shalt  }
0x58: {  	_ =	shalt  }
0x59: {  	_ =	shalt  }
0x5a: {  	_ =	shalt  }
0x5b: {  	_ =	shalt  }
0x5c: {  	_ =	shalt  }
0x5d: {  	_ =	shalt  }
0x5e: {  	_ =	shalt  }
0x5f: {  	_ =	shalt  }
0x60: {  	_ =	shalt  }
0x61: {  	_ =	shalt  }
0x62: {  	_ =	shalt  }
0x63: {  	_ =	shalt  }
0x64: {  	_ =	shalt  }
0x65: {  	_ =	shalt  }
0x66: {  	_ =	shalt  }
0x67: {  	_ =	shalt  }
0x68: {  	_ =	shalt  }
0x69: {  	_ =	shalt  }
0x6a: {  	_ =	shalt  }
0x6b: {  	_ =	shalt  }
0x6c: {  	_ =	shalt  }
0x6d: {  	_ =	shalt  }
0x6e: {  	_ =	shalt  }
0x6f: {  	_ =	shalt  }
0x70: {  	_ =	shalt  }
0x71: {  	_ =	shalt  }
0x72: {  	_ =	shalt  }
0x73: {  	_ =	shalt  }
0x74: {  	_ =	shalt  }
0x75: {  	_ =	shalt  }
0x76: {  	_ =	shalt  }
0x77: {  	_ =	shalt  }
0x78: {  	_ =	shalt  }
0x79: {  	_ =	shalt  }
0x7a: {  	_ =	shalt  }
0x7b: {  	_ =	shalt  }
0x7c: {  	_ =	shalt  }
0x7d: {  	_ =	shalt  }
0x7e: {  	_ =	shalt  }
0x7f: {  	_ =	shalt  }
0x80: {  	_ =	shalt  }
0x81: {  	_ =	shalt  }
0x82: {  	_ =	shalt  }
0x83: {  	_ =	shalt  }
0x84: {  	_ =	shalt  }
0x85: {  	_ =	shalt  }
0x86: {  	_ =	shalt  }
0x87: {  	_ =	shalt  }
.Lfunc_end0:
.L_simem_size_0:
called_computation.2_lowered:
.L_overlay_start_0:
0x88: {  	s2 =	sld [smem:$0x3FD9]  }
0x89: {  	s3 =	sld [smem:$0x3FFE];
	_ =	sdelay $0x1  }
0x8a: {  	s1 =	srdreg.scid  }
0x8b: {  	s0 =	sand.u32 $0x1, s1  }
0x8c: {  	s16 =	sshll.u32 s0, $0xA;
	s2 =	sadd.s32 s3, s2  }
0x8d: {  	s2 =	sadd.s32 s2, s16  }
0x8e: {  	[smem:$0x3FBB] =	sst s2  }
0x8f: {  	_ = 	snop  }
0x90: {  	(tm) =	ssettm $0x1  }
0x91: {  	s17 =	sld [smem:$0x3FFB];
	_ =	sdelay $0x3  }
0x92: {  	_ =	strace s17  }
0x93: {  	s2 =	sld [smem:$0x3FFC];
	_ =	sdelay $0x3  }
0x94: {  	_ =	strace s2  }
0x95: {  	s2 =	sld [smem:$0x3FFD];
	_ =	sdelay $0x3  }
0x96: {  	_ =	strace s2  }
0x97: {  	_ =	strace $0x8FFFFFFF  }
0x98: {  	s18 =	sld [smem:$0x3FDB];
	_ =	sdelay $0x1  }
0x99: {  	s19 =	simm.s32 $_scs_section_size  }
0x9a: {  	s4 =	simm.s32 $_size__tile_overlayer_lowered;
	s5 =	simm.s32 $_tile_overlayer_lowered  }
0x9b: {  	s22 =	simm.s32 $0x1BFF;
	s21 =	sshll.u32 s5, $0x1;
	s2 =	sadd.s32 s19, s18  }
0x9c: {  	s6 =	simm.s32 $0x0;
	s20 =	sshll.u32 s4, $0x1;
	s4 =	sadd.s32 s21, s2  }
0x9d: {  	[timem:s6], [sflag:s22] =	dma.local [hbm:s4], s20  }
0x9e: {  	_ =	swait.ge [sflag:s22], s20  }
0x9f: {  	s3 =	ssub.s32 $0x0, s20;
	[sflag:s22] =	ssyncset.done $0x0  }
0xa0: {  	[sflag:s22] =	ssyncadd.s32 s3;
	_ =	sdelay $0x1  }
0xa1: {  	s23 =	simm.s32 $0x1B8B  }
0xa2: {  	_ =	swait.ge [sflag:s23], $0x1  }
0xa3: {  	[sflag:s23] =	ssyncset.done $0x0  }
0xa4: {  	s25 =	simm.s32 $0x1B8E;
	s24 =	sld [smem:$0x3FFE];
	[sflag:s23] =	ssyncadd.s32 $0xFFFFFFFF  }
0xa5: {  	s26 =	simm.s32 $execute0_lowered;
	[smem:$0x3FD2] =	sst s25  }
0xa6: {  	s4 =	sshll.u32 s26, $0x1;
	_ =	strace $0x8000004C;
	[dreg:$0x1] =	wrdreg $0xFFFFFFFF  }
0xa7: {  	s28 =	simm.s32 $_size_execute0_lowered;
	s2 =	sadd.s32 s2, s4;
	[dreg:$0x0] =	wrdreg $0x0  }
0xa8: {  	s4 =	sshll.u32 s28, $0x1;
	[dreg:$0x2] =	wrdreg s2  }
0xa9: {  	[dreg:$0x3] =	wrdreg s4  }
0xaa: {  	[dreg:$0x4] =	wrdreg $0xC0  }
0xab: {  	_ =	task [dreg:s6], $0x5FFFF  }
0xac: {  	[dreg:$0x1] =	wrdreg $0xFFFFFFFF  }
0xad: {  	[dreg:$0x0] =	wrdreg $0x60  }
0xae: {  	[dreg:$0x2] =	wrdreg s24  }
0xaf: {  	[dreg:$0x3] =	wrdreg $0x150000  }
0xb0: {  	[dreg:$0x4] =	wrdreg $0x9  }
0xb1: {  	_ =	task.clear_ibuf [dreg:s6], $0x5FFFF;
	_ =	strace $0x9000004C  }
0xb2: {  	s29 =	simm.s32 $0x9;
	_ =	strace $0x8000004E  }
0xb3: {  	_ =	swait.ge [sflag:s29], $0x1  }
0xb4: {  	[sflag:s29] =	ssyncadd.s32 $0xFFFFFFFF  }
0xb5: {  	_ =	strace $0x9000004E  }
0xb6: {  	_ =	sfence  }
0xb7: {  	s30 =	sld [smem:$0x0];
	_ =	sdelay $0x2  }
0xb8: {  	s31 =	sshll.u32 s1, $0xD;
	s1 =	sshrl.u32 s1, $0x2  }
0xb9: {  	s3 =	sand.u32 $0x4000, s31;
	s1 =	sadd.s32 s1, s30  }
0xba: {  	s0 =	sor.u32 s3, s0;
	s1 =	sshll.u32 s1, $0x11  }
0xbb: {  	s0 =	sor.u32 s1, s0  }
0xbc: {  	s0 =	sadd.s32 $0x8F2B, s0  }
0xbd: {  	[sflag:s0] =	ssyncadd.remote.s32 $0x1  }
0xbe: {  	_ =	sfence.sel $0xFFFF  }
0xbf: {  	[dreg:$0x0] =	wrdreg $0xFFFFFFFF;
	(pc) =	sbr.abs _section_cstart, $3  }
0xc0: {  	[dreg:$0x1] =	wrdreg $0xFFFFFFFF  }
0xc1: {  	_ =	task.clear_ibuf [dreg:s6], $0x2FFFF;
	_ =	strace $0x9FFFFFFF  }
0xc2: {  	(tm) =	ssettm $0x7FFFFFFF  }
0xc3: {  	_ =	shalt  }
tec
execute0_lowered:
.L_overlay_start_1:
0x0: {  	(tag) =	ssettag $0x1  }
0x1: {  	s0 =	srdreg.scid  }
0x2: {  	s1 =	rddreg [dreg:$0x0];
	s18 =	stileid.u32  }
0x3: {  	s2 =	rddreg [dreg:$0x1];
	s17 =	simm.s32 $0x5;
	s20 =	simm.s32 $0x100  }
0x4: {  	s21 =	simm.s32 $0x5000;
	s22 =	simm.s32 $0x9000;
	s24 =	simm.s32 $0xD000  }
0x5: {  	s28 =	simm.s32 $0x2;
	s29 =	simm.s32 $0x3;
	s30 =	simm.s32 $0x4  }
0x6: {  	s0 =	sand.u32 $0x1, s0;
	s7 =	smul.u32 $0x9C00, s18;
	s10 =	sadd.s32 $0x39200, s1  }
0x7: {  	p1 =	seq.s32 s18, $0xF;
	s14 =	sshll.u32 s18, $0x6;
	p2 =	sne.s32 s18, $0xF  }
0x8: {  	s3 =	sshll.u32 s0, $0x4;
	s6 =	smul.u32 $0x13880, s0;
	s8 =	ssub.s32 $0x2, s0  }
0x9: {  	p0 =	sne.s32 s0, $0x0;
	s15 =	sor.u32 $0x1C05, s14;
	s0 =	simm.s32 $0x4D00  }
0xa: {  	s4 =	sor.u32 s18, s3;
	s3 =	simm.s32 $0x0;
	s9 =	sshrl.u32 s8, $0x1  }
0xb: {  	s5 =	smul.u32 $0x500, s4;
	[smem:$0x7FF] =	sst s3;
	s4 =	sadd.s32 $0x25800, s1  }
0xc: {  	s9 =	ssub.s32 s8, s9;
	s8 =	sadd.s32 $0x9C000, s2;
	_ =	strace $0x8000004D  }
0xd: {  	[dreg:$0x3] =	wrdreg s10;
	s13 =	smax.u32 s9, $0x1;
	s31 =	sshrl.u32 s8, $0x3  }
0xe: {  	s9 =	simm.s32 $0x4F00;
	s5 =	sadd.s32 s5, s1;
	s1 =	sadd.s32 s6, s1  }
0xf: {  	s6 =	sshrl.u32 s7, $0x3;
	s7 =	sadd.s32 s7, s2;
	[dreg:$0x6] =	wrdreg s31  }
0x10: {  	s25 =	sadd.s32 s10, s6;
	s26 =	sadd.s32 s4, s6;
	s10 =	sadd.s32 $0x1B800, s5  }
0x11: {  	s11 =	sadd.s32 $0x2800, s5;
	s12 =	sadd.s32 $0x4CC00, s1;
	s16 =	sshrl.u32 s7, $0x3  }
0x12: {  	s1 =	simm.s32 $0x4C00;
	s7 =	simm.s32 $0x4E00;
	[dreg:$0x4] =	wrdreg s25  }
0x13: {  	[dreg:$0x5] =	wrdreg s26;
	s25 =	simm.s32 $0x11000;
	s26 =	simm.s32 $0x1  }
.LBB2_1:
.Ltmp0:
0x14: {  	(pc) =	sbr.rel @p0 .LBB2_3-.Ltmp0, $1  }
0x15: {  	_ =	sdelay $0x3  }
0x16: {  	s5 =	rddreg [dreg:$0x5]  }
0x17: {  	[spmem:s16], [sflag:s15] =	dma.local [hbm:s5], $0x1380  }
.Ltmp1:
0x18: {  	_ = 	snop;
	(pc) =	sbr.rel @p1 .LBB2_4-.Ltmp1, $4  }
.Ltmp2:
0x19: {  	_ = 	snop;
	(pc) =	sbr.rel @!p1 .LBB2_5-.Ltmp2, $4  }
0x1a: {  	_ =	swait.ge [sflag:s17], $0x1380  }
0x1b: {  	[sflag:s17] =	ssyncset.done $0x0  }
0x1c: {  	s18 =	smov.u32 s4;
	s5 =	smov.u32 s15;
	[sflag:s17] =	ssyncadd.s32 $0xFFFFEC80  }
0x1d: {  	_ = 	snop  }
.LBB2_3:
.Ltmp3:
0x1e: {  	s5 =	sor.u32 $0x1C05, s14;
	s18 =	rddreg [dreg:$0x4];
	(pc) =	sbr.rel @p2 .LBB2_5-.Ltmp3, $4  }
0x1f: {  	[spmem:s16], [sflag:s5] =	dma.local [hbm:s18], $0x1380  }
0x20: {  	_ =	swait.ge [sflag:s17], $0x1380  }
0x21: {  	[sflag:s17] =	ssyncset.done $0x0  }
0x22: {  	s18 =	rddreg [dreg:$0x3];
	[sflag:s17] =	ssyncadd.s32 $0xFFFFEC80  }
.LBB2_4:
0x23: {  	s18 =	sadd.s32 $0x13800, s18;
	s19 =	rddreg [dreg:$0x6]  }
0x24: {  	[spmem:s19], [sflag:s5] =	dma.local [hbm:s18], $0x80  }
0x25: {  	_ =	swait.ge [sflag:s17], $0x80  }
0x26: {  	[sflag:s17] =	ssyncset.done $0x0  }
0x27: {  	[sflag:s17] =	ssyncadd.s32 $0xFFFFFF80  }
.LBB2_5:
0x28: {  	s5 =	simm.s32 $0x0  }
0x29: {  	[tilespmem:s5], [sflag:$0x5] =	stream.linear.gather [hbm4b:s10+s5], $0x2800, $0x38;
	[tilespmem:$0x1EE40] =	vst v63  }
0x2a: {  	_ =	swait.ge [sflag:s17], $0x2800  }
0x2b: {  	[sflag:s17] =	ssyncset.done $0x0  }
0x2c: {  	s18 =	simm.s32 $0x2800;
	[sflag:s17] =	ssyncadd.s32 $0xFFFFD800  }
0x2d: {  	[tilespmem:s18], [sflag:$0x5] =	stream.linear.gather [hbm4b:s11+s5], $0x2800, $0x38;
	[tilespmem:$0x1EE40] =	vst v63  }
0x2e: {  	_ =	swait.ge [sflag:s17], $0x2800  }
0x2f: {  	[sflag:s17] =	ssyncset.done $0x0  }
0x30: {  	[sflag:s17] =	ssyncadd.s32 $0xFFFFD800  }
0x31: {  	[bflag:$0x0] =	sbarrier.arrive $0xFFFF  }
0x32: {  	[tilespmem:s21], [sflag:$0x1] =	stream.indirect.gather [hbm4b:s4+s20], $0x40, s5, s20, $0xb8;
	[tilespmem:$0x1EE40] =	vst v63  }
0x33: {  	_ = 	snop  }
0x34: {  	[tilespmem:s22], [sflag:$0x2] =	stream.indirect.gather [hbm4b:s4+s20], $0x40, s20, s20, $0xb8;
	[tilespmem:$0x1EE40] =	vst v63  }
0x35: {  	s31 =	simm.s32 $0x200  }
0x36: {  	[tilespmem:s24], [sflag:$0x3] =	stream.indirect.gather [hbm4b:s4+s20], $0x40, s31, s20, $0xb8;
	[tilespmem:$0x1EE40] =	vst v63  }
0x37: {  	s18 =	simm.s32 $0x300  }
0x38: {  	[tilespmem:s25], [sflag:$0x4] =	stream.indirect.gather [hbm4b:s4+s20], $0x40, s18, s20, $0xb8;
	[tilespmem:$0x1EE40] =	vst v63  }
0x39: {  	_ =	swait.ge [sflag:s26], $0x4000  }
0x3a: {  	[sflag:s26] =	ssyncset.done $0x0  }
0x3b: {  	s19 =	simm.s32 $0x2800;
	[sflag:s26] =	ssyncadd.s32 $0xFFFFC000  }
0x3c: {  	[spmem:s2] =	stream.indirect.scatter.add.f32 [tilespmem:s21], [sflag:$0x5], $0x40, s19, s20, $0xb8;
	[tilespmem:$0x1EE40] =	vst v63  }
0x3d: {  	_ =	swait.ge [sflag:s17], $0x4000  }
0x3e: {  	[sflag:s17] =	ssyncset.done $0x0  }
0x3f: {  	s23 =	simm.s32 $0x400;
	[sflag:s17] =	ssyncadd.s32 $0xFFFFC000  }
0x40: {  	[tilespmem:s21], [sflag:$0x1] =	stream.indirect.gather [hbm4b:s4+s20], $0x40, s23, s20, $0xb8;
	[tilespmem:$0x1EE40] =	vst v63  }
0x41: {  	_ =	swait.ge [sflag:s28], $0x4000  }
0x42: {  	[sflag:s28] =	ssyncset.done $0x0  }
0x43: {  	s31 =	simm.s32 $0x2900;
	[sflag:s28] =	ssyncadd.s32 $0xFFFFC000  }
0x44: {  	[spmem:s2] =	stream.indirect.scatter.add.f32 [tilespmem:s22], [sflag:$0x5], $0x40, s31, s20, $0xb8;
	[tilespmem:$0x1EE40] =	vst v63  }
0x45: {  	_ =	swait.ge [sflag:s17], $0x4000  }
0x46: {  	[sflag:s17] =	ssyncset.done $0x0  }
0x47: {  	s18 =	simm.s32 $0x500;
	[sflag:s17] =	ssyncadd.s32 $0xFFFFC000  }
0x48: {  	[tilespmem:s22], [sflag:$0x2] =	stream.indirect.gather [hbm4b:s4+s20], $0x40, s18, s20, $0xb8;
	[tilespmem:$0x1EE40] =	vst v63  }
0x49: {  	_ =	swait.ge [sflag:s29], $0x4000  }
0x4a: {  	[sflag:s29] =	ssyncset.done $0x0  }
0x4b: {  	s19 =	simm.s32 $0x2A00;
	[sflag:s29] =	ssyncadd.s32 $0xFFFFC000  }
0x4c: {  	[spmem:s2] =	stream.indirect.scatter.add.f32 [tilespmem:s24], [sflag:$0x5], $0x40, s19, s20, $0xb8;
	[tilespmem:$0x1EE40] =	vst v63  }
0x4d: {  	_ =	swait.ge [sflag:s17], $0x4000  }
0x4e: {  	[sflag:s17] =	ssyncset.done $0x0  }
0x4f: {  	s23 =	simm.s32 $0x600;
	[sflag:s17] =	ssyncadd.s32 $0xFFFFC000  }
0x50: {  	[tilespmem:s24], [sflag:$0x3] =	stream.indirect.gather [hbm4b:s4+s20], $0x40, s23, s20, $0xb8;
	[tilespmem:$0x1EE40] =	vst v63  }
0x51: {  	_ =	swait.ge [sflag:s30], $0x4000  }
0x52: {  	[sflag:s30] =	ssyncset.done $0x0  }
0x53: {  	s31 =	simm.s32 $0x2B00;
	[sflag:s30] =	ssyncadd.s32 $0xFFFFC000  }
0x54: {  	[spmem:s2] =	stream.indirect.scatter.add.f32 [tilespmem:s25], [sflag:$0x5], $0x40, s31, s20, $0xb8;
	[tilespmem:$0x1EE40] =	vst v63  }
0x55: {  	_ =	swait.ge [sflag:s17], $0x4000  }
0x56: {  	s19 =	simm.s32 $0x400;
	s23 =	simm.s32 $0x2000;
	[sflag:s17] =	ssyncset.done $0x0  }
.LBB2_6:
0x57: {  	s31 =	sadd.s32 $0x300, s19  }
0x58: {  	[sflag:s17] =	ssyncadd.s32 $0xFFFFC000;
	s18 =	smov.u32 s23;
	s5 =	sadd.s32 $0x1000, s23  }
0x59: {  	[tilespmem:s25], [sflag:$0x4] =	stream.indirect.gather [hbm4b:s4+s20], $0x40, s31, s20, $0xb8;
	[tilespmem:$0x1EE40] =	vst v63  }
0x5a: {  	p3 =	sne.s32 s23, $0x8000;
	_ =	swait.ge [sflag:s26], $0x4000  }
0x5b: {  	[sflag:s26] =	ssyncset.done $0x0  }
0x5c: {  	s23 =	sadd.s32 $0x2800, s19;
	[sflag:s26] =	ssyncadd.s32 $0xFFFFC000  }
0x5d: {  	[spmem:s2] =	stream.indirect.scatter.add.f32 [tilespmem:s21], [sflag:$0x5], $0x40, s23, s20, $0xb8;
	[tilespmem:$0x1EE40] =	vst v63  }
0x5e: {  	_ =	swait.ge [sflag:s17], $0x4000  }
0x5f: {  	[sflag:s17] =	ssyncset.done $0x0  }
0x60: {  	s23 =	sadd.s32 $0x400, s19;
	[sflag:s17] =	ssyncadd.s32 $0xFFFFC000  }
0x61: {  	[tilespmem:s21], [sflag:$0x1] =	stream.indirect.gather [hbm4b:s4+s20], $0x40, s23, s20, $0xb8;
	[tilespmem:$0x1EE40] =	vst v63  }
0x62: {  	_ =	swait.ge [sflag:s28], $0x4000  }
0x63: {  	[sflag:s28] =	ssyncset.done $0x0  }
0x64: {  	s23 =	sadd.s32 $0x2900, s19;
	[sflag:s28] =	ssyncadd.s32 $0xFFFFC000  }
0x65: {  	[spmem:s2] =	stream.indirect.scatter.add.f32 [tilespmem:s22], [sflag:$0x5], $0x40, s23, s20, $0xb8;
	[tilespmem:$0x1EE40] =	vst v63  }
0x66: {  	_ =	swait.ge [sflag:s17], $0x4000  }
0x67: {  	[sflag:s17] =	ssyncset.done $0x0  }
0x68: {  	s23 =	sadd.s32 $0x500, s19;
	[sflag:s17] =	ssyncadd.s32 $0xFFFFC000  }
0x69: {  	[tilespmem:s22], [sflag:$0x2] =	stream.indirect.gather [hbm4b:s4+s20], $0x40, s23, s20, $0xb8;
	[tilespmem:$0x1EE40] =	vst v63  }
0x6a: {  	_ =	swait.ge [sflag:s29], $0x4000  }
0x6b: {  	[sflag:s29] =	ssyncset.done $0x0  }
0x6c: {  	s23 =	sadd.s32 $0x2A00, s19;
	[sflag:s29] =	ssyncadd.s32 $0xFFFFC000  }
0x6d: {  	[spmem:s2] =	stream.indirect.scatter.add.f32 [tilespmem:s24], [sflag:$0x5], $0x40, s23, s20, $0xb8;
	[tilespmem:$0x1EE40] =	vst v63  }
0x6e: {  	_ =	swait.ge [sflag:s17], $0x4000  }
0x6f: {  	[sflag:s17] =	ssyncset.done $0x0  }
0x70: {  	s23 =	sadd.s32 $0x600, s19;
	[sflag:s17] =	ssyncadd.s32 $0xFFFFC000  }
0x71: {  	[tilespmem:s24], [sflag:$0x3] =	stream.indirect.gather [hbm4b:s4+s20], $0x40, s23, s20, $0xb8;
	[tilespmem:$0x1EE40] =	vst v63  }
0x72: {  	_ =	swait.ge [sflag:s30], $0x4000  }
.Ltmp4:
0x73: {  	[sflag:s30] =	ssyncset.done $0x0;
	(pc) =	sbr.rel @p3 .LBB2_6-.Ltmp4, $4  }
0x74: {  	s19 =	sadd.s32 $0x2B00, s19;
	[sflag:s30] =	ssyncadd.s32 $0xFFFFC000  }
0x75: {  	[spmem:s2] =	stream.indirect.scatter.add.f32 [tilespmem:s25], [sflag:$0x5], $0x40, s19, s20, $0xb8;
	[tilespmem:$0x1EE40] =	vst v63  }
0x76: {  	_ =	swait.ge [sflag:s17], $0x4000  }
0x77: {  	s23 =	smov.u32 s5;
	s19 =	sshra.s32 s18, $0x2;
	[sflag:s17] =	ssyncset.done $0x0  }
0x78: {  	s5 =	sadd.s32 $0x300, s19;
	[sflag:s17] =	ssyncadd.s32 $0xFFFFC000  }
0x79: {  	[tilespmem:s25], [sflag:$0x4] =	stream.indirect.gather [hbm4b:s4+s20], $0x40, s5, s20, $0xb8;
	[tilespmem:$0x1EE40] =	vst v63  }
0x7a: {  	_ =	swait.ge [sflag:s26], $0x4000  }
0x7b: {  	[sflag:s26] =	ssyncset.done $0x0  }
0x7c: {  	s23 =	sadd.s32 $0x2800, s19;
	[sflag:s26] =	ssyncadd.s32 $0xFFFFC000  }
0x7d: {  	[spmem:s2] =	stream.indirect.scatter.add.f32 [tilespmem:s21], [sflag:$0x5], $0x40, s23, s20, $0xb8;
	[tilespmem:$0x1EE40] =	vst v63  }
0x7e: {  	_ =	swait.ge [sflag:s17], $0x4000  }
0x7f: {  	[sflag:s17] =	ssyncset.done $0x0  }
0x80: {  	s31 =	sadd.s32 $0x400, s19;
	[sflag:s17] =	ssyncadd.s32 $0xFFFFC000  }
0x81: {  	[tilespmem:s21], [sflag:$0x1] =	stream.indirect.gather [hbm4b:s4+s20], $0x40, s31, s20, $0xb8;
	[tilespmem:$0x1EE40] =	vst v63  }
0x82: {  	_ =	swait.ge [sflag:s28], $0x4000  }
0x83: {  	[sflag:s28] =	ssyncset.done $0x0  }
0x84: {  	s18 =	sadd.s32 $0x2900, s19;
	[sflag:s28] =	ssyncadd.s32 $0xFFFFC000  }
0x85: {  	[spmem:s2] =	stream.indirect.scatter.add.f32 [tilespmem:s22], [sflag:$0x5], $0x40, s18, s20, $0xb8;
	[tilespmem:$0x1EE40] =	vst v63  }
0x86: {  	_ =	swait.ge [sflag:s17], $0x4000  }
0x87: {  	[sflag:s17] =	ssyncset.done $0x0  }
0x88: {  	s23 =	sadd.s32 $0x500, s19;
	[sflag:s17] =	ssyncadd.s32 $0xFFFFC000  }
0x89: {  	[tilespmem:s22], [sflag:$0x2] =	stream.indirect.gather [hbm4b:s4+s20], $0x40, s23, s20, $0xb8;
	[tilespmem:$0x1EE40] =	vst v63  }
0x8a: {  	_ =	swait.ge [sflag:s29], $0x4000  }
0x8b: {  	[sflag:s29] =	ssyncset.done $0x0  }
0x8c: {  	s31 =	sadd.s32 $0x2A00, s19;
	[sflag:s29] =	ssyncadd.s32 $0xFFFFC000  }
0x8d: {  	[spmem:s2] =	stream.indirect.scatter.add.f32 [tilespmem:s24], [sflag:$0x5], $0x40, s31, s20, $0xb8;
	[tilespmem:$0x1EE40] =	vst v63  }
0x8e: {  	_ =	swait.ge [sflag:s17], $0x4000  }
0x8f: {  	[sflag:s17] =	ssyncset.done $0x0  }
0x90: {  	s18 =	sadd.s32 $0x600, s19;
	[sflag:s17] =	ssyncadd.s32 $0xFFFFC000  }
0x91: {  	[tilespmem:s24], [sflag:$0x3] =	stream.indirect.gather [hbm4b:s4+s20], $0x40, s18, s20, $0xb8;
	[tilespmem:$0x1EE40] =	vst v63  }
0x92: {  	_ =	swait.ge [sflag:s30], $0x4000  }
0x93: {  	[sflag:s30] =	ssyncset.done $0x0  }
0x94: {  	s19 =	sadd.s32 $0x2B00, s19;
	[sflag:s30] =	ssyncadd.s32 $0xFFFFC000  }
0x95: {  	[spmem:s2] =	stream.indirect.scatter.add.f32 [tilespmem:s25], [sflag:$0x5], $0x40, s19, s20, $0xb8;
	[tilespmem:$0x1EE40] =	vst v63  }
0x96: {  	_ =	swait.ge [sflag:s17], $0x4000  }
0x97: {  	[sflag:s17] =	ssyncset.done $0x0  }
0x98: {  	s23 =	simm.s32 $0x2700;
	[sflag:s17] =	ssyncadd.s32 $0xFFFFC000  }
0x99: {  	[tilespmem:s25], [sflag:$0x4] =	stream.indirect.gather [hbm4b:s4+s20], $0x40, s23, s20, $0xb8;
	[tilespmem:$0x1EE40] =	vst v63  }
0x9a: {  	_ =	swait.ge [sflag:s26], $0x4000  }
0x9b: {  	[sflag:s26] =	ssyncset.done $0x0  }
0x9c: {  	[sflag:s26] =	ssyncadd.s32 $0xFFFFC000  }
0x9d: {  	[spmem:s2] =	stream.indirect.scatter.add.f32 [tilespmem:s21], [sflag:$0x5], $0x40, s1, s20, $0xb8;
	[tilespmem:$0x1EE40] =	vst v63  }
0x9e: {  	_ =	swait.ge [sflag:s17], $0x4000  }
0x9f: {  	[sflag:s17] =	ssyncset.done $0x0  }
0xa0: {  	[sflag:s17] =	ssyncadd.s32 $0xFFFFC000  }
0xa1: {  	_ =	swait.ge [sflag:s28], $0x4000  }
0xa2: {  	[sflag:s28] =	ssyncset.done $0x0  }
0xa3: {  	[sflag:s28] =	ssyncadd.s32 $0xFFFFC000  }
0xa4: {  	[spmem:s2] =	stream.indirect.scatter.add.f32 [tilespmem:s22], [sflag:$0x5], $0x40, s0, s20, $0xb8;
	[tilespmem:$0x1EE40] =	vst v63  }
0xa5: {  	_ =	swait.ge [sflag:s17], $0x4000  }
0xa6: {  	[sflag:s17] =	ssyncset.done $0x0  }
0xa7: {  	[sflag:s17] =	ssyncadd.s32 $0xFFFFC000  }
0xa8: {  	_ =	swait.ge [sflag:s29], $0x4000  }
0xa9: {  	[sflag:s29] =	ssyncset.done $0x0  }
0xaa: {  	[sflag:s29] =	ssyncadd.s32 $0xFFFFC000  }
0xab: {  	[spmem:s2] =	stream.indirect.scatter.add.f32 [tilespmem:s24], [sflag:$0x5], $0x40, s7, s20, $0xb8;
	[tilespmem:$0x1EE40] =	vst v63  }
0xac: {  	_ =	swait.ge [sflag:s17], $0x4000  }
0xad: {  	[sflag:s17] =	ssyncset.done $0x0  }
0xae: {  	[sflag:s17] =	ssyncadd.s32 $0xFFFFC000  }
0xaf: {  	_ =	swait.ge [sflag:s30], $0x4000  }
0xb0: {  	[sflag:s30] =	ssyncset.done $0x0  }
0xb1: {  	[sflag:s30] =	ssyncadd.s32 $0xFFFFC000  }
0xb2: {  	[spmem:s2] =	stream.indirect.scatter.add.f32 [tilespmem:s25], [sflag:$0x5], $0x40, s9, s20, $0xb8;
	[tilespmem:$0x1EE40] =	vst v63  }
0xb3: {  	_ =	swait.ge [sflag:s17], $0x4000  }
0xb4: {  	[sflag:s17] =	ssyncset.done $0x0  }
0xb5: {  	[sflag:s17] =	ssyncadd.s32 $0xFFFFC000  }
0xb6: {  	s31 =	sadd.s32 s6, s12;
	s18 =	sor.u32 $0x1C05, s14;
	[bflag:$0x0] =	sbarrier.arrive $0xFFFF  }
0xb7: {  	[hbm:s31], [sflag:s18] =	dma.local [spmem:s16], $0x1380  }
0xb8: {  	_ =	swait.ge [sflag:s17], $0x1380  }
0xb9: {  	s3 =	sadd.s32 $0x1, s3;
	s5 =	sadd.s32 @!p2 $0x13800, s12;
	[sflag:s17] =	ssyncset.done $0x0  }
0xba: {  	p3 =	sne.s32 s3, s13;
	s19 =	sshrl.u32 @!p2 s8, $0x3;
	[sflag:s17] =	ssyncadd.s32 $0xFFFFEC80  }
0xbb: {  	[hbm:s5], [sflag:s18] =	dma.local @!p2 [spmem:s19], $0x80  }
.Ltmp5:
0xbc: {  	_ = 	snop;
	(pc) =	sbr.rel @p3 .LBB2_1-.Ltmp5, $4  }
0xbd: {  	s5 =	simm.s32 @!p2 $0x5  }
0xbe: {  	_ =	swait.ge @!p2 [sflag:s5], $0x80  }
0xbf: {  	[sflag:s5] =	ssyncset.done @!p2 $0x0  }
0xc0: {  	[sflag:s5] =	ssyncadd.s32 @!p2 $0xFFFFFF80  }
0xc1: {  	_ =	sfence.sel $0x180000  }
0xc2: {  	[bflag:$0x0] =	sbarrier.arrive $0xFFFF  }
0xc3: {  	_ =	strace $0x9000004D  }
0xc4: {  	s0 =	stileid.u32;
	[bflag:$0x2] =	sbarrier.arrive $0xFFFF  }
0xc5: {  	p0 =	sne.s32 s0, $0x0;
	s0 =	rddreg [dreg:$0x2]  }
0xc6: {  	s0 =	sadd.s32 @!p0 $0x100000, s0  }
0xc7: {  	[sflag:s0] =	ssyncadd.tile.s32 @!p0 $0x1;
	_ =	shalt  }
.Lfunc_end2:
_tile_overlayer_lowered:
.L_overlay_start_2:
0xc8: {  	(tag) =	ssettag $0x2  }
0xc9: {  	s0 =	rddreg [dreg:$0x0];
	s2 =	stileid.u32  }
0xca: {  	s1 =	rddreg [dreg:$0x1];
	p0 =	sne.s32 s2, $0x0  }
0xcb: {  	s3 =	rddreg [dreg:$0x2];
	[bflag:$0x3] =	sbarrier.arrive $0xFFFF;
	s2 =	simm.s32 @!p0 $0x1C05  }
0xcc: {  	[timem:s3], [sflag:s2] =	dma.local @!p0 [hbm:s0], s1  }
0xcd: {  	s0 =	simm.s32 @!p0 $0x5  }
0xce: {  	_ =	swait.ge @!p0 [sflag:s0], s1  }
0xcf: {  	s1 =	ssub.s32 @!p0 $0x0, s1;
	[sflag:s0] =	ssyncset.done @!p0 $0x0  }
0xd0: {  	[sflag:s0] =	ssyncadd.s32 @!p0 s1  }
0xd1: {  	[bflag:$0x3] =	sbarrier.arrive $0xFFFF  }
0xd2: {  	_ =	shalt  }

// kernel: kernel.19.cloned.1.call-start
scs
__scs_entry_jumppad:
0x0: {  	(pc) =	sbr.rel $0x88, $3  }
0x1: {  	(tag) =	ssettag $0x0;
	lr =	simm.s32 $0x1  }
0x2: {  	[smem:$0x3F94] =	sst lr;
	_ =	strace $0xD0000000  }
0x3: {  	_ = 	snop  }
0x4: {  	_ = 	snop  }
0x5: {  	_ = 	snop  }
0x6: {  	_ = 	snop  }
0x7: {  	_ = 	snop  }
__scs_overlays_trampoline_lowered:
0x8: {  	[smem:$0x3FA3] =	sst s0  }
0x9: {  	[smem:$0x3FA4] =	sst s1  }
0xa: {  	[smem:$0x3FA5] =	sst s2  }
0xb: {  	[smem:$0x3FA6] =	sst s3  }
0xc: {  	[smem:$0x3FA7] =	sst s4  }
0xd: {  	[smem:$0x3FA8] =	sst s5  }
0xe: {  	[smem:$0x3FA9] =	sst s6  }
0xf: {  	[smem:$0x3FAA] =	sst s7  }
0x10: {  	[smem:$0x3FAB] =	sst s8  }
0x11: {  	[smem:$0x3FAC] =	sst s9;
	s0 =	simm.s32 @!p0 $0x0  }
0x12: {  	s1 =	sld [smem:$0x3F92];
	s0 =	simm.s32 @p0 $0x1  }
0x13: {  	[smem:$0x3FAD] =	sst s0;
	s0 =	simm.s32 @!p1 $0x0  }
0x14: {  	s2 =	sld [smem:$0x3F91];
	s0 =	simm.s32 @p1 $0x1  }
0x15: {  	[smem:$0x3FAE] =	sst s0;
	s0 =	simm.s32 @!p2 $0x0  }
0x16: {  	s3 =	sld [smem:$0x3FDB];
	s0 =	simm.s32 @p2 $0x1  }
0x17: {  	s4 =	simm.s32 $0x1BF5;
	[smem:$0x3FB0] =	sst s0  }
0x18: {  	s0 =	sld [smem:$0x3F93];
	_ =	swait.ge [sflag:s4], $0x0  }
0x19: {  	s7 =	sld [smem:$0x3F94]  }
0x1a: {  	s8 =	sadd.s32 $0xFFFFE003, lr  }
0x1b: {  	s9 =	sadd.s32 $0xFFFFFEF7, lr;
	s5 =	simm.s32 $0xFFFFFFFF;
	p2 =	slt.u32 s8, $0xFFFFF086  }
0x1c: {  	p1 =	slt.u32 s9, $0xF7A;
	s5 =	simm.s32 @!p2 $0x0  }
0x1d: {  	s5 =	simm.s32 @p1 $0x1;
	p0 =	seq.s32 s7, s2  }
0x1e: {  	s7 =	smul.u32 @!p0 $0xF7A, s2;
	p2 =	seq.s32 @!p0 s5, $0x0  }
0x1f: {  	s9 =	smul.u32 $0xF7A, s1;
	s8 =	simm.s32 @!p0 $0x1BF5;
	p2 =	por !p2, p0  }
0x20: {  	[sflag:s8] =	ssyncset.s32 @!p0 $0xFFFFF086;
	s6 =	sadd.s32 @!p0 s3, s7;
	s7 =	simm.s32 @!p0 $0x108  }
0x21: {  	s3 =	sadd.s32 s3, s9;
	s6 =	sadd.s32 @!p0 $0x88, s6;
	s7 =	simm.s32 @p2 $0x1082  }
0x22: {  	[simem:s7], [sflag:s8] =	dma.local @!p0 [hbm:s6], $0xF7A  }
0x23: {  	s9 =	sor.u32 $0xD0000000, s2;
	s6 =	simm.s32 $0x108;
	_ =	swait.ge @!p0 [sflag:s8], $0x0  }
0x24: {  	s3 =	sadd.s32 $0x88, s3;
	s6 =	simm.s32 @!p1 $0x1082;
	[sflag:s4] =	ssyncset.s32 $0xFFFFF086  }
0x25: {  	[simem:s6], [sflag:s4] =	dma.local [hbm:s3], $0xF7A  }
0x26: {  	[smem:$0x3F94] =	sst s1;
	(tag) =	ssettag s2;
	_ =	strace s9  }
0x27: {  	s1 =	sld [smem:$0x3FA4]  }
0x28: {  	s2 =	sld [smem:$0x3FA5]  }
0x29: {  	s4 =	sld [smem:$0x3FA7]  }
0x2a: {  	p0 =	seq.s32 s5, $0x0;
	s5 =	sld [smem:$0x3FA8]  }
0x2b: {  	s6 =	sld [smem:$0x3FA9]  }
0x2c: {  	s7 =	sld [smem:$0x3FAA]  }
0x2d: {  	s3 =	simm.s32 $0x108;
	s8 =	sld [smem:$0x3FAB]  }
0x2e: {  	s3 =	simm.s32 @!p0 $0x1082;
	s9 =	sld [smem:$0x3FAC]  }
0x2f: {  	lr =	sadd.s32 s0, s3;
	s0 =	sld [smem:$0x3FA3]  }
0x30: {  	s3 =	sld [smem:$0x3FA6]  }
0x31: {  	[smem:$0x3FAF] =	sst s10  }
0x32: {  	s10 =	sld [smem:$0x3FAD];
	_ =	sdelay $0x3  }
0x33: {  	p0 =	seq.s32 s10, $0x1;
	s10 =	sld [smem:$0x3FAF];
	_ =	sdelay $0x3  }
0x34: {  	[smem:$0x3FAF] =	sst s10  }
0x35: {  	s10 =	sld [smem:$0x3FAE];
	_ =	sdelay $0x3  }
0x36: {  	p1 =	seq.s32 s10, $0x1;
	s10 =	sld [smem:$0x3FAF];
	_ =	sdelay $0x3  }
0x37: {  	[smem:$0x3FAF] =	sst s10  }
0x38: {  	s10 =	sld [smem:$0x3FB0]  }
0x39: {  	_ = 	snop;
	(pc) =	sbr.ind lr, $3  }
0x3a: {  	_ = 	snop  }
0x3b: {  	_ = 	snop  }
0x3c: {  	p2 =	seq.s32 s10, $0x1;
	s10 =	sld [smem:$0x3FAF]  }
0x3d: {  	_ =	shalt  }
0x3e: {  	_ =	shalt  }
0x3f: {  	_ =	shalt  }
0x40: {  	_ =	shalt  }
0x41: {  	_ =	shalt  }
0x42: {  	_ =	shalt  }
0x43: {  	_ =	shalt  }
0x44: {  	_ =	shalt  }
0x45: {  	_ =	shalt  }
0x46: {  	_ =	shalt  }
0x47: {  	_ =	shalt  }
0x48: {  	_ =	shalt  }
0x49: {  	_ =	shalt  }
0x4a: {  	_ =	shalt  }
0x4b: {  	_ =	shalt  }
0x4c: {  	_ =	shalt  }
0x4d: {  	_ =	shalt  }
0x4e: {  	_ =	shalt  }
0x4f: {  	_ =	shalt  }
0x50: {  	_ =	shalt  }
0x51: {  	_ =	shalt  }
0x52: {  	_ =	shalt  }
0x53: {  	_ =	shalt  }
0x54: {  	_ =	shalt  }
0x55: {  	_ =	shalt  }
0x56: {  	_ =	shalt  }
0x57: {  	_ =	shalt  }
0x58: {  	_ =	shalt  }
0x59: {  	_ =	shalt  }
0x5a: {  	_ =	shalt  }
0x5b: {  	_ =	shalt  }
0x5c: {  	_ =	shalt  }
0x5d: {  	_ =	shalt  }
0x5e: {  	_ =	shalt  }
0x5f: {  	_ =	shalt  }
0x60: {  	_ =	shalt  }
0x61: {  	_ =	shalt  }
0x62: {  	_ =	shalt  }
0x63: {  	_ =	shalt  }
0x64: {  	_ =	shalt  }
0x65: {  	_ =	shalt  }
0x66: {  	_ =	shalt  }
0x67: {  	_ =	shalt  }
0x68: {  	_ =	shalt  }
0x69: {  	_ =	shalt  }
0x6a: {  	_ =	shalt  }
0x6b: {  	_ =	shalt  }
0x6c: {  	_ =	shalt  }
0x6d: {  	_ =	shalt  }
0x6e: {  	_ =	shalt  }
0x6f: {  	_ =	shalt  }
0x70: {  	_ =	shalt  }
0x71: {  	_ =	shalt  }
0x72: {  	_ =	shalt  }
0x73: {  	_ =	shalt  }
0x74: {  	_ =	shalt  }
0x75: {  	_ =	shalt  }
0x76: {  	_ =	shalt  }
0x77: {  	_ =	shalt  }
0x78: {  	_ =	shalt  }
0x79: {  	_ =	shalt  }
0x7a: {  	_ =	shalt  }
0x7b: {  	_ =	shalt  }
0x7c: {  	_ =	shalt  }
0x7d: {  	_ =	shalt  }
0x7e: {  	_ =	shalt  }
0x7f: {  	_ =	shalt  }
0x80: {  	_ =	shalt  }
0x81: {  	_ =	shalt  }
0x82: {  	_ =	shalt  }
0x83: {  	_ =	shalt  }
0x84: {  	_ =	shalt  }
0x85: {  	_ =	shalt  }
0x86: {  	_ =	shalt  }
0x87: {  	_ =	shalt  }
.Lfunc_end0:
.L_simem_size_0:
called_computation.3_lowered:
.L_overlay_start_0:
0x88: {  	s2 =	sld [smem:$0x3FD9]  }
0x89: {  	s3 =	sld [smem:$0x3FFE];
	_ =	sdelay $0x1  }
0x8a: {  	s1 =	srdreg.scid  }
0x8b: {  	s0 =	sand.u32 $0x1, s1  }
0x8c: {  	s16 =	sshll.u32 s0, $0xA;
	s2 =	sadd.s32 s3, s2  }
0x8d: {  	s2 =	sadd.s32 s2, s16  }
0x8e: {  	[smem:$0x3FBB] =	sst s2  }
0x8f: {  	_ = 	snop  }
0x90: {  	(tm) =	ssettm $0x1  }
0x91: {  	s17 =	sld [smem:$0x3FFB];
	_ =	sdelay $0x3  }
0x92: {  	_ =	strace s17  }
0x93: {  	s2 =	sld [smem:$0x3FFC];
	_ =	sdelay $0x3  }
0x94: {  	_ =	strace s2  }
0x95: {  	s2 =	sld [smem:$0x3FFD];
	_ =	sdelay $0x3  }
0x96: {  	_ =	strace s2  }
0x97: {  	_ =	strace $0x8FFFFFFF  }
0x98: {  	s18 =	sld [smem:$0x3FDB];
	_ =	sdelay $0x1  }
0x99: {  	s19 =	simm.s32 $_scs_section_size  }
0x9a: {  	s4 =	simm.s32 $_size__tile_overlayer_lowered;
	s5 =	simm.s32 $_tile_overlayer_lowered  }
0x9b: {  	s22 =	simm.s32 $0x1BFF;
	s21 =	sshll.u32 s5, $0x1;
	s2 =	sadd.s32 s19, s18  }
0x9c: {  	s6 =	simm.s32 $0x0;
	s20 =	sshll.u32 s4, $0x1;
	s4 =	sadd.s32 s21, s2  }
0x9d: {  	[timem:s6], [sflag:s22] =	dma.local [hbm:s4], s20  }
0x9e: {  	_ =	swait.ge [sflag:s22], s20  }
0x9f: {  	s3 =	ssub.s32 $0x0, s20;
	[sflag:s22] =	ssyncset.done $0x0  }
0xa0: {  	[sflag:s22] =	ssyncadd.s32 s3;
	_ =	sdelay $0x1  }
0xa1: {  	s23 =	simm.s32 $0x1B8B  }
0xa2: {  	_ =	swait.ge [sflag:s23], $0x1  }
0xa3: {  	[sflag:s23] =	ssyncset.done $0x0  }
0xa4: {  	s25 =	simm.s32 $0x1B8E;
	s24 =	sld [smem:$0x3FFE];
	[sflag:s23] =	ssyncadd.s32 $0xFFFFFFFF  }
0xa5: {  	s26 =	simm.s32 $execute0_lowered;
	[smem:$0x3FD2] =	sst s25  }
0xa6: {  	s4 =	sshll.u32 s26, $0x1;
	_ =	strace $0x8000004F;
	[dreg:$0x1] =	wrdreg $0xFFFFFFFF  }
0xa7: {  	s28 =	simm.s32 $_size_execute0_lowered;
	s2 =	sadd.s32 s2, s4;
	[dreg:$0x0] =	wrdreg $0x0  }
0xa8: {  	s4 =	sshll.u32 s28, $0x1;
	[dreg:$0x2] =	wrdreg s2  }
0xa9: {  	[dreg:$0x3] =	wrdreg s4  }
0xaa: {  	[dreg:$0x4] =	wrdreg $0xC0  }
0xab: {  	_ =	task [dreg:s6], $0x5FFFF  }
0xac: {  	[dreg:$0x1] =	wrdreg $0xFFFFFFFF  }
0xad: {  	[dreg:$0x0] =	wrdreg $0x60  }
0xae: {  	[dreg:$0x2] =	wrdreg s24  }
0xaf: {  	[dreg:$0x3] =	wrdreg $0x150000  }
0xb0: {  	[dreg:$0x4] =	wrdreg $0x9  }
0xb1: {  	_ =	task.clear_ibuf [dreg:s6], $0x5FFFF;
	_ =	strace $0x9000004F  }
0xb2: {  	s29 =	simm.s32 $0x9;
	_ =	strace $0x80000051  }
0xb3: {  	_ =	swait.ge [sflag:s29], $0x1  }
0xb4: {  	[sflag:s29] =	ssyncadd.s32 $0xFFFFFFFF  }
0xb5: {  	_ =	strace $0x90000051  }
0xb6: {  	_ =	sfence  }
0xb7: {  	s30 =	sld [smem:$0x0];
	_ =	sdelay $0x2  }
0xb8: {  	s31 =	sshll.u32 s1, $0xD;
	s1 =	sshrl.u32 s1, $0x2  }
0xb9: {  	s3 =	sand.u32 $0x4000, s31;
	s1 =	sadd.s32 s1, s30  }
0xba: {  	s0 =	sor.u32 s3, s0;
	s1 =	sshll.u32 s1, $0x11  }
0xbb: {  	s0 =	sor.u32 s1, s0  }
0xbc: {  	s0 =	sadd.s32 $0x8F2B, s0  }
0xbd: {  	[sflag:s0] =	ssyncadd.remote.s32 $0x1  }
0xbe: {  	_ =	sfence.sel $0xFFFF  }
0xbf: {  	[dreg:$0x0] =	wrdreg $0xFFFFFFFF;
	(pc) =	sbr.abs _section_cstart, $3  }
0xc0: {  	[dreg:$0x1] =	wrdreg $0xFFFFFFFF  }
0xc1: {  	_ =	task.clear_ibuf [dreg:s6], $0x2FFFF;
	_ =	strace $0x9FFFFFFF  }
0xc2: {  	(tm) =	ssettm $0x7FFFFFFF  }
0xc3: {  	_ =	shalt  }
tec
execute0_lowered:
.L_overlay_start_1:
0x0: {  	(tag) =	ssettag $0x1  }
0x1: {  	s0 =	srdreg.scid  }
0x2: {  	s1 =	rddreg [dreg:$0x0];
	s18 =	stileid.u32  }
0x3: {  	s2 =	rddreg [dreg:$0x1];
	s17 =	simm.s32 $0x5;
	s20 =	simm.s32 $0x100  }
0x4: {  	s21 =	simm.s32 $0x5000;
	s22 =	simm.s32 $0x9000;
	s24 =	simm.s32 $0xD000  }
0x5: {  	s28 =	simm.s32 $0x2;
	s29 =	simm.s32 $0x3;
	s30 =	simm.s32 $0x4  }
0x6: {  	s0 =	sand.u32 $0x1, s0;
	s7 =	smul.u32 $0x9C00, s18;
	s10 =	sadd.s32 $0x39200, s1  }
0x7: {  	p1 =	seq.s32 s18, $0xF;
	s14 =	sshll.u32 s18, $0x6;
	p2 =	sne.s32 s18, $0xF  }
0x8: {  	s3 =	sshll.u32 s0, $0x4;
	s6 =	smul.u32 $0x13880, s0;
	s8 =	ssub.s32 $0x2, s0  }
0x9: {  	p0 =	sne.s32 s0, $0x0;
	s15 =	sor.u32 $0x1C05, s14;
	s0 =	simm.s32 $0x4D00  }
0xa: {  	s4 =	sor.u32 s18, s3;
	s3 =	simm.s32 $0x0;
	s9 =	sshrl.u32 s8, $0x1  }
0xb: {  	s5 =	smul.u32 $0x500, s4;
	[smem:$0x7FF] =	sst s3;
	s4 =	sadd.s32 $0x25800, s1  }
0xc: {  	s9 =	ssub.s32 s8, s9;
	s8 =	sadd.s32 $0x9C000, s2;
	_ =	strace $0x80000050  }
0xd: {  	[dreg:$0x3] =	wrdreg s10;
	s13 =	smax.u32 s9, $0x1;
	s31 =	sshrl.u32 s8, $0x3  }
0xe: {  	s9 =	simm.s32 $0x4F00;
	s5 =	sadd.s32 s5, s1;
	s1 =	sadd.s32 s6, s1  }
0xf: {  	s6 =	sshrl.u32 s7, $0x3;
	s7 =	sadd.s32 s7, s2;
	[dreg:$0x6] =	wrdreg s31  }
0x10: {  	s25 =	sadd.s32 s10, s6;
	s26 =	sadd.s32 s4, s6;
	s10 =	sadd.s32 $0x1B800, s5  }
0x11: {  	s11 =	sadd.s32 $0x2800, s5;
	s12 =	sadd.s32 $0x4CC00, s1;
	s16 =	sshrl.u32 s7, $0x3  }
0x12: {  	s1 =	simm.s32 $0x4C00;
	s7 =	simm.s32 $0x4E00;
	[dreg:$0x4] =	wrdreg s25  }
0x13: {  	[dreg:$0x5] =	wrdreg s26;
	s25 =	simm.s32 $0x11000;
	s26 =	simm.s32 $0x1  }
.LBB2_1:
.Ltmp0:
0x14: {  	(pc) =	sbr.rel @p0 .LBB2_3-.Ltmp0, $1  }
0x15: {  	_ =	sdelay $0x3  }
0x16: {  	s5 =	rddreg [dreg:$0x5]  }
0x17: {  	[spmem:s16], [sflag:s15] =	dma.local [hbm:s5], $0x1380  }
.Ltmp1:
0x18: {  	_ = 	snop;
	(pc) =	sbr.rel @p1 .LBB2_4-.Ltmp1, $4  }
.Ltmp2:
0x19: {  	_ = 	snop;
	(pc) =	sbr.rel @!p1 .LBB2_5-.Ltmp2, $4  }
0x1a: {  	_ =	swait.ge [sflag:s17], $0x1380  }
0x1b: {  	[sflag:s17] =	ssyncset.done $0x0  }
0x1c: {  	s18 =	smov.u32 s4;
	s5 =	smov.u32 s15;
	[sflag:s17] =	ssyncadd.s32 $0xFFFFEC80  }
0x1d: {  	_ = 	snop  }
.LBB2_3:
.Ltmp3:
0x1e: {  	s5 =	sor.u32 $0x1C05, s14;
	s18 =	rddreg [dreg:$0x4];
	(pc) =	sbr.rel @p2 .LBB2_5-.Ltmp3, $4  }
0x1f: {  	[spmem:s16], [sflag:s5] =	dma.local [hbm:s18], $0x1380  }
0x20: {  	_ =	swait.ge [sflag:s17], $0x1380  }
0x21: {  	[sflag:s17] =	ssyncset.done $0x0  }
0x22: {  	s18 =	rddreg [dreg:$0x3];
	[sflag:s17] =	ssyncadd.s32 $0xFFFFEC80  }
.LBB2_4:
0x23: {  	s18 =	sadd.s32 $0x13800, s18;
	s19 =	rddreg [dreg:$0x6]  }
0x24: {  	[spmem:s19], [sflag:s5] =	dma.local [hbm:s18], $0x80  }
0x25: {  	_ =	swait.ge [sflag:s17], $0x80  }
0x26: {  	[sflag:s17] =	ssyncset.done $0x0  }
0x27: {  	[sflag:s17] =	ssyncadd.s32 $0xFFFFFF80  }
.LBB2_5:
0x28: {  	s5 =	simm.s32 $0x0  }
0x29: {  	[tilespmem:s5], [sflag:$0x5] =	stream.linear.gather [hbm4b:s10+s5], $0x2800, $0x38;
	[tilespmem:$0x1EE40] =	vst v63  }
0x2a: {  	_ =	swait.ge [sflag:s17], $0x2800  }
0x2b: {  	[sflag:s17] =	ssyncset.done $0x0  }
0x2c: {  	s18 =	simm.s32 $0x2800;
	[sflag:s17] =	ssyncadd.s32 $0xFFFFD800  }
0x2d: {  	[tilespmem:s18], [sflag:$0x5] =	stream.linear.gather [hbm4b:s11+s5], $0x2800, $0x38;
	[tilespmem:$0x1EE40] =	vst v63  }
0x2e: {  	_ =	swait.ge [sflag:s17], $0x2800  }
0x2f: {  	[sflag:s17] =	ssyncset.done $0x0  }
0x30: {  	[sflag:s17] =	ssyncadd.s32 $0xFFFFD800  }
0x31: {  	[bflag:$0x0] =	sbarrier.arrive $0xFFFF  }
0x32: {  	[tilespmem:s21], [sflag:$0x1] =	stream.indirect.gather [hbm4b:s4+s20], $0x40, s5, s20, $0xb8;
	[tilespmem:$0x1EE40] =	vst v63  }
0x33: {  	_ = 	snop  }
0x34: {  	[tilespmem:s22], [sflag:$0x2] =	stream.indirect.gather [hbm4b:s4+s20], $0x40, s20, s20, $0xb8;
	[tilespmem:$0x1EE40] =	vst v63  }
0x35: {  	s31 =	simm.s32 $0x200  }
0x36: {  	[tilespmem:s24], [sflag:$0x3] =	stream.indirect.gather [hbm4b:s4+s20], $0x40, s31, s20, $0xb8;
	[tilespmem:$0x1EE40] =	vst v63  }
0x37: {  	s18 =	simm.s32 $0x300  }
0x38: {  	[tilespmem:s25], [sflag:$0x4] =	stream.indirect.gather [hbm4b:s4+s20], $0x40, s18, s20, $0xb8;
	[tilespmem:$0x1EE40] =	vst v63  }
0x39: {  	_ =	swait.ge [sflag:s26], $0x4000  }
0x3a: {  	[sflag:s26] =	ssyncset.done $0x0  }
0x3b: {  	s19 =	simm.s32 $0x2800;
	[sflag:s26] =	ssyncadd.s32 $0xFFFFC000  }
0x3c: {  	[spmem:s2] =	stream.indirect.scatter.add.f32 [tilespmem:s21], [sflag:$0x5], $0x40, s19, s20, $0xb8;
	[tilespmem:$0x1EE40] =	vst v63  }
0x3d: {  	_ =	swait.ge [sflag:s17], $0x4000  }
0x3e: {  	[sflag:s17] =	ssyncset.done $0x0  }
0x3f: {  	s23 =	simm.s32 $0x400;
	[sflag:s17] =	ssyncadd.s32 $0xFFFFC000  }
0x40: {  	[tilespmem:s21], [sflag:$0x1] =	stream.indirect.gather [hbm4b:s4+s20], $0x40, s23, s20, $0xb8;
	[tilespmem:$0x1EE40] =	vst v63  }
0x41: {  	_ =	swait.ge [sflag:s28], $0x4000  }
0x42: {  	[sflag:s28] =	ssyncset.done $0x0  }
0x43: {  	s31 =	simm.s32 $0x2900;
	[sflag:s28] =	ssyncadd.s32 $0xFFFFC000  }
0x44: {  	[spmem:s2] =	stream.indirect.scatter.add.f32 [tilespmem:s22], [sflag:$0x5], $0x40, s31, s20, $0xb8;
	[tilespmem:$0x1EE40] =	vst v63  }
0x45: {  	_ =	swait.ge [sflag:s17], $0x4000  }
0x46: {  	[sflag:s17] =	ssyncset.done $0x0  }
0x47: {  	s18 =	simm.s32 $0x500;
	[sflag:s17] =	ssyncadd.s32 $0xFFFFC000  }
0x48: {  	[tilespmem:s22], [sflag:$0x2] =	stream.indirect.gather [hbm4b:s4+s20], $0x40, s18, s20, $0xb8;
	[tilespmem:$0x1EE40] =	vst v63  }
0x49: {  	_ =	swait.ge [sflag:s29], $0x4000  }
0x4a: {  	[sflag:s29] =	ssyncset.done $0x0  }
0x4b: {  	s19 =	simm.s32 $0x2A00;
	[sflag:s29] =	ssyncadd.s32 $0xFFFFC000  }
0x4c: {  	[spmem:s2] =	stream.indirect.scatter.add.f32 [tilespmem:s24], [sflag:$0x5], $0x40, s19, s20, $0xb8;
	[tilespmem:$0x1EE40] =	vst v63  }
0x4d: {  	_ =	swait.ge [sflag:s17], $0x4000  }
0x4e: {  	[sflag:s17] =	ssyncset.done $0x0  }
0x4f: {  	s23 =	simm.s32 $0x600;
	[sflag:s17] =	ssyncadd.s32 $0xFFFFC000  }
0x50: {  	[tilespmem:s24], [sflag:$0x3] =	stream.indirect.gather [hbm4b:s4+s20], $0x40, s23, s20, $0xb8;
	[tilespmem:$0x1EE40] =	vst v63  }
0x51: {  	_ =	swait.ge [sflag:s30], $0x4000  }
0x52: {  	[sflag:s30] =	ssyncset.done $0x0  }
0x53: {  	s31 =	simm.s32 $0x2B00;
	[sflag:s30] =	ssyncadd.s32 $0xFFFFC000  }
0x54: {  	[spmem:s2] =	stream.indirect.scatter.add.f32 [tilespmem:s25], [sflag:$0x5], $0x40, s31, s20, $0xb8;
	[tilespmem:$0x1EE40] =	vst v63  }
0x55: {  	_ =	swait.ge [sflag:s17], $0x4000  }
0x56: {  	s19 =	simm.s32 $0x400;
	s23 =	simm.s32 $0x2000;
	[sflag:s17] =	ssyncset.done $0x0  }
.LBB2_6:
0x57: {  	s31 =	sadd.s32 $0x300, s19  }
0x58: {  	[sflag:s17] =	ssyncadd.s32 $0xFFFFC000;
	s18 =	smov.u32 s23;
	s5 =	sadd.s32 $0x1000, s23  }
0x59: {  	[tilespmem:s25], [sflag:$0x4] =	stream.indirect.gather [hbm4b:s4+s20], $0x40, s31, s20, $0xb8;
	[tilespmem:$0x1EE40] =	vst v63  }
0x5a: {  	p3 =	sne.s32 s23, $0x8000;
	_ =	swait.ge [sflag:s26], $0x4000  }
0x5b: {  	[sflag:s26] =	ssyncset.done $0x0  }
0x5c: {  	s23 =	sadd.s32 $0x2800, s19;
	[sflag:s26] =	ssyncadd.s32 $0xFFFFC000  }
0x5d: {  	[spmem:s2] =	stream.indirect.scatter.add.f32 [tilespmem:s21], [sflag:$0x5], $0x40, s23, s20, $0xb8;
	[tilespmem:$0x1EE40] =	vst v63  }
0x5e: {  	_ =	swait.ge [sflag:s17], $0x4000  }
0x5f: {  	[sflag:s17] =	ssyncset.done $0x0  }
0x60: {  	s23 =	sadd.s32 $0x400, s19;
	[sflag:s17] =	ssyncadd.s32 $0xFFFFC000  }
0x61: {  	[tilespmem:s21], [sflag:$0x1] =	stream.indirect.gather [hbm4b:s4+s20], $0x40, s23, s20, $0xb8;
	[tilespmem:$0x1EE40] =	vst v63  }
0x62: {  	_ =	swait.ge [sflag:s28], $0x4000  }
0x63: {  	[sflag:s28] =	ssyncset.done $0x0  }
0x64: {  	s23 =	sadd.s32 $0x2900, s19;
	[sflag:s28] =	ssyncadd.s32 $0xFFFFC000  }
0x65: {  	[spmem:s2] =	stream.indirect.scatter.add.f32 [tilespmem:s22], [sflag:$0x5], $0x40, s23, s20, $0xb8;
	[tilespmem:$0x1EE40] =	vst v63  }
0x66: {  	_ =	swait.ge [sflag:s17], $0x4000  }
0x67: {  	[sflag:s17] =	ssyncset.done $0x0  }
0x68: {  	s23 =	sadd.s32 $0x500, s19;
	[sflag:s17] =	ssyncadd.s32 $0xFFFFC000  }
0x69: {  	[tilespmem:s22], [sflag:$0x2] =	stream.indirect.gather [hbm4b:s4+s20], $0x40, s23, s20, $0xb8;
	[tilespmem:$0x1EE40] =	vst v63  }
0x6a: {  	_ =	swait.ge [sflag:s29], $0x4000  }
0x6b: {  	[sflag:s29] =	ssyncset.done $0x0  }
0x6c: {  	s23 =	sadd.s32 $0x2A00, s19;
	[sflag:s29] =	ssyncadd.s32 $0xFFFFC000  }
0x6d: {  	[spmem:s2] =	stream.indirect.scatter.add.f32 [tilespmem:s24], [sflag:$0x5], $0x40, s23, s20, $0xb8;
	[tilespmem:$0x1EE40] =	vst v63  }
0x6e: {  	_ =	swait.ge [sflag:s17], $0x4000  }
0x6f: {  	[sflag:s17] =	ssyncset.done $0x0  }
0x70: {  	s23 =	sadd.s32 $0x600, s19;
	[sflag:s17] =	ssyncadd.s32 $0xFFFFC000  }
0x71: {  	[tilespmem:s24], [sflag:$0x3] =	stream.indirect.gather [hbm4b:s4+s20], $0x40, s23, s20, $0xb8;
	[tilespmem:$0x1EE40] =	vst v63  }
0x72: {  	_ =	swait.ge [sflag:s30], $0x4000  }
.Ltmp4:
0x73: {  	[sflag:s30] =	ssyncset.done $0x0;
	(pc) =	sbr.rel @p3 .LBB2_6-.Ltmp4, $4  }
0x74: {  	s19 =	sadd.s32 $0x2B00, s19;
	[sflag:s30] =	ssyncadd.s32 $0xFFFFC000  }
0x75: {  	[spmem:s2] =	stream.indirect.scatter.add.f32 [tilespmem:s25], [sflag:$0x5], $0x40, s19, s20, $0xb8;
	[tilespmem:$0x1EE40] =	vst v63  }
0x76: {  	_ =	swait.ge [sflag:s17], $0x4000  }
0x77: {  	s23 =	smov.u32 s5;
	s19 =	sshra.s32 s18, $0x2;
	[sflag:s17] =	ssyncset.done $0x0  }
0x78: {  	s5 =	sadd.s32 $0x300, s19;
	[sflag:s17] =	ssyncadd.s32 $0xFFFFC000  }
0x79: {  	[tilespmem:s25], [sflag:$0x4] =	stream.indirect.gather [hbm4b:s4+s20], $0x40, s5, s20, $0xb8;
	[tilespmem:$0x1EE40] =	vst v63  }
0x7a: {  	_ =	swait.ge [sflag:s26], $0x4000  }
0x7b: {  	[sflag:s26] =	ssyncset.done $0x0  }
0x7c: {  	s23 =	sadd.s32 $0x2800, s19;
	[sflag:s26] =	ssyncadd.s32 $0xFFFFC000  }
0x7d: {  	[spmem:s2] =	stream.indirect.scatter.add.f32 [tilespmem:s21], [sflag:$0x5], $0x40, s23, s20, $0xb8;
	[tilespmem:$0x1EE40] =	vst v63  }
0x7e: {  	_ =	swait.ge [sflag:s17], $0x4000  }
0x7f: {  	[sflag:s17] =	ssyncset.done $0x0  }
0x80: {  	s31 =	sadd.s32 $0x400, s19;
	[sflag:s17] =	ssyncadd.s32 $0xFFFFC000  }
0x81: {  	[tilespmem:s21], [sflag:$0x1] =	stream.indirect.gather [hbm4b:s4+s20], $0x40, s31, s20, $0xb8;
	[tilespmem:$0x1EE40] =	vst v63  }
0x82: {  	_ =	swait.ge [sflag:s28], $0x4000  }
0x83: {  	[sflag:s28] =	ssyncset.done $0x0  }
0x84: {  	s18 =	sadd.s32 $0x2900, s19;
	[sflag:s28] =	ssyncadd.s32 $0xFFFFC000  }
0x85: {  	[spmem:s2] =	stream.indirect.scatter.add.f32 [tilespmem:s22], [sflag:$0x5], $0x40, s18, s20, $0xb8;
	[tilespmem:$0x1EE40] =	vst v63  }
0x86: {  	_ =	swait.ge [sflag:s17], $0x4000  }
0x87: {  	[sflag:s17] =	ssyncset.done $0x0  }
0x88: {  	s23 =	sadd.s32 $0x500, s19;
	[sflag:s17] =	ssyncadd.s32 $0xFFFFC000  }
0x89: {  	[tilespmem:s22], [sflag:$0x2] =	stream.indirect.gather [hbm4b:s4+s20], $0x40, s23, s20, $0xb8;
	[tilespmem:$0x1EE40] =	vst v63  }
0x8a: {  	_ =	swait.ge [sflag:s29], $0x4000  }
0x8b: {  	[sflag:s29] =	ssyncset.done $0x0  }
0x8c: {  	s31 =	sadd.s32 $0x2A00, s19;
	[sflag:s29] =	ssyncadd.s32 $0xFFFFC000  }
0x8d: {  	[spmem:s2] =	stream.indirect.scatter.add.f32 [tilespmem:s24], [sflag:$0x5], $0x40, s31, s20, $0xb8;
	[tilespmem:$0x1EE40] =	vst v63  }
0x8e: {  	_ =	swait.ge [sflag:s17], $0x4000  }
0x8f: {  	[sflag:s17] =	ssyncset.done $0x0  }
0x90: {  	s18 =	sadd.s32 $0x600, s19;
	[sflag:s17] =	ssyncadd.s32 $0xFFFFC000  }
0x91: {  	[tilespmem:s24], [sflag:$0x3] =	stream.indirect.gather [hbm4b:s4+s20], $0x40, s18, s20, $0xb8;
	[tilespmem:$0x1EE40] =	vst v63  }
0x92: {  	_ =	swait.ge [sflag:s30], $0x4000  }
0x93: {  	[sflag:s30] =	ssyncset.done $0x0  }
0x94: {  	s19 =	sadd.s32 $0x2B00, s19;
	[sflag:s30] =	ssyncadd.s32 $0xFFFFC000  }
0x95: {  	[spmem:s2] =	stream.indirect.scatter.add.f32 [tilespmem:s25], [sflag:$0x5], $0x40, s19, s20, $0xb8;
	[tilespmem:$0x1EE40] =	vst v63  }
0x96: {  	_ =	swait.ge [sflag:s17], $0x4000  }
0x97: {  	[sflag:s17] =	ssyncset.done $0x0  }
0x98: {  	s23 =	simm.s32 $0x2700;
	[sflag:s17] =	ssyncadd.s32 $0xFFFFC000  }
0x99: {  	[tilespmem:s25], [sflag:$0x4] =	stream.indirect.gather [hbm4b:s4+s20], $0x40, s23, s20, $0xb8;
	[tilespmem:$0x1EE40] =	vst v63  }
0x9a: {  	_ =	swait.ge [sflag:s26], $0x4000  }
0x9b: {  	[sflag:s26] =	ssyncset.done $0x0  }
0x9c: {  	[sflag:s26] =	ssyncadd.s32 $0xFFFFC000  }
0x9d: {  	[spmem:s2] =	stream.indirect.scatter.add.f32 [tilespmem:s21], [sflag:$0x5], $0x40, s1, s20, $0xb8;
	[tilespmem:$0x1EE40] =	vst v63  }
0x9e: {  	_ =	swait.ge [sflag:s17], $0x4000  }
0x9f: {  	[sflag:s17] =	ssyncset.done $0x0  }
0xa0: {  	[sflag:s17] =	ssyncadd.s32 $0xFFFFC000  }
0xa1: {  	_ =	swait.ge [sflag:s28], $0x4000  }
0xa2: {  	[sflag:s28] =	ssyncset.done $0x0  }
0xa3: {  	[sflag:s28] =	ssyncadd.s32 $0xFFFFC000  }
0xa4: {  	[spmem:s2] =	stream.indirect.scatter.add.f32 [tilespmem:s22], [sflag:$0x5], $0x40, s0, s20, $0xb8;
	[tilespmem:$0x1EE40] =	vst v63  }
0xa5: {  	_ =	swait.ge [sflag:s17], $0x4000  }
0xa6: {  	[sflag:s17] =	ssyncset.done $0x0  }
0xa7: {  	[sflag:s17] =	ssyncadd.s32 $0xFFFFC000  }
0xa8: {  	_ =	swait.ge [sflag:s29], $0x4000  }
0xa9: {  	[sflag:s29] =	ssyncset.done $0x0  }
0xaa: {  	[sflag:s29] =	ssyncadd.s32 $0xFFFFC000  }
0xab: {  	[spmem:s2] =	stream.indirect.scatter.add.f32 [tilespmem:s24], [sflag:$0x5], $0x40, s7, s20, $0xb8;
	[tilespmem:$0x1EE40] =	vst v63  }
0xac: {  	_ =	swait.ge [sflag:s17], $0x4000  }
0xad: {  	[sflag:s17] =	ssyncset.done $0x0  }
0xae: {  	[sflag:s17] =	ssyncadd.s32 $0xFFFFC000  }
0xaf: {  	_ =	swait.ge [sflag:s30], $0x4000  }
0xb0: {  	[sflag:s30] =	ssyncset.done $0x0  }
0xb1: {  	[sflag:s30] =	ssyncadd.s32 $0xFFFFC000  }
0xb2: {  	[spmem:s2] =	stream.indirect.scatter.add.f32 [tilespmem:s25], [sflag:$0x5], $0x40, s9, s20, $0xb8;
	[tilespmem:$0x1EE40] =	vst v63  }
0xb3: {  	_ =	swait.ge [sflag:s17], $0x4000  }
0xb4: {  	[sflag:s17] =	ssyncset.done $0x0  }
0xb5: {  	[sflag:s17] =	ssyncadd.s32 $0xFFFFC000  }
0xb6: {  	s31 =	sadd.s32 s6, s12;
	s18 =	sor.u32 $0x1C05, s14;
	[bflag:$0x0] =	sbarrier.arrive $0xFFFF  }
0xb7: {  	[hbm:s31], [sflag:s18] =	dma.local [spmem:s16], $0x1380  }
0xb8: {  	_ =	swait.ge [sflag:s17], $0x1380  }
0xb9: {  	s3 =	sadd.s32 $0x1, s3;
	s5 =	sadd.s32 @!p2 $0x13800, s12;
	[sflag:s17] =	ssyncset.done $0x0  }
0xba: {  	p3 =	sne.s32 s3, s13;
	s19 =	sshrl.u32 @!p2 s8, $0x3;
	[sflag:s17] =	ssyncadd.s32 $0xFFFFEC80  }
0xbb: {  	[hbm:s5], [sflag:s18] =	dma.local @!p2 [spmem:s19], $0x80  }
.Ltmp5:
0xbc: {  	_ = 	snop;
	(pc) =	sbr.rel @p3 .LBB2_1-.Ltmp5, $4  }
0xbd: {  	s5 =	simm.s32 @!p2 $0x5  }
0xbe: {  	_ =	swait.ge @!p2 [sflag:s5], $0x80  }
0xbf: {  	[sflag:s5] =	ssyncset.done @!p2 $0x0  }
0xc0: {  	[sflag:s5] =	ssyncadd.s32 @!p2 $0xFFFFFF80  }
0xc1: {  	_ =	sfence.sel $0x180000  }
0xc2: {  	[bflag:$0x0] =	sbarrier.arrive $0xFFFF  }
0xc3: {  	_ =	strace $0x90000050  }
0xc4: {  	s0 =	stileid.u32;
	[bflag:$0x2] =	sbarrier.arrive $0xFFFF  }
0xc5: {  	p0 =	sne.s32 s0, $0x0;
	s0 =	rddreg [dreg:$0x2]  }
0xc6: {  	s0 =	sadd.s32 @!p0 $0x100000, s0  }
0xc7: {  	[sflag:s0] =	ssyncadd.tile.s32 @!p0 $0x1;
	_ =	shalt  }
.Lfunc_end2:
_tile_overlayer_lowered:
.L_overlay_start_2:
0xc8: {  	(tag) =	ssettag $0x2  }
0xc9: {  	s0 =	rddreg [dreg:$0x0];
	s2 =	stileid.u32  }
0xca: {  	s1 =	rddreg [dreg:$0x1];
	p0 =	sne.s32 s2, $0x0  }
0xcb: {  	s3 =	rddreg [dreg:$0x2];
	[bflag:$0x3] =	sbarrier.arrive $0xFFFF;
	s2 =	simm.s32 @!p0 $0x1C05  }
0xcc: {  	[timem:s3], [sflag:s2] =	dma.local @!p0 [hbm:s0], s1  }
0xcd: {  	s0 =	simm.s32 @!p0 $0x5  }
0xce: {  	_ =	swait.ge @!p0 [sflag:s0], s1  }
0xcf: {  	s1 =	ssub.s32 @!p0 $0x0, s1;
	[sflag:s0] =	ssyncset.done @!p0 $0x0  }
0xd0: {  	[sflag:s0] =	ssyncadd.s32 @!p0 s1  }
0xd1: {  	[bflag:$0x3] =	sbarrier.arrive $0xFFFF  }
0xd2: {  	_ =	shalt  }

</sc_bundles>
